<compile_context>
chip_gen: v7x
topology: tpu7x:2x2x1
jax: 0.10.2.dev20260603
libtpu: 0.0.44.dev20260713+nightly
codegen_flags: <defaults>
</compile_context>

<pallas_src>
import functools

import jax
import jax.numpy as jnp
from jax import lax
from jax.experimental import pallas as pl
from jax.experimental.pallas import tpu as pltpu
from jax.experimental.pallas import tpu_sc as plsc

B, P, S, K = 16, 2048, 256, 32
RADIUS = 0.15
R2 = RADIUS * RADIUS
NEG_INF = float("-inf")


FPS_G = 2
BG = B // FPS_G


def _fps_body(pxyz_ref, sel_ref):
    pxyz = pxyz_ref[...]
    iota_s = lax.broadcasted_iota(jnp.int32, (BG, S), 1)

    pgs = []
    for g in range(FPS_G):
        r = slice(g * BG, (g + 1) * BG)
        pg = jnp.concatenate(
            [pxyz[0:B][r], pxyz[B:2 * B][r], pxyz[2 * B:3 * B][r]], axis=0)
        pgs.append(pg)

    carry0 = tuple(
        (jnp.full((BG, P), jnp.inf, jnp.float32),
         jnp.zeros((BG, S), jnp.int32),
         pg[:, 0:1])
        for pg in pgs)

    def body(i, carry):
        out = []
        for g in range(FPS_G):
            dist, sel, l = carry[g]
            pg = pgs[g]
            lx = l[0:BG]
            ly = l[BG:2 * BG]
            lz = l[2 * BG:3 * BG]
            dx = pg[0:BG] - lx
            dy = pg[BG:2 * BG] - ly
            dz = pg[2 * BG:3 * BG] - lz
            d = (dx * dx + dy * dy) + dz * dz
            dist = jnp.minimum(dist, d)
            nxt = jnp.argmax(dist, axis=1).astype(jnp.int32)[:, None]
            nxt3 = jnp.concatenate([nxt, nxt, nxt], axis=0)
            tile = nxt3 // 128
            pos = nxt3 % 128
            acc = jnp.zeros((3 * BG, 128), jnp.float32)
            for t in range(P // 128):
                acc = acc + jnp.where(tile == t, pg[:, t * 128:(t + 1) * 128],
                                      0.0)
            l = jnp.take_along_axis(acc, pos, axis=1)
            sel = jnp.where(iota_s == i, nxt, sel)
            out.append((dist, sel, l))
        return tuple(out)

    fin = lax.fori_loop(1, S, body, carry0, unroll=2)
    sel_ref[...] = jnp.concatenate([fin[g][1] for g in range(FPS_G)], axis=0)


def _run_fps(pxyz):
    return pl.pallas_call(
        _fps_body,
        out_shape=jax.ShapeDtypeStruct((B, S), jnp.int32),
    )(pxyz)


NWORK = 32
CPW = (B * S) // NWORK
CAND = 2064


def _sc_body(pxyz, batch, sel,
             relx_o, rely_o, relz_o, fpx_o, fpy_o, fpz_o, fpsb_o,
             px_v, py_v, pz_v, bat_v, cx_v, cy_v, cz_v, sel_v,
             cd2_v, cix_v, pick_v, rx_v, ry_v, rz_v, fpsb_v):
    wid = lax.axis_index("s") * 2 + lax.axis_index("c")
    b = wid // 2
    half = wid % 2

    pltpu.sync_copy(pxyz.at[b], px_v)
    pltpu.sync_copy(pxyz.at[B + b], py_v)
    pltpu.sync_copy(pxyz.at[2 * B + b], pz_v)
    pltpu.sync_copy(batch.at[pl.ds(b * P, P)], bat_v)
    pltpu.sync_copy(sel.at[b, pl.ds(half * CPW, CPW)], sel_v)

    lane = lax.iota(jnp.int32, 16)

    for j in range(CPW // 16):
        sv = sel_v[pl.ds(j * 16, 16)]
        cx_v[pl.ds(j * 16, 16)] = plsc.load_gather(px_v, [sv])
        cy_v[pl.ds(j * 16, 16)] = plsc.load_gather(py_v, [sv])
        cz_v[pl.ds(j * 16, 16)] = plsc.load_gather(pz_v, [sv])
        fpsb_v[pl.ds(j * 16, 16)] = plsc.load_gather(bat_v, [sv])

    inf16 = jnp.full((16,), jnp.inf, jnp.float32)

    def center_body(i, _):
        spl_i = jnp.full((16,), 0, jnp.int32) + i
        cxs = plsc.load_gather(cx_v, [spl_i])
        cys = plsc.load_gather(cy_v, [spl_i])
        czs = plsc.load_gather(cz_v, [spl_i])
        ctr_idx = plsc.load_gather(sel_v, [spl_i])

        for j in range(8):
            cd2_v[pl.ds(j * 16, 16)] = inf16
        for j in range(3):
            pick_v[pl.ds(j * 16, 16)] = ctr_idx

        @plsc.parallel_loop(0, P // 16, unroll=4,
                            carry=jnp.zeros((16,), jnp.int32))
        def scan_body(j, cnt_vec):
            off = j * 16
            pxv = px_v[pl.ds(off, 16)]
            pyv = py_v[pl.ds(off, 16)]
            pzv = pz_v[pl.ds(off, 16)]
            dx = pxv - cxs
            dy = pyv - cys
            dz = pzv - czs
            d2 = (dx * dx + dy * dy) + dz * dz
            m = d2 <= R2
            mi = m.astype(jnp.int32)
            tgt = cnt_vec + plsc.cumsum(mi) - mi
            plsc.store_scatter(cd2_v, [tgt], d2, mask=m)
            plsc.store_scatter(cix_v, [tgt], lane + off, mask=m)
            return cnt_vec + plsc.all_reduce_population_count(m)

        cnt = scan_body[0]

        def run_bisect(_):
            def bis_body(_, lohi):
                lo, hi = lohi
                mid = (lo + hi) * 0.5
                acc = jnp.zeros((16,), jnp.int32)
                for j in range(8):
                    v = cd2_v[pl.ds(j * 16, 16)]
                    acc = acc + plsc.all_reduce_population_count(v <= mid)
                ge = acc >= K
                return (jnp.where(ge, lo, mid), jnp.where(ge, mid, hi))

            lohi0 = (jnp.zeros((16,), jnp.float32),
                     jnp.full((16,), R2, jnp.float32))
            _, hi = lax.fori_loop(0, 26, bis_body, lohi0)
            return hi

        t = lax.cond(cnt > K, run_bisect,
                     lambda _: jnp.full((16,), R2, jnp.float32), operand=None)

        c2_vec = jnp.zeros((16,), jnp.int32)
        for j in range(8):
            v = cd2_v[pl.ds(j * 16, 16)]
            ix = cix_v[pl.ds(j * 16, 16)]
            m = v <= t
            mi = m.astype(jnp.int32)
            tgt = c2_vec + plsc.cumsum(mi) - mi
            plsc.store_scatter(pick_v, [tgt], ix, mask=m)
            c2_vec = c2_vec + plsc.all_reduce_population_count(m)

        rad = jnp.float32(RADIUS)
        for hk in range(2):
            idx = pick_v[pl.ds(hk * 16, 16)]
            off = i * K + hk * 16
            rx_v[pl.ds(off, 16)] = (plsc.load_gather(px_v, [idx]) - cxs) / rad
            ry_v[pl.ds(off, 16)] = (plsc.load_gather(py_v, [idx]) - cys) / rad
            rz_v[pl.ds(off, 16)] = (plsc.load_gather(pz_v, [idx]) - czs) / rad
        return 0

    lax.fori_loop(0, CPW, center_body, 0)

    base = wid * CPW
    pltpu.sync_copy(rx_v, relx_o.at[pl.ds(base * K, CPW * K)])
    pltpu.sync_copy(ry_v, rely_o.at[pl.ds(base * K, CPW * K)])
    pltpu.sync_copy(rz_v, relz_o.at[pl.ds(base * K, CPW * K)])
    pltpu.sync_copy(cx_v, fpx_o.at[pl.ds(base, CPW)])
    pltpu.sync_copy(cy_v, fpy_o.at[pl.ds(base, CPW)])
    pltpu.sync_copy(cz_v, fpz_o.at[pl.ds(base, CPW)])
    pltpu.sync_copy(fpsb_v, fpsb_o.at[pl.ds(base, CPW)])


def _run_sc(pxyz, batch, sel):
    mesh = plsc.VectorSubcoreMesh(core_axis_name="c", subcore_axis_name="s")
    f32 = jnp.float32
    i32 = jnp.int32
    kfn = pl.kernel(
        _sc_body,
        mesh=mesh,
        compiler_params=pltpu.CompilerParams(needs_layout_passes=False),
        out_type=(
            jax.ShapeDtypeStruct((B * S * K,), f32),
            jax.ShapeDtypeStruct((B * S * K,), f32),
            jax.ShapeDtypeStruct((B * S * K,), f32),
            jax.ShapeDtypeStruct((B * S,), f32),
            jax.ShapeDtypeStruct((B * S,), f32),
            jax.ShapeDtypeStruct((B * S,), f32),
            jax.ShapeDtypeStruct((B * S,), i32),
        ),
        scratch_types=[
            pltpu.VMEM((P,), f32),
            pltpu.VMEM((P,), f32),
            pltpu.VMEM((P,), f32),
            pltpu.VMEM((P,), i32),
            pltpu.VMEM((CPW,), f32),
            pltpu.VMEM((CPW,), f32),
            pltpu.VMEM((CPW,), f32),
            pltpu.VMEM((CPW,), i32),
            pltpu.VMEM((CAND,), f32),
            pltpu.VMEM((CAND,), i32),
            pltpu.VMEM((CAND,), i32),
            pltpu.VMEM((CPW * K,), f32),
            pltpu.VMEM((CPW * K,), f32),
            pltpu.VMEM((CPW * K,), f32),
            pltpu.VMEM((CPW,), i32),
        ],
    )
    return kfn(pxyz, batch, sel)


CH = 256
GRID = (B * S) // CH


def _mlp_body(rel4_ref,
              w1_ref, b1_ref, w2_ref, b2_ref, w3_ref, b3_ref,
              wg1_ref, bg1_ref, wg2_ref, bg2_ref, wg3_ref, bg3_ref,
              out_ref):
    h = jnp.dot(rel4_ref[...], w1_ref[...],
                preferred_element_type=jnp.float32) + b1_ref[...]
    h = jnp.maximum(h, 0.0)
    h = jnp.dot(h, w2_ref[...], preferred_element_type=jnp.float32) + b2_ref[...]
    h = jnp.maximum(h, 0.0)
    h = jnp.dot(h, w3_ref[...], preferred_element_type=jnp.float32) + b3_ref[...]
    h = jnp.maximum(h, 0.0)

    pooled = jnp.max(h.reshape(CH, K, 128), axis=1)

    g = jnp.dot(pooled, wg1_ref[...], preferred_element_type=jnp.float32) + bg1_ref[...]
    g = jnp.maximum(g, 0.0)
    g = jnp.dot(g, wg2_ref[...], preferred_element_type=jnp.float32) + bg2_ref[...]
    g = jnp.maximum(g, 0.0)
    g = jnp.dot(g, wg3_ref[...], preferred_element_type=jnp.float32) + bg3_ref[...]
    g = jnp.maximum(g, 0.0)
    out_ref[...] = g


def _run_mlp(rel4, w1p, b1, w2t, b2, w3t, b3,
             wg1t, bg1, wg2t, bg2, wg3t, bg3):
    N = B * S
    full = lambda shape: pl.BlockSpec(shape, lambda g: (0,) * len(shape))
    return pl.pallas_call(
        _mlp_body,
        grid=(GRID,),
        in_specs=[
            pl.BlockSpec((CH * K, 4), lambda g: (g, 0)),
            full((4, 64)), full((1, 64)),
            full((64, 64)), full((1, 64)),
            full((64, 128)), full((1, 128)),
            full((128, 128)), full((1, 128)),
            full((128, 256)), full((1, 256)),
            full((256, 256)), full((1, 256)),
        ],
        out_specs=pl.BlockSpec((CH, 256), lambda g: (g, 0)),
        out_shape=jax.ShapeDtypeStruct((N, 256), jnp.float32),
    )(rel4, w1p, b1, w2t, b2, w3t, b3,
      wg1t, bg1, wg2t, bg2, wg3t, bg3)


def kernel(points, batch, W1, b1, W2, b2, W3, b3, Wg1, bg1, Wg2, bg2, Wg3, bg3):
    pts = points.reshape(B, P, 3)
    pxyz = jnp.concatenate(
        [pts[:, :, 0], pts[:, :, 1], pts[:, :, 2]], axis=0)

    sel = _run_fps(pxyz)

    relx, rely, relz, fpx, fpy, fpz, fpsb = _run_sc(pxyz, batch, sel)

    E = B * S * K
    rel4 = jnp.concatenate(
        [relx.reshape(E, 1), rely.reshape(E, 1), relz.reshape(E, 1),
         jnp.zeros((E, 1), jnp.float32)], axis=1)
    w1p = jnp.concatenate([W1.T, jnp.zeros((1, 64), jnp.float32)], axis=0)

    g = _run_mlp(rel4,
                 w1p, b1.reshape(1, -1), W2.T, b2.reshape(1, -1),
                 W3.T, b3.reshape(1, -1), Wg1.T, bg1.reshape(1, -1),
                 Wg2.T, bg2.reshape(1, -1), Wg3.T, bg3.reshape(1, -1))

    fps_pts = jnp.stack([fpx, fpy, fpz], axis=-1)
    return fps_pts, g, fpsb.reshape(B * S)

# --- scband reference (transcript-rebuilt; emitter-appended) ---
"""Pipeline reference for scband-outside-encoder-43456479101830 (READ-ONLY COPY).

The authoritative reference and input builder live on the scoring server;
editing this copy changes nothing except your own understanding.
"""

import jax, jax.numpy as jnp
import numpy as np

B, P, S, K = 16, 2048, 256, 32
RADIUS = 0.15  # nb_neighbors = 8 -> ratio 1/8 -> S = P // 8


def _fps(pts):
    # batched farthest point sampling, deterministic start at index 0
    def body(i, state):
        dist, sel, last = state
        d = jnp.sum((pts - last[:, None, :]) ** 2, axis=-1)
        dist = jnp.minimum(dist, d)
        nxt = jnp.argmax(dist, axis=1).astype(jnp.int32)
        sel = sel.at[:, i].set(nxt)
        last = jnp.take_along_axis(pts, nxt[:, None, None], axis=1)[:, 0, :]
        return (dist, sel, last)
    dist0 = jnp.full((B, P), jnp.inf, dtype=pts.dtype)
    sel0 = jnp.zeros((B, S), dtype=jnp.int32)
    last0 = pts[:, 0, :]
    _, sel, _ = jax.lax.fori_loop(1, S, body, (dist0, sel0, last0))
    return sel


def _linear(x, Wt, b):
    return x @ Wt.T + b


def _forward(points, batch, params):
    (W1, b1, W2, b2, W3, b3, Wg1, bg1, Wg2, bg2, Wg3, bg3) = params
    pts = points.reshape(B, P, 3)
    fps_idx = _fps(jax.lax.stop_gradient(pts))  # [B, S]
    fps_pts = jnp.take_along_axis(pts, fps_idx[:, :, None], axis=1)  # [B, S, 3]
    # radius neighbor search: up to K nearest neighbors within RADIUS
    d2 = jnp.sum((fps_pts[:, :, None, :] - pts[:, None, :, :]) ** 2, axis=-1)  # [B, S, P]
    neg = jnp.where(d2 <= RADIUS * RADIUS, -d2, -jnp.inf)
    vals, nbr = jax.lax.top_k(neg, K)  # [B, S, K]
    valid = vals > -jnp.inf
    nbr_pts = jnp.take_along_axis(pts[:, None, :, :], nbr[:, :, :, None], axis=2)  # [B, S, K, 3]
    rel = (nbr_pts - fps_pts[:, :, None, :]) / RADIUS
    h = jax.nn.relu(_linear(rel, W1, b1))
    h = jax.nn.relu(_linear(h, W2, b2))
    h = jax.nn.relu(_linear(h, W3, b3))
    h = jnp.where(valid[:, :, :, None], h, -jnp.inf)
    pooled = jnp.max(h, axis=2)  # global_max_pool over each radius cluster
    g = jax.nn.relu(_linear(pooled, Wg1, bg1))
    g = jax.nn.relu(_linear(g, Wg2, bg2))
    g = jax.nn.relu(_linear(g, Wg3, bg3))
    fps_batch = jnp.take_along_axis(batch.reshape(B, P), fps_idx, axis=1)
    return fps_pts.reshape(-1, 3), g.reshape(-1, 256), fps_batch.reshape(-1)


def setup_inputs(seed: int = 0):
    key = jax.random.key(seed)
    ks = jax.random.split(key, 8)
    points = jax.random.uniform(ks[0], (B * P, 3), dtype=jnp.float32)
    batch = jnp.repeat(jnp.arange(B, dtype=jnp.int32), P)

    def lin(k, fin, fout):
        kw, _ = jax.random.split(k)
        return (jax.random.normal(kw, (fout, fin), jnp.float32) / np.sqrt(fin),
                jnp.zeros((fout,), jnp.float32))
    W1, b1 = lin(ks[1], 3, 64)
    W2, b2 = lin(ks[2], 64, 64)
    W3, b3 = lin(ks[3], 64, 128)
    Wg1, bg1 = lin(ks[4], 128, 128)
    Wg2, bg2 = lin(ks[5], 128, 256)
    Wg3, bg3 = lin(ks[6], 256, 256)
    return {'points': points, 'batch': batch,
            'W1': W1, 'b1': b1, 'W2': W2, 'b2': b2, 'W3': W3, 'b3': b3,
            'Wg1': Wg1, 'bg1': bg1, 'Wg2': Wg2, 'bg2': bg2, 'Wg3': Wg3, 'bg3': bg3}


def reference(points, batch, W1, b1, W2, b2, W3, b3, Wg1, bg1, Wg2, bg2, Wg3, bg3):
    return _forward(points, batch, (W1, b1, W2, b2, W3, b3, Wg1, bg1, Wg2, bg2, Wg3, bg3))

if __name__ == "__main__":
    import jax
    _d = setup_inputs()
    print(jax.jit(kernel)(*tuple(_d.values())))

</pallas_src>

<mosaic_0001>
#map = affine_map<(d0, d1) -> (0, 0)>
#map1 = affine_map<(d0, d1) -> (0)>
module attributes {stable_mosaic.version = 14 : i64} {
  func.func @_sc_body(%arg0: i32, %arg1: i32, %arg2: memref<48x2048xf32, #tpu.memory_space<hbm>>, %arg3: memref<32768xi32, #tpu.memory_space<hbm>>, %arg4: memref<16x256xi32, #tpu.memory_space<hbm>>, %arg5: memref<131072xf32, #tpu.memory_space<hbm>>, %arg6: memref<131072xf32, #tpu.memory_space<hbm>>, %arg7: memref<131072xf32, #tpu.memory_space<hbm>>, %arg8: memref<4096xf32, #tpu.memory_space<hbm>>, %arg9: memref<4096xf32, #tpu.memory_space<hbm>>, %arg10: memref<4096xf32, #tpu.memory_space<hbm>>, %arg11: memref<4096xi32, #tpu.memory_space<hbm>>, %arg12: memref<2048xf32, #tpu.memory_space<vmem>>, %arg13: memref<2048xf32, #tpu.memory_space<vmem>>, %arg14: memref<2048xf32, #tpu.memory_space<vmem>>, %arg15: memref<2048xi32, #tpu.memory_space<vmem>>, %arg16: memref<128xf32, #tpu.memory_space<vmem>>, %arg17: memref<128xf32, #tpu.memory_space<vmem>>, %arg18: memref<128xf32, #tpu.memory_space<vmem>>, %arg19: memref<128xi32, #tpu.memory_space<vmem>>, %arg20: memref<2064xf32, #tpu.memory_space<vmem>>, %arg21: memref<2064xi32, #tpu.memory_space<vmem>>, %arg22: memref<2064xi32, #tpu.memory_space<vmem>>, %arg23: memref<4096xf32, #tpu.memory_space<vmem>>, %arg24: memref<4096xf32, #tpu.memory_space<vmem>>, %arg25: memref<4096xf32, #tpu.memory_space<vmem>>, %arg26: memref<128xi32, #tpu.memory_space<vmem>>) attributes {dimension_semantics = [#tpu.dimension_semantics<core_parallel>, #tpu.dimension_semantics<subcore_parallel>], iteration_bounds = array<i64: 2, 16>, scalar_prefetch = 0 : i64, scratch_operands = 15 : i64, tpu.core_type = #tpu.core_type<sc_vector_subcore>, window_params = [{transform_indices = #map}, {transform_indices = #map1}, {transform_indices = #map}, {transform_indices = #map1}, {transform_indices = #map1}, {transform_indices = #map1}, {transform_indices = #map1}, {transform_indices = #map1}, {transform_indices = #map1}, {transform_indices = #map1}]} {
    %mul3A = arith.constant 2 : i32
    %mul3A_0 = arith.muli %arg1, %mul3A : i32
    %add3A = arith.addi %mul3A_0, %arg0 : i32
    %jit3A = arith.constant 2 : i32
    %div3A = arith.divsi %add3A, %jit3A : i32
    %sign3A = arith.constant 0 : i32
    %sign3A_1 = arith.cmpi sgt, %add3A, %sign3A : i32
    %sign3A_2 = arith.extui %sign3A_1 : i1 to i32
    %sign3A_3 = arith.constant 0 : i32
    %sign3A_4 = arith.cmpi slt, %add3A, %sign3A_3 : i32
    %sign3A_5 = arith.extui %sign3A_4 : i1 to i32
    %sign3A_6 = arith.subi %sign3A_2, %sign3A_5 : i32
    %sign3A_7 = arith.constant 0 : i32
    %sign3A_8 = arith.cmpi sgt, %jit3A, %sign3A_7 : i32
    %sign3A_9 = arith.extui %sign3A_8 : i1 to i32
    %sign3A_10 = arith.constant 0 : i32
    %sign3A_11 = arith.cmpi slt, %jit3A, %sign3A_10 : i32
    %sign3A_12 = arith.extui %sign3A_11 : i1 to i32
    %sign3A_13 = arith.subi %sign3A_9, %sign3A_12 : i32
    %ne3A = arith.cmpi ne, %sign3A_6, %sign3A_13 : i32
    %rem3A = arith.remsi %add3A, %jit3A : i32
    %ne3A_14 = arith.constant 0 : i32
    %ne3A_15 = arith.cmpi ne, %rem3A, %ne3A_14 : i32
    %and3A = arith.andi %ne3A, %ne3A_15 : i1
    %sub3A = arith.constant 1 : i32
    %sub3A_16 = arith.subi %div3A, %sub3A : i32
    %select_n3A = arith.select %and3A, %sub3A_16, %div3A : i32
    %jit3A_17 = arith.constant 2 : i32
    %eq3A = arith.constant 0 : i32
    %eq3A_18 = arith.cmpi eq, %jit3A_17, %eq3A : i32
    %jit3A_19 = arith.constant 1 : i32
    %select_n3A_20 = arith.select %eq3A_18, %jit3A_19, %jit3A_17 : i32
    %rem3A_21 = arith.remsi %add3A, %select_n3A_20 : i32
    %ne3A_22 = arith.constant 0 : i32
    %ne3A_23 = arith.cmpi ne, %rem3A_21, %ne3A_22 : i32
    %lt3A = arith.constant 0 : i32
    %lt3A_24 = arith.cmpi slt, %rem3A_21, %lt3A : i32
    %lt3A_25 = arith.constant 0 : i32
    %lt3A_26 = arith.cmpi slt, %select_n3A_20, %lt3A_25 : i32
    %ne3A_27 = arith.xori %lt3A_24, %lt3A_26 : i1
    %and3A_28 = arith.andi %ne3A_27, %ne3A_23 : i1
    %add3A_29 = arith.addi %rem3A_21, %select_n3A_20 : i32
    %select_n3A_30 = arith.select %and3A_28, %add3A_29, %rem3A_21 : i32
    "tpu.region"() ({
      %run_scoped3A = tpu.sem_alloc : memref<!tpu.dma_semaphore, #tpu.memory_space<semaphore_mem>>
      %dma_start3A = arith.constant 0 : i32
      %dma_start3A_163 = tpu.memref_slice %arg2[%select_n3A, %dma_start3A] : memref<48x2048xf32, #tpu.memory_space<hbm>> -> memref<1x2048xf32, #tpu.memory_space<hbm>>
      %dma_start3A_164 = tpu.memref_squeeze %dma_start3A_163 : memref<1x2048xf32, #tpu.memory_space<hbm>> -> memref<2048xf32, #tpu.memory_space<hbm>>
      %dma_start3A_165 = arith.constant 0 : i32
      %dma_start3A_166 = tpu.memref_slice %arg2[%select_n3A, %dma_start3A_165] : memref<48x2048xf32, #tpu.memory_space<hbm>> -> memref<1x2048xf32, #tpu.memory_space<hbm>>
      %dma_start3A_167 = tpu.memref_squeeze %dma_start3A_166 : memref<1x2048xf32, #tpu.memory_space<hbm>> -> memref<2048xf32, #tpu.memory_space<hbm>>
      tpu.enqueue_dma source(%dma_start3A_167 : memref<2048xf32, #tpu.memory_space<hbm>>) target(%arg12 : memref<2048xf32, #tpu.memory_space<vmem>>) target_semaphore(%run_scoped3A : memref<!tpu.dma_semaphore, #tpu.memory_space<semaphore_mem>>)
      %dma_wait3A = arith.constant 0 : i32
      %dma_wait3A_168 = tpu.memref_slice %arg2[%select_n3A, %dma_wait3A] : memref<48x2048xf32, #tpu.memory_space<hbm>> -> memref<1x2048xf32, #tpu.memory_space<hbm>>
      %dma_wait3A_169 = tpu.memref_squeeze %dma_wait3A_168 : memref<1x2048xf32, #tpu.memory_space<hbm>> -> memref<2048xf32, #tpu.memory_space<hbm>>
      %dma_wait3A_170 = arith.constant 0 : i32
      %dma_wait3A_171 = tpu.memref_slice %arg2[%select_n3A, %dma_wait3A_170] : memref<48x2048xf32, #tpu.memory_space<hbm>> -> memref<1x2048xf32, #tpu.memory_space<hbm>>
      %dma_wait3A_172 = tpu.memref_squeeze %dma_wait3A_171 : memref<1x2048xf32, #tpu.memory_space<hbm>> -> memref<2048xf32, #tpu.memory_space<hbm>>
      tpu.wait_dma2 semaphore(%run_scoped3A : memref<!tpu.dma_semaphore, #tpu.memory_space<semaphore_mem>>) src(%dma_wait3A_172 : memref<2048xf32, #tpu.memory_space<hbm>>) dst(%arg12 : memref<2048xf32, #tpu.memory_space<vmem>>)
      tpu.yield
    }) : () -> ()
    %add3A_31 = arith.constant 16 : i32
    %add3A_32 = arith.addi %add3A_31, %select_n3A : i32
    "tpu.region"() ({
      %run_scoped3A = tpu.sem_alloc : memref<!tpu.dma_semaphore, #tpu.memory_space<semaphore_mem>>
      %dma_start3A = arith.constant 0 : i32
      %dma_start3A_163 = tpu.memref_slice %arg2[%add3A_32, %dma_start3A] : memref<48x2048xf32, #tpu.memory_space<hbm>> -> memref<1x2048xf32, #tpu.memory_space<hbm>>
      %dma_start3A_164 = tpu.memref_squeeze %dma_start3A_163 : memref<1x2048xf32, #tpu.memory_space<hbm>> -> memref<2048xf32, #tpu.memory_space<hbm>>
      %dma_start3A_165 = arith.constant 0 : i32
      %dma_start3A_166 = tpu.memref_slice %arg2[%add3A_32, %dma_start3A_165] : memref<48x2048xf32, #tpu.memory_space<hbm>> -> memref<1x2048xf32, #tpu.memory_space<hbm>>
      %dma_start3A_167 = tpu.memref_squeeze %dma_start3A_166 : memref<1x2048xf32, #tpu.memory_space<hbm>> -> memref<2048xf32, #tpu.memory_space<hbm>>
      tpu.enqueue_dma source(%dma_start3A_167 : memref<2048xf32, #tpu.memory_space<hbm>>) target(%arg13 : memref<2048xf32, #tpu.memory_space<vmem>>) target_semaphore(%run_scoped3A : memref<!tpu.dma_semaphore, #tpu.memory_space<semaphore_mem>>)
      %dma_wait3A = arith.constant 0 : i32
      %dma_wait3A_168 = tpu.memref_slice %arg2[%add3A_32, %dma_wait3A] : memref<48x2048xf32, #tpu.memory_space<hbm>> -> memref<1x2048xf32, #tpu.memory_space<hbm>>
      %dma_wait3A_169 = tpu.memref_squeeze %dma_wait3A_168 : memref<1x2048xf32, #tpu.memory_space<hbm>> -> memref<2048xf32, #tpu.memory_space<hbm>>
      %dma_wait3A_170 = arith.constant 0 : i32
      %dma_wait3A_171 = tpu.memref_slice %arg2[%add3A_32, %dma_wait3A_170] : memref<48x2048xf32, #tpu.memory_space<hbm>> -> memref<1x2048xf32, #tpu.memory_space<hbm>>
      %dma_wait3A_172 = tpu.memref_squeeze %dma_wait3A_171 : memref<1x2048xf32, #tpu.memory_space<hbm>> -> memref<2048xf32, #tpu.memory_space<hbm>>
      tpu.wait_dma2 semaphore(%run_scoped3A : memref<!tpu.dma_semaphore, #tpu.memory_space<semaphore_mem>>) src(%dma_wait3A_172 : memref<2048xf32, #tpu.memory_space<hbm>>) dst(%arg13 : memref<2048xf32, #tpu.memory_space<vmem>>)
      tpu.yield
    }) : () -> ()
    %add3A_33 = arith.constant 32 : i32
    %add3A_34 = arith.addi %add3A_33, %select_n3A : i32
    "tpu.region"() ({
      %run_scoped3A = tpu.sem_alloc : memref<!tpu.dma_semaphore, #tpu.memory_space<semaphore_mem>>
      %dma_start3A = arith.constant 0 : i32
      %dma_start3A_163 = tpu.memref_slice %arg2[%add3A_34, %dma_start3A] : memref<48x2048xf32, #tpu.memory_space<hbm>> -> memref<1x2048xf32, #tpu.memory_space<hbm>>
      %dma_start3A_164 = tpu.memref_squeeze %dma_start3A_163 : memref<1x2048xf32, #tpu.memory_space<hbm>> -> memref<2048xf32, #tpu.memory_space<hbm>>
      %dma_start3A_165 = arith.constant 0 : i32
      %dma_start3A_166 = tpu.memref_slice %arg2[%add3A_34, %dma_start3A_165] : memref<48x2048xf32, #tpu.memory_space<hbm>> -> memref<1x2048xf32, #tpu.memory_space<hbm>>
      %dma_start3A_167 = tpu.memref_squeeze %dma_start3A_166 : memref<1x2048xf32, #tpu.memory_space<hbm>> -> memref<2048xf32, #tpu.memory_space<hbm>>
      tpu.enqueue_dma source(%dma_start3A_167 : memref<2048xf32, #tpu.memory_space<hbm>>) target(%arg14 : memref<2048xf32, #tpu.memory_space<vmem>>) target_semaphore(%run_scoped3A : memref<!tpu.dma_semaphore, #tpu.memory_space<semaphore_mem>>)
      %dma_wait3A = arith.constant 0 : i32
      %dma_wait3A_168 = tpu.memref_slice %arg2[%add3A_34, %dma_wait3A] : memref<48x2048xf32, #tpu.memory_space<hbm>> -> memref<1x2048xf32, #tpu.memory_space<hbm>>
      %dma_wait3A_169 = tpu.memref_squeeze %dma_wait3A_168 : memref<1x2048xf32, #tpu.memory_space<hbm>> -> memref<2048xf32, #tpu.memory_space<hbm>>
      %dma_wait3A_170 = arith.constant 0 : i32
      %dma_wait3A_171 = tpu.memref_slice %arg2[%add3A_34, %dma_wait3A_170] : memref<48x2048xf32, #tpu.memory_space<hbm>> -> memref<1x2048xf32, #tpu.memory_space<hbm>>
      %dma_wait3A_172 = tpu.memref_squeeze %dma_wait3A_171 : memref<1x2048xf32, #tpu.memory_space<hbm>> -> memref<2048xf32, #tpu.memory_space<hbm>>
      tpu.wait_dma2 semaphore(%run_scoped3A : memref<!tpu.dma_semaphore, #tpu.memory_space<semaphore_mem>>) src(%dma_wait3A_172 : memref<2048xf32, #tpu.memory_space<hbm>>) dst(%arg14 : memref<2048xf32, #tpu.memory_space<vmem>>)
      tpu.yield
    }) : () -> ()
    %mul3A_35 = arith.constant 2048 : i32
    %mul3A_36 = arith.muli %select_n3A, %mul3A_35 : i32
    "tpu.region"() ({
      %run_scoped3A = tpu.sem_alloc : memref<!tpu.dma_semaphore, #tpu.memory_space<semaphore_mem>>
      %dma_start3A = tpu.memref_slice %arg3[%mul3A_36] : memref<32768xi32, #tpu.memory_space<hbm>> -> memref<2048xi32, #tpu.memory_space<hbm>>
      %dma_start3A_163 = tpu.memref_slice %arg3[%mul3A_36] : memref<32768xi32, #tpu.memory_space<hbm>> -> memref<2048xi32, #tpu.memory_space<hbm>>
      tpu.enqueue_dma source(%dma_start3A_163 : memref<2048xi32, #tpu.memory_space<hbm>>) target(%arg15 : memref<2048xi32, #tpu.memory_space<vmem>>) target_semaphore(%run_scoped3A : memref<!tpu.dma_semaphore, #tpu.memory_space<semaphore_mem>>)
      %dma_wait3A = tpu.memref_slice %arg3[%mul3A_36] : memref<32768xi32, #tpu.memory_space<hbm>> -> memref<2048xi32, #tpu.memory_space<hbm>>
      %dma_wait3A_164 = tpu.memref_slice %arg3[%mul3A_36] : memref<32768xi32, #tpu.memory_space<hbm>> -> memref<2048xi32, #tpu.memory_space<hbm>>
      tpu.wait_dma2 semaphore(%run_scoped3A : memref<!tpu.dma_semaphore, #tpu.memory_space<semaphore_mem>>) src(%dma_wait3A_164 : memref<2048xi32, #tpu.memory_space<hbm>>) dst(%arg15 : memref<2048xi32, #tpu.memory_space<vmem>>)
      tpu.yield
    }) : () -> ()
    %mul3A_37 = arith.constant 128 : i32
    %mul3A_38 = arith.muli %select_n3A_30, %mul3A_37 : i32
    "tpu.region"() ({
      %run_scoped3A = tpu.sem_alloc : memref<!tpu.dma_semaphore, #tpu.memory_space<semaphore_mem>>
      %dma_start3A = tpu.memref_slice %arg4[%select_n3A, %mul3A_38] : memref<16x256xi32, #tpu.memory_space<hbm>> -> memref<1x128xi32, #tpu.memory_space<hbm>>
      %dma_start3A_163 = tpu.memref_squeeze %dma_start3A : memref<1x128xi32, #tpu.memory_space<hbm>> -> memref<128xi32, #tpu.memory_space<hbm>>
      %dma_start3A_164 = tpu.memref_slice %arg4[%select_n3A, %mul3A_38] : memref<16x256xi32, #tpu.memory_space<hbm>> -> memref<1x128xi32, #tpu.memory_space<hbm>>
      %dma_start3A_165 = tpu.memref_squeeze %dma_start3A_164 : memref<1x128xi32, #tpu.memory_space<hbm>> -> memref<128xi32, #tpu.memory_space<hbm>>
      tpu.enqueue_dma source(%dma_start3A_165 : memref<128xi32, #tpu.memory_space<hbm>>) target(%arg19 : memref<128xi32, #tpu.memory_space<vmem>>) target_semaphore(%run_scoped3A : memref<!tpu.dma_semaphore, #tpu.memory_space<semaphore_mem>>)
      %dma_wait3A = tpu.memref_slice %arg4[%select_n3A, %mul3A_38] : memref<16x256xi32, #tpu.memory_space<hbm>> -> memref<1x128xi32, #tpu.memory_space<hbm>>
      %dma_wait3A_166 = tpu.memref_squeeze %dma_wait3A : memref<1x128xi32, #tpu.memory_space<hbm>> -> memref<128xi32, #tpu.memory_space<hbm>>
      %dma_wait3A_167 = tpu.memref_slice %arg4[%select_n3A, %mul3A_38] : memref<16x256xi32, #tpu.memory_space<hbm>> -> memref<1x128xi32, #tpu.memory_space<hbm>>
      %dma_wait3A_168 = tpu.memref_squeeze %dma_wait3A_167 : memref<1x128xi32, #tpu.memory_space<hbm>> -> memref<128xi32, #tpu.memory_space<hbm>>
      tpu.wait_dma2 semaphore(%run_scoped3A : memref<!tpu.dma_semaphore, #tpu.memory_space<semaphore_mem>>) src(%dma_wait3A_168 : memref<128xi32, #tpu.memory_space<hbm>>) dst(%arg19 : memref<128xi32, #tpu.memory_space<vmem>>)
      tpu.yield
    }) : () -> ()
    %iota3A = tpu.iota {dimensions = array<i32: 0>} : vector<16xi32>
    %get3A = arith.constant 0 : index
    %get3A_39 = tpu.vector_load %arg19[%get3A] {strides = array<i32>} : memref<128xi32, #tpu.memory_space<vmem>>, vector<16xi32>,
    %gather3A = tpu.vector_load_idx %arg12[%get3A_39] : memref<2048xf32, #tpu.memory_space<vmem>>[vector<16xi32>], vector<16xf32>,
    %swap3A = arith.constant 0 : index
    %swap3A_40 = tpu.vector_load %arg16[%swap3A] {strides = array<i32>} : memref<128xf32, #tpu.memory_space<vmem>>, vector<16xf32>,
    tpu.vector_store %arg16[%swap3A], %gather3A {strides = array<i32>} : memref<128xf32, #tpu.memory_space<vmem>>, vector<16xf32>,
    %gather3A_41 = tpu.vector_load_idx %arg13[%get3A_39] : memref<2048xf32, #tpu.memory_space<vmem>>[vector<16xi32>], vector<16xf32>,
    %swap3A_42 = arith.constant 0 : index
    %swap3A_43 = tpu.vector_load %arg17[%swap3A_42] {strides = array<i32>} : memref<128xf32, #tpu.memory_space<vmem>>, vector<16xf32>,
    tpu.vector_store %arg17[%swap3A_42], %gather3A_41 {strides = array<i32>} : memref<128xf32, #tpu.memory_space<vmem>>, vector<16xf32>,
    %gather3A_44 = tpu.vector_load_idx %arg14[%get3A_39] : memref<2048xf32, #tpu.memory_space<vmem>>[vector<16xi32>], vector<16xf32>,
    %swap3A_45 = arith.constant 0 : index
    %swap3A_46 = tpu.vector_load %arg18[%swap3A_45] {strides = array<i32>} : memref<128xf32, #tpu.memory_space<vmem>>, vector<16xf32>,
    tpu.vector_store %arg18[%swap3A_45], %gather3A_44 {strides = array<i32>} : memref<128xf32, #tpu.memory_space<vmem>>, vector<16xf32>,
    %gather3A_47 = tpu.vector_load_idx %arg15[%get3A_39] : memref<2048xi32, #tpu.memory_space<vmem>>[vector<16xi32>], vector<16xi32>,
    %swap3A_48 = arith.constant 0 : index
    %swap3A_49 = tpu.vector_load %arg26[%swap3A_48] {strides = array<i32>} : memref<128xi32, #tpu.memory_space<vmem>>, vector<16xi32>,
    tpu.vector_store %arg26[%swap3A_48], %gather3A_47 {strides = array<i32>} : memref<128xi32, #tpu.memory_space<vmem>>, vector<16xi32>,
    %get3A_50 = arith.constant 16 : index
    %get3A_51 = tpu.vector_load %arg19[%get3A_50] {strides = array<i32>} : memref<128xi32, #tpu.memory_space<vmem>>, vector<16xi32>,
    %gather3A_52 = tpu.vector_load_idx %arg12[%get3A_51] : memref<2048xf32, #tpu.memory_space<vmem>>[vector<16xi32>], vector<16xf32>,
    %swap3A_53 = arith.constant 16 : index
    %swap3A_54 = tpu.vector_load %arg16[%swap3A_53] {strides = array<i32>} : memref<128xf32, #tpu.memory_space<vmem>>, vector<16xf32>,
    tpu.vector_store %arg16[%swap3A_53], %gather3A_52 {strides = array<i32>} : memref<128xf32, #tpu.memory_space<vmem>>, vector<16xf32>,
    %gather3A_55 = tpu.vector_load_idx %arg13[%get3A_51] : memref<2048xf32, #tpu.memory_space<vmem>>[vector<16xi32>], vector<16xf32>,
    %swap3A_56 = arith.constant 16 : index
    %swap3A_57 = tpu.vector_load %arg17[%swap3A_56] {strides = array<i32>} : memref<128xf32, #tpu.memory_space<vmem>>, vector<16xf32>,
    tpu.vector_store %arg17[%swap3A_56], %gather3A_55 {strides = array<i32>} : memref<128xf32, #tpu.memory_space<vmem>>, vector<16xf32>,
    %gather3A_58 = tpu.vector_load_idx %arg14[%get3A_51] : memref<2048xf32, #tpu.memory_space<vmem>>[vector<16xi32>], vector<16xf32>,
    %swap3A_59 = arith.constant 16 : index
    %swap3A_60 = tpu.vector_load %arg18[%swap3A_59] {strides = array<i32>} : memref<128xf32, #tpu.memory_space<vmem>>, vector<16xf32>,
    tpu.vector_store %arg18[%swap3A_59], %gather3A_58 {strides = array<i32>} : memref<128xf32, #tpu.memory_space<vmem>>, vector<16xf32>,
    %gather3A_61 = tpu.vector_load_idx %arg15[%get3A_51] : memref<2048xi32, #tpu.memory_space<vmem>>[vector<16xi32>], vector<16xi32>,
    %swap3A_62 = arith.constant 16 : index
    %swap3A_63 = tpu.vector_load %arg26[%swap3A_62] {strides = array<i32>} : memref<128xi32, #tpu.memory_space<vmem>>, vector<16xi32>,
    tpu.vector_store %arg26[%swap3A_62], %gather3A_61 {strides = array<i32>} : memref<128xi32, #tpu.memory_space<vmem>>, vector<16xi32>,
    %get3A_64 = arith.constant 32 : index
    %get3A_65 = tpu.vector_load %arg19[%get3A_64] {strides = array<i32>} : memref<128xi32, #tpu.memory_space<vmem>>, vector<16xi32>,
    %gather3A_66 = tpu.vector_load_idx %arg12[%get3A_65] : memref<2048xf32, #tpu.memory_space<vmem>>[vector<16xi32>], vector<16xf32>,
    %swap3A_67 = arith.constant 32 : index
    %swap3A_68 = tpu.vector_load %arg16[%swap3A_67] {strides = array<i32>} : memref<128xf32, #tpu.memory_space<vmem>>, vector<16xf32>,
    tpu.vector_store %arg16[%swap3A_67], %gather3A_66 {strides = array<i32>} : memref<128xf32, #tpu.memory_space<vmem>>, vector<16xf32>,
    %gather3A_69 = tpu.vector_load_idx %arg13[%get3A_65] : memref<2048xf32, #tpu.memory_space<vmem>>[vector<16xi32>], vector<16xf32>,
    %swap3A_70 = arith.constant 32 : index
    %swap3A_71 = tpu.vector_load %arg17[%swap3A_70] {strides = array<i32>} : memref<128xf32, #tpu.memory_space<vmem>>, vector<16xf32>,
    tpu.vector_store %arg17[%swap3A_70], %gather3A_69 {strides = array<i32>} : memref<128xf32, #tpu.memory_space<vmem>>, vector<16xf32>,
    %gather3A_72 = tpu.vector_load_idx %arg14[%get3A_65] : memref<2048xf32, #tpu.memory_space<vmem>>[vector<16xi32>], vector<16xf32>,
    %swap3A_73 = arith.constant 32 : index
    %swap3A_74 = tpu.vector_load %arg18[%swap3A_73] {strides = array<i32>} : memref<128xf32, #tpu.memory_space<vmem>>, vector<16xf32>,
    tpu.vector_store %arg18[%swap3A_73], %gather3A_72 {strides = array<i32>} : memref<128xf32, #tpu.memory_space<vmem>>, vector<16xf32>,
    %gather3A_75 = tpu.vector_load_idx %arg15[%get3A_65] : memref<2048xi32, #tpu.memory_space<vmem>>[vector<16xi32>], vector<16xi32>,
    %swap3A_76 = arith.constant 32 : index
    %swap3A_77 = tpu.vector_load %arg26[%swap3A_76] {strides = array<i32>} : memref<128xi32, #tpu.memory_space<vmem>>, vector<16xi32>,
    tpu.vector_store %arg26[%swap3A_76], %gather3A_75 {strides = array<i32>} : memref<128xi32, #tpu.memory_space<vmem>>, vector<16xi32>,
    %get3A_78 = arith.constant 48 : index
    %get3A_79 = tpu.vector_load %arg19[%get3A_78] {strides = array<i32>} : memref<128xi32, #tpu.memory_space<vmem>>, vector<16xi32>,
    %gather3A_80 = tpu.vector_load_idx %arg12[%get3A_79] : memref<2048xf32, #tpu.memory_space<vmem>>[vector<16xi32>], vector<16xf32>,
    %swap3A_81 = arith.constant 48 : index
    %swap3A_82 = tpu.vector_load %arg16[%swap3A_81] {strides = array<i32>} : memref<128xf32, #tpu.memory_space<vmem>>, vector<16xf32>,
    tpu.vector_store %arg16[%swap3A_81], %gather3A_80 {strides = array<i32>} : memref<128xf32, #tpu.memory_space<vmem>>, vector<16xf32>,
    %gather3A_83 = tpu.vector_load_idx %arg13[%get3A_79] : memref<2048xf32, #tpu.memory_space<vmem>>[vector<16xi32>], vector<16xf32>,
    %swap3A_84 = arith.constant 48 : index
    %swap3A_85 = tpu.vector_load %arg17[%swap3A_84] {strides = array<i32>} : memref<128xf32, #tpu.memory_space<vmem>>, vector<16xf32>,
    tpu.vector_store %arg17[%swap3A_84], %gather3A_83 {strides = array<i32>} : memref<128xf32, #tpu.memory_space<vmem>>, vector<16xf32>,
    %gather3A_86 = tpu.vector_load_idx %arg14[%get3A_79] : memref<2048xf32, #tpu.memory_space<vmem>>[vector<16xi32>], vector<16xf32>,
    %swap3A_87 = arith.constant 48 : index
    %swap3A_88 = tpu.vector_load %arg18[%swap3A_87] {strides = array<i32>} : memref<128xf32, #tpu.memory_space<vmem>>, vector<16xf32>,
    tpu.vector_store %arg18[%swap3A_87], %gather3A_86 {strides = array<i32>} : memref<128xf32, #tpu.memory_space<vmem>>, vector<16xf32>,
    %gather3A_89 = tpu.vector_load_idx %arg15[%get3A_79] : memref<2048xi32, #tpu.memory_space<vmem>>[vector<16xi32>], vector<16xi32>,
    %swap3A_90 = arith.constant 48 : index
    %swap3A_91 = tpu.vector_load %arg26[%swap3A_90] {strides = array<i32>} : memref<128xi32, #tpu.memory_space<vmem>>, vector<16xi32>,
    tpu.vector_store %arg26[%swap3A_90], %gather3A_89 {strides = array<i32>} : memref<128xi32, #tpu.memory_space<vmem>>, vector<16xi32>,
    %get3A_92 = arith.constant 64 : index
    %get3A_93 = tpu.vector_load %arg19[%get3A_92] {strides = array<i32>} : memref<128xi32, #tpu.memory_space<vmem>>, vector<16xi32>,
    %gather3A_94 = tpu.vector_load_idx %arg12[%get3A_93] : memref<2048xf32, #tpu.memory_space<vmem>>[vector<16xi32>], vector<16xf32>,
    %swap3A_95 = arith.constant 64 : index
    %swap3A_96 = tpu.vector_load %arg16[%swap3A_95] {strides = array<i32>} : memref<128xf32, #tpu.memory_space<vmem>>, vector<16xf32>,
    tpu.vector_store %arg16[%swap3A_95], %gather3A_94 {strides = array<i32>} : memref<128xf32, #tpu.memory_space<vmem>>, vector<16xf32>,
    %gather3A_97 = tpu.vector_load_idx %arg13[%get3A_93] : memref<2048xf32, #tpu.memory_space<vmem>>[vector<16xi32>], vector<16xf32>,
    %swap3A_98 = arith.constant 64 : index
    %swap3A_99 = tpu.vector_load %arg17[%swap3A_98] {strides = array<i32>} : memref<128xf32, #tpu.memory_space<vmem>>, vector<16xf32>,
    tpu.vector_store %arg17[%swap3A_98], %gather3A_97 {strides = array<i32>} : memref<128xf32, #tpu.memory_space<vmem>>, vector<16xf32>,
    %gather3A_100 = tpu.vector_load_idx %arg14[%get3A_93] : memref<2048xf32, #tpu.memory_space<vmem>>[vector<16xi32>], vector<16xf32>,
    %swap3A_101 = arith.constant 64 : index
    %swap3A_102 = tpu.vector_load %arg18[%swap3A_101] {strides = array<i32>} : memref<128xf32, #tpu.memory_space<vmem>>, vector<16xf32>,
    tpu.vector_store %arg18[%swap3A_101], %gather3A_100 {strides = array<i32>} : memref<128xf32, #tpu.memory_space<vmem>>, vector<16xf32>,
    %gather3A_103 = tpu.vector_load_idx %arg15[%get3A_93] : memref<2048xi32, #tpu.memory_space<vmem>>[vector<16xi32>], vector<16xi32>,
    %swap3A_104 = arith.constant 64 : index
    %swap3A_105 = tpu.vector_load %arg26[%swap3A_104] {strides = array<i32>} : memref<128xi32, #tpu.memory_space<vmem>>, vector<16xi32>,
    tpu.vector_store %arg26[%swap3A_104], %gather3A_103 {strides = array<i32>} : memref<128xi32, #tpu.memory_space<vmem>>, vector<16xi32>,
    %get3A_106 = arith.constant 80 : index
    %get3A_107 = tpu.vector_load %arg19[%get3A_106] {strides = array<i32>} : memref<128xi32, #tpu.memory_space<vmem>>, vector<16xi32>,
    %gather3A_108 = tpu.vector_load_idx %arg12[%get3A_107] : memref<2048xf32, #tpu.memory_space<vmem>>[vector<16xi32>], vector<16xf32>,
    %swap3A_109 = arith.constant 80 : index
    %swap3A_110 = tpu.vector_load %arg16[%swap3A_109] {strides = array<i32>} : memref<128xf32, #tpu.memory_space<vmem>>, vector<16xf32>,
    tpu.vector_store %arg16[%swap3A_109], %gather3A_108 {strides = array<i32>} : memref<128xf32, #tpu.memory_space<vmem>>, vector<16xf32>,
    %gather3A_111 = tpu.vector_load_idx %arg13[%get3A_107] : memref<2048xf32, #tpu.memory_space<vmem>>[vector<16xi32>], vector<16xf32>,
    %swap3A_112 = arith.constant 80 : index
    %swap3A_113 = tpu.vector_load %arg17[%swap3A_112] {strides = array<i32>} : memref<128xf32, #tpu.memory_space<vmem>>, vector<16xf32>,
    tpu.vector_store %arg17[%swap3A_112], %gather3A_111 {strides = array<i32>} : memref<128xf32, #tpu.memory_space<vmem>>, vector<16xf32>,
    %gather3A_114 = tpu.vector_load_idx %arg14[%get3A_107] : memref<2048xf32, #tpu.memory_space<vmem>>[vector<16xi32>], vector<16xf32>,
    %swap3A_115 = arith.constant 80 : index
    %swap3A_116 = tpu.vector_load %arg18[%swap3A_115] {strides = array<i32>} : memref<128xf32, #tpu.memory_space<vmem>>, vector<16xf32>,
    tpu.vector_store %arg18[%swap3A_115], %gather3A_114 {strides = array<i32>} : memref<128xf32, #tpu.memory_space<vmem>>, vector<16xf32>,
    %gather3A_117 = tpu.vector_load_idx %arg15[%get3A_107] : memref<2048xi32, #tpu.memory_space<vmem>>[vector<16xi32>], vector<16xi32>,
    %swap3A_118 = arith.constant 80 : index
    %swap3A_119 = tpu.vector_load %arg26[%swap3A_118] {strides = array<i32>} : memref<128xi32, #tpu.memory_space<vmem>>, vector<16xi32>,
    tpu.vector_store %arg26[%swap3A_118], %gather3A_117 {strides = array<i32>} : memref<128xi32, #tpu.memory_space<vmem>>, vector<16xi32>,
    %get3A_120 = arith.constant 96 : index
    %get3A_121 = tpu.vector_load %arg19[%get3A_120] {strides = array<i32>} : memref<128xi32, #tpu.memory_space<vmem>>, vector<16xi32>,
    %gather3A_122 = tpu.vector_load_idx %arg12[%get3A_121] : memref<2048xf32, #tpu.memory_space<vmem>>[vector<16xi32>], vector<16xf32>,
    %swap3A_123 = arith.constant 96 : index
    %swap3A_124 = tpu.vector_load %arg16[%swap3A_123] {strides = array<i32>} : memref<128xf32, #tpu.memory_space<vmem>>, vector<16xf32>,
    tpu.vector_store %arg16[%swap3A_123], %gather3A_122 {strides = array<i32>} : memref<128xf32, #tpu.memory_space<vmem>>, vector<16xf32>,
    %gather3A_125 = tpu.vector_load_idx %arg13[%get3A_121] : memref<2048xf32, #tpu.memory_space<vmem>>[vector<16xi32>], vector<16xf32>,
    %swap3A_126 = arith.constant 96 : index
    %swap3A_127 = tpu.vector_load %arg17[%swap3A_126] {strides = array<i32>} : memref<128xf32, #tpu.memory_space<vmem>>, vector<16xf32>,
    tpu.vector_store %arg17[%swap3A_126], %gather3A_125 {strides = array<i32>} : memref<128xf32, #tpu.memory_space<vmem>>, vector<16xf32>,
    %gather3A_128 = tpu.vector_load_idx %arg14[%get3A_121] : memref<2048xf32, #tpu.memory_space<vmem>>[vector<16xi32>], vector<16xf32>,
    %swap3A_129 = arith.constant 96 : index
    %swap3A_130 = tpu.vector_load %arg18[%swap3A_129] {strides = array<i32>} : memref<128xf32, #tpu.memory_space<vmem>>, vector<16xf32>,
    tpu.vector_store %arg18[%swap3A_129], %gather3A_128 {strides = array<i32>} : memref<128xf32, #tpu.memory_space<vmem>>, vector<16xf32>,
    %gather3A_131 = tpu.vector_load_idx %arg15[%get3A_121] : memref<2048xi32, #tpu.memory_space<vmem>>[vector<16xi32>], vector<16xi32>,
    %swap3A_132 = arith.constant 96 : index
    %swap3A_133 = tpu.vector_load %arg26[%swap3A_132] {strides = array<i32>} : memref<128xi32, #tpu.memory_space<vmem>>, vector<16xi32>,
    tpu.vector_store %arg26[%swap3A_132], %gather3A_131 {strides = array<i32>} : memref<128xi32, #tpu.memory_space<vmem>>, vector<16xi32>,
    %get3A_134 = arith.constant 112 : index
    %get3A_135 = tpu.vector_load %arg19[%get3A_134] {strides = array<i32>} : memref<128xi32, #tpu.memory_space<vmem>>, vector<16xi32>,
    %gather3A_136 = tpu.vector_load_idx %arg12[%get3A_135] : memref<2048xf32, #tpu.memory_space<vmem>>[vector<16xi32>], vector<16xf32>,
    %swap3A_137 = arith.constant 112 : index
    %swap3A_138 = tpu.vector_load %arg16[%swap3A_137] {strides = array<i32>} : memref<128xf32, #tpu.memory_space<vmem>>, vector<16xf32>,
    tpu.vector_store %arg16[%swap3A_137], %gather3A_136 {strides = array<i32>} : memref<128xf32, #tpu.memory_space<vmem>>, vector<16xf32>,
    %gather3A_139 = tpu.vector_load_idx %arg13[%get3A_135] : memref<2048xf32, #tpu.memory_space<vmem>>[vector<16xi32>], vector<16xf32>,
    %swap3A_140 = arith.constant 112 : index
    %swap3A_141 = tpu.vector_load %arg17[%swap3A_140] {strides = array<i32>} : memref<128xf32, #tpu.memory_space<vmem>>, vector<16xf32>,
    tpu.vector_store %arg17[%swap3A_140], %gather3A_139 {strides = array<i32>} : memref<128xf32, #tpu.memory_space<vmem>>, vector<16xf32>,
    %gather3A_142 = tpu.vector_load_idx %arg14[%get3A_135] : memref<2048xf32, #tpu.memory_space<vmem>>[vector<16xi32>], vector<16xf32>,
    %swap3A_143 = arith.constant 112 : index
    %swap3A_144 = tpu.vector_load %arg18[%swap3A_143] {strides = array<i32>} : memref<128xf32, #tpu.memory_space<vmem>>, vector<16xf32>,
    tpu.vector_store %arg18[%swap3A_143], %gather3A_142 {strides = array<i32>} : memref<128xf32, #tpu.memory_space<vmem>>, vector<16xf32>,
    %gather3A_145 = tpu.vector_load_idx %arg15[%get3A_135] : memref<2048xi32, #tpu.memory_space<vmem>>[vector<16xi32>], vector<16xi32>,
    %swap3A_146 = arith.constant 112 : index
    %swap3A_147 = tpu.vector_load %arg26[%swap3A_146] {strides = array<i32>} : memref<128xi32, #tpu.memory_space<vmem>>, vector<16xi32>,
    tpu.vector_store %arg26[%swap3A_146], %gather3A_145 {strides = array<i32>} : memref<128xi32, #tpu.memory_space<vmem>>, vector<16xi32>,
    %broadcast_in_dim3A = arith.constant 0x7F800000 : f32
    %broadcast_in_dim3A_148 = vector.broadcast %broadcast_in_dim3A : f32 to vector<16xf32>
    %scan3A = arith.constant 0 : i32
    %scan3A_149 = arith.constant 0 : i32
    %scan3A_150 = arith.constant 128 : i32
    %scan3A_151 = arith.addi %scan3A_149, %scan3A_150 : i32
    %scan3A_152 = arith.constant 1 : i32
    %scan3A_153 = scf.for %scan3A_163 = %scan3A_149 to %scan3A_151 step %scan3A_152 iter_args(%scan3A_164 = %scan3A) -> (i32)  : i32 {
      %broadcast_in_dim3A_165 = arith.constant 0 : i32
      %broadcast_in_dim3A_166 = vector.broadcast %broadcast_in_dim3A_165 : i32 to vector<16xi32>
      %add3A_167 = vector.broadcast %scan3A_163 : i32 to vector<16xi32>
      %add3A_168 = arith.addi %broadcast_in_dim3A_166, %add3A_167 : vector<16xi32>
      %gather3A_169 = tpu.vector_load_idx %arg16[%add3A_168] : memref<128xf32, #tpu.memory_space<vmem>>[vector<16xi32>], vector<16xf32>,
      %gather3A_170 = tpu.vector_load_idx %arg17[%add3A_168] : memref<128xf32, #tpu.memory_space<vmem>>[vector<16xi32>], vector<16xf32>,
      %gather3A_171 = tpu.vector_load_idx %arg18[%add3A_168] : memref<128xf32, #tpu.memory_space<vmem>>[vector<16xi32>], vector<16xf32>,
      %gather3A_172 = tpu.vector_load_idx %arg19[%add3A_168] : memref<128xi32, #tpu.memory_space<vmem>>[vector<16xi32>], vector<16xi32>,
      %swap3A_173 = arith.constant 0 : index
      %swap3A_174 = tpu.vector_load %arg20[%swap3A_173] {strides = array<i32>} : memref<2064xf32, #tpu.memory_space<vmem>>, vector<16xf32>,
      tpu.vector_store %arg20[%swap3A_173], %broadcast_in_dim3A_148 {strides = array<i32>} : memref<2064xf32, #tpu.memory_space<vmem>>, vector<16xf32>,
      %swap3A_175 = arith.constant 16 : index
      %swap3A_176 = tpu.vector_load %arg20[%swap3A_175] {strides = array<i32>} : memref<2064xf32, #tpu.memory_space<vmem>>, vector<16xf32>,
      tpu.vector_store %arg20[%swap3A_175], %broadcast_in_dim3A_148 {strides = array<i32>} : memref<2064xf32, #tpu.memory_space<vmem>>, vector<16xf32>,
      %swap3A_177 = arith.constant 32 : index
      %swap3A_178 = tpu.vector_load %arg20[%swap3A_177] {strides = array<i32>} : memref<2064xf32, #tpu.memory_space<vmem>>, vector<16xf32>,
      tpu.vector_store %arg20[%swap3A_177], %broadcast_in_dim3A_148 {strides = array<i32>} : memref<2064xf32, #tpu.memory_space<vmem>>, vector<16xf32>,
      %swap3A_179 = arith.constant 48 : index
      %swap3A_180 = tpu.vector_load %arg20[%swap3A_179] {strides = array<i32>} : memref<2064xf32, #tpu.memory_space<vmem>>, vector<16xf32>,
      tpu.vector_store %arg20[%swap3A_179], %broadcast_in_dim3A_148 {strides = array<i32>} : memref<2064xf32, #tpu.memory_space<vmem>>, vector<16xf32>,
      %swap3A_181 = arith.constant 64 : index
      %swap3A_182 = tpu.vector_load %arg20[%swap3A_181] {strides = array<i32>} : memref<2064xf32, #tpu.memory_space<vmem>>, vector<16xf32>,
      tpu.vector_store %arg20[%swap3A_181], %broadcast_in_dim3A_148 {strides = array<i32>} : memref<2064xf32, #tpu.memory_space<vmem>>, vector<16xf32>,
      %swap3A_183 = arith.constant 80 : index
      %swap3A_184 = tpu.vector_load %arg20[%swap3A_183] {strides = array<i32>} : memref<2064xf32, #tpu.memory_space<vmem>>, vector<16xf32>,
      tpu.vector_store %arg20[%swap3A_183], %broadcast_in_dim3A_148 {strides = array<i32>} : memref<2064xf32, #tpu.memory_space<vmem>>, vector<16xf32>,
      %swap3A_185 = arith.constant 96 : index
      %swap3A_186 = tpu.vector_load %arg20[%swap3A_185] {strides = array<i32>} : memref<2064xf32, #tpu.memory_space<vmem>>, vector<16xf32>,
      tpu.vector_store %arg20[%swap3A_185], %broadcast_in_dim3A_148 {strides = array<i32>} : memref<2064xf32, #tpu.memory_space<vmem>>, vector<16xf32>,
      %swap3A_187 = arith.constant 112 : index
      %swap3A_188 = tpu.vector_load %arg20[%swap3A_187] {strides = array<i32>} : memref<2064xf32, #tpu.memory_space<vmem>>, vector<16xf32>,
      tpu.vector_store %arg20[%swap3A_187], %broadcast_in_dim3A_148 {strides = array<i32>} : memref<2064xf32, #tpu.memory_space<vmem>>, vector<16xf32>,
      %swap3A_189 = arith.constant 0 : index
      %swap3A_190 = tpu.vector_load %arg22[%swap3A_189] {strides = array<i32>} : memref<2064xi32, #tpu.memory_space<vmem>>, vector<16xi32>,
      tpu.vector_store %arg22[%swap3A_189], %gather3A_172 {strides = array<i32>} : memref<2064xi32, #tpu.memory_space<vmem>>, vector<16xi32>,
      %swap3A_191 = arith.constant 16 : index
      %swap3A_192 = tpu.vector_load %arg22[%swap3A_191] {strides = array<i32>} : memref<2064xi32, #tpu.memory_space<vmem>>, vector<16xi32>,
      tpu.vector_store %arg22[%swap3A_191], %gather3A_172 {strides = array<i32>} : memref<2064xi32, #tpu.memory_space<vmem>>, vector<16xi32>,
      %swap3A_193 = arith.constant 32 : index
      %swap3A_194 = tpu.vector_load %arg22[%swap3A_193] {strides = array<i32>} : memref<2064xi32, #tpu.memory_space<vmem>>, vector<16xi32>,
      tpu.vector_store %arg22[%swap3A_193], %gather3A_172 {strides = array<i32>} : memref<2064xi32, #tpu.memory_space<vmem>>, vector<16xi32>,
      %broadcast_in_dim3A_195 = arith.constant 0 : i32
      %broadcast_in_dim3A_196 = vector.broadcast %broadcast_in_dim3A_195 : i32 to vector<16xi32>
      %parallel_loop3A = arith.constant 0 : i32
      %parallel_loop3A_197 = arith.constant 128 : i32
      %parallel_loop3A_198 = arith.constant 1 : i32
      %parallel_loop3A_199 = scf.for %parallel_loop3A_361 = %parallel_loop3A to %parallel_loop3A_197 step %parallel_loop3A_198 iter_args(%parallel_loop3A_362 = %broadcast_in_dim3A_196) -> (vector<16xi32>)  : i32 {
        %parallel_loop3A_363 = arith.constant 16 : i32
        %parallel_loop3A_364 = arith.muli %parallel_loop3A_361, %parallel_loop3A_363 : i32
        %parallel_loop3A_365 = arith.index_cast %parallel_loop3A_364 : i32 to index
        %parallel_loop3A_366 = tpu.vector_load %arg12[%parallel_loop3A_365] {strides = array<i32>} : memref<2048xf32, #tpu.memory_space<vmem>>, vector<16xf32>,
        %parallel_loop3A_367 = arith.index_cast %parallel_loop3A_364 : i32 to index
        %parallel_loop3A_368 = tpu.vector_load %arg13[%parallel_loop3A_367] {strides = array<i32>} : memref<2048xf32, #tpu.memory_space<vmem>>, vector<16xf32>,
        %parallel_loop3A_369 = arith.index_cast %parallel_loop3A_364 : i32 to index
        %parallel_loop3A_370 = tpu.vector_load %arg14[%parallel_loop3A_369] {strides = array<i32>} : memref<2048xf32, #tpu.memory_space<vmem>>, vector<16xf32>,
        %parallel_loop3A_371 = arith.subf %parallel_loop3A_366, %gather3A_169 : vector<16xf32>
        %parallel_loop3A_372 = arith.subf %parallel_loop3A_368, %gather3A_170 : vector<16xf32>
        %parallel_loop3A_373 = arith.subf %parallel_loop3A_370, %gather3A_171 : vector<16xf32>
        %parallel_loop3A_374 = arith.mulf %parallel_loop3A_371, %parallel_loop3A_371 : vector<16xf32>
        %parallel_loop3A_375 = arith.mulf %parallel_loop3A_372, %parallel_loop3A_372 : vector<16xf32>
        %parallel_loop3A_376 = arith.addf %parallel_loop3A_374, %parallel_loop3A_375 : vector<16xf32>
        %parallel_loop3A_377 = arith.mulf %parallel_loop3A_373, %parallel_loop3A_373 : vector<16xf32>
        %parallel_loop3A_378 = arith.addf %parallel_loop3A_376, %parallel_loop3A_377 : vector<16xf32>
        %parallel_loop3A_379 = arith.constant 2.250000e-02 : f32
        %parallel_loop3A_380 = vector.broadcast %parallel_loop3A_379 : f32 to vector<16xf32>
        %parallel_loop3A_381 = arith.cmpf ole, %parallel_loop3A_378, %parallel_loop3A_380 : vector<16xf32>
        %parallel_loop3A_382 = arith.extui %parallel_loop3A_381 : vector<16xi1> to vector<16xi32>
        %parallel_loop3A_383 = arith.constant true
        %parallel_loop3A_384 = vector.broadcast %parallel_loop3A_383 : i1 to vector<16xi1>
        %parallel_loop3A_385 = tpu.scan <sum>, %parallel_loop3A_382 masked %parallel_loop3A_384 : vector<16xi32>, vector<16xi1> -> vector<16xi32>
        %parallel_loop3A_386 = arith.addi %parallel_loop3A_362, %parallel_loop3A_385 : vector<16xi32>
        %parallel_loop3A_387 = arith.subi %parallel_loop3A_386, %parallel_loop3A_382 : vector<16xi32>
        tpu.vector_store_idx %arg20[%parallel_loop3A_387], %parallel_loop3A_378 masked %parallel_loop3A_381 : memref<2064xf32, #tpu.memory_space<vmem>>[vector<16xi32>], vector<16xf32>, vector<16xi1>
        %parallel_loop3A_388 = vector.broadcast %parallel_loop3A_364 : i32 to vector<16xi32>
        %parallel_loop3A_389 = arith.addi %iota3A, %parallel_loop3A_388 : vector<16xi32>
        tpu.vector_store_idx %arg21[%parallel_loop3A_387], %parallel_loop3A_389 masked %parallel_loop3A_381 : memref<2064xi32, #tpu.memory_space<vmem>>[vector<16xi32>], vector<16xi32>, vector<16xi1>
        %parallel_loop3A_390 = tpu.all_reduce %parallel_loop3A_381 {dim = 0 : i64, kind = #tpu.reduction_kind<sum>} : vector<16xi1> -> vector<16xi32>
        %parallel_loop3A_391 = arith.addi %parallel_loop3A_362, %parallel_loop3A_390 : vector<16xi32>
        scf.yield %parallel_loop3A_391 : vector<16xi32>
      } {sc.loop_unroll_factor = 4 : i64, sc.parallel_access}
      %slice3A = vector.extract_strided_slice %parallel_loop3A_199 {offsets = [0], sizes = [1], strides = [1]} : vector<16xi32> to vector<1xi32>
      %squeeze3A = vector.extract %slice3A[0] : i32 from vector<1xi32>
      %gt3A = arith.constant 32 : i32
      %gt3A_200 = arith.cmpi sgt, %squeeze3A, %gt3A : i32
      %convert_element_type3A = arith.extui %gt3A_200 : i1 to i32
      %cond3A = arith.constant 0 : i32
      %cond3A_201 = arith.cmpi ne, %convert_element_type3A, %cond3A : i32
      %cond3A_202 = scf.if %cond3A_201 -> (vector<16xf32>) {
        %broadcast_in_dim3A_361 = arith.constant 0.000000e+00 : f32
        %broadcast_in_dim3A_362 = vector.broadcast %broadcast_in_dim3A_361 : f32 to vector<16xf32>
        %broadcast_in_dim3A_363 = arith.constant 2.250000e-02 : f32
        %broadcast_in_dim3A_364 = vector.broadcast %broadcast_in_dim3A_363 : f32 to vector<16xf32>
        %scan3A_365 = arith.constant 0 : i32
        %scan3A_366 = arith.constant 26 : i32
        %scan3A_367 = arith.addi %scan3A_365, %scan3A_366 : i32
        %scan3A_368 = arith.constant 1 : i32
        %scan3A_369:2 = scf.for %scan3A_371 = %scan3A_365 to %scan3A_367 step %scan3A_368 iter_args(%scan3A_372 = %broadcast_in_dim3A_362, %scan3A_373 = %broadcast_in_dim3A_364) -> (vector<16xf32>, vector<16xf32>)  : i32 {
          %add3A_374 = arith.addf %scan3A_372, %scan3A_373 : vector<16xf32>
          %mul3A_375 = arith.constant 5.000000e-01 : f32
          %mul3A_376 = vector.broadcast %mul3A_375 : f32 to vector<16xf32>
          %mul3A_377 = arith.mulf %add3A_374, %mul3A_376 : vector<16xf32>
          %broadcast_in_dim3A_378 = arith.constant 0 : i32
          %broadcast_in_dim3A_379 = vector.broadcast %broadcast_in_dim3A_378 : i32 to vector<16xi32>
          %get3A_380 = arith.constant 0 : index
          %get3A_381 = tpu.vector_load %arg20[%get3A_380] {strides = array<i32>} : memref<2064xf32, #tpu.memory_space<vmem>>, vector<16xf32>,
          %le3A_382 = arith.cmpf ole, %get3A_381, %mul3A_377 : vector<16xf32>
          %all_reduce_population_count3A_383 = tpu.all_reduce %le3A_382 {dim = 0 : i64, kind = #tpu.reduction_kind<sum>} : vector<16xi1> -> vector<16xi32>
          %add3A_384 = arith.addi %broadcast_in_dim3A_379, %all_reduce_population_count3A_383 : vector<16xi32>
          %get3A_385 = arith.constant 16 : index
          %get3A_386 = tpu.vector_load %arg20[%get3A_385] {strides = array<i32>} : memref<2064xf32, #tpu.memory_space<vmem>>, vector<16xf32>,
          %le3A_387 = arith.cmpf ole, %get3A_386, %mul3A_377 : vector<16xf32>
          %all_reduce_population_count3A_388 = tpu.all_reduce %le3A_387 {dim = 0 : i64, kind = #tpu.reduction_kind<sum>} : vector<16xi1> -> vector<16xi32>
          %add3A_389 = arith.addi %add3A_384, %all_reduce_population_count3A_388 : vector<16xi32>
          %get3A_390 = arith.constant 32 : index
          %get3A_391 = tpu.vector_load %arg20[%get3A_390] {strides = array<i32>} : memref<2064xf32, #tpu.memory_space<vmem>>, vector<16xf32>,
          %le3A_392 = arith.cmpf ole, %get3A_391, %mul3A_377 : vector<16xf32>
          %all_reduce_population_count3A_393 = tpu.all_reduce %le3A_392 {dim = 0 : i64, kind = #tpu.reduction_kind<sum>} : vector<16xi1> -> vector<16xi32>
          %add3A_394 = arith.addi %add3A_389, %all_reduce_population_count3A_393 : vector<16xi32>
          %get3A_395 = arith.constant 48 : index
          %get3A_396 = tpu.vector_load %arg20[%get3A_395] {strides = array<i32>} : memref<2064xf32, #tpu.memory_space<vmem>>, vector<16xf32>,
          %le3A_397 = arith.cmpf ole, %get3A_396, %mul3A_377 : vector<16xf32>
          %all_reduce_population_count3A_398 = tpu.all_reduce %le3A_397 {dim = 0 : i64, kind = #tpu.reduction_kind<sum>} : vector<16xi1> -> vector<16xi32>
          %add3A_399 = arith.addi %add3A_394, %all_reduce_population_count3A_398 : vector<16xi32>
          %get3A_400 = arith.constant 64 : index
          %get3A_401 = tpu.vector_load %arg20[%get3A_400] {strides = array<i32>} : memref<2064xf32, #tpu.memory_space<vmem>>, vector<16xf32>,
          %le3A_402 = arith.cmpf ole, %get3A_401, %mul3A_377 : vector<16xf32>
          %all_reduce_population_count3A_403 = tpu.all_reduce %le3A_402 {dim = 0 : i64, kind = #tpu.reduction_kind<sum>} : vector<16xi1> -> vector<16xi32>
          %add3A_404 = arith.addi %add3A_399, %all_reduce_population_count3A_403 : vector<16xi32>
          %get3A_405 = arith.constant 80 : index
          %get3A_406 = tpu.vector_load %arg20[%get3A_405] {strides = array<i32>} : memref<2064xf32, #tpu.memory_space<vmem>>, vector<16xf32>,
          %le3A_407 = arith.cmpf ole, %get3A_406, %mul3A_377 : vector<16xf32>
          %all_reduce_population_count3A_408 = tpu.all_reduce %le3A_407 {dim = 0 : i64, kind = #tpu.reduction_kind<sum>} : vector<16xi1> -> vector<16xi32>
          %add3A_409 = arith.addi %add3A_404, %all_reduce_population_count3A_408 : vector<16xi32>
          %get3A_410 = arith.constant 96 : index
          %get3A_411 = tpu.vector_load %arg20[%get3A_410] {strides = array<i32>} : memref<2064xf32, #tpu.memory_space<vmem>>, vector<16xf32>,
          %le3A_412 = arith.cmpf ole, %get3A_411, %mul3A_377 : vector<16xf32>
          %all_reduce_population_count3A_413 = tpu.all_reduce %le3A_412 {dim = 0 : i64, kind = #tpu.reduction_kind<sum>} : vector<16xi1> -> vector<16xi32>
          %add3A_414 = arith.addi %add3A_409, %all_reduce_population_count3A_413 : vector<16xi32>
          %get3A_415 = arith.constant 112 : index
          %get3A_416 = tpu.vector_load %arg20[%get3A_415] {strides = array<i32>} : memref<2064xf32, #tpu.memory_space<vmem>>, vector<16xf32>,
          %le3A_417 = arith.cmpf ole, %get3A_416, %mul3A_377 : vector<16xf32>
          %all_reduce_population_count3A_418 = tpu.all_reduce %le3A_417 {dim = 0 : i64, kind = #tpu.reduction_kind<sum>} : vector<16xi1> -> vector<16xi32>
          %add3A_419 = arith.addi %add3A_414, %all_reduce_population_count3A_418 : vector<16xi32>
          %ge3A = arith.constant 32 : i32
          %ge3A_420 = vector.broadcast %ge3A : i32 to vector<16xi32>
          %ge3A_421 = arith.cmpi sge, %add3A_419, %ge3A_420 : vector<16xi32>
          %select_n3A_422 = arith.select %ge3A_421, %scan3A_372, %mul3A_377 : vector<16xi1>, vector<16xf32>
          %select_n3A_423 = arith.select %ge3A_421, %mul3A_377, %scan3A_373 : vector<16xi1>, vector<16xf32>
          scf.yield %select_n3A_422, %select_n3A_423 : vector<16xf32>, vector<16xf32>
        }
        %scan3A_370 = arith.constant 26 : i32
        scf.yield %scan3A_369#1 : vector<16xf32>
      } else {
        %broadcast_in_dim3A_361 = arith.constant 2.250000e-02 : f32
        %broadcast_in_dim3A_362 = vector.broadcast %broadcast_in_dim3A_361 : f32 to vector<16xf32>
        scf.yield %broadcast_in_dim3A_362 : vector<16xf32>
      }
      %broadcast_in_dim3A_203 = arith.constant 0 : i32
      %broadcast_in_dim3A_204 = vector.broadcast %broadcast_in_dim3A_203 : i32 to vector<16xi32>
      %get3A_205 = arith.constant 0 : index
      %get3A_206 = tpu.vector_load %arg20[%get3A_205] {strides = array<i32>} : memref<2064xf32, #tpu.memory_space<vmem>>, vector<16xf32>,
      %get3A_207 = arith.constant 0 : index
      %get3A_208 = tpu.vector_load %arg21[%get3A_207] {strides = array<i32>} : memref<2064xi32, #tpu.memory_space<vmem>>, vector<16xi32>,
      %le3A = arith.cmpf ole, %get3A_206, %cond3A_202 : vector<16xf32>
      %convert_element_type3A_209 = arith.extui %le3A : vector<16xi1> to vector<16xi32>
      %broadcast_in_dim3A_210 = arith.constant true
      %broadcast_in_dim3A_211 = vector.broadcast %broadcast_in_dim3A_210 : i1 to vector<16xi1>
      %masked_cumsum3A = tpu.scan <sum>, %convert_element_type3A_209 masked %broadcast_in_dim3A_211 : vector<16xi32>, vector<16xi1> -> vector<16xi32>
      %add3A_212 = arith.addi %broadcast_in_dim3A_204, %masked_cumsum3A : vector<16xi32>
      %sub3A_213 = arith.subi %add3A_212, %convert_element_type3A_209 : vector<16xi32>
      tpu.vector_store_idx %arg22[%sub3A_213], %get3A_208 masked %le3A : memref<2064xi32, #tpu.memory_space<vmem>>[vector<16xi32>], vector<16xi32>, vector<16xi1>
      %all_reduce_population_count3A = tpu.all_reduce %le3A {dim = 0 : i64, kind = #tpu.reduction_kind<sum>} : vector<16xi1> -> vector<16xi32>
      %add3A_214 = arith.addi %broadcast_in_dim3A_204, %all_reduce_population_count3A : vector<16xi32>
      %get3A_215 = arith.constant 16 : index
      %get3A_216 = tpu.vector_load %arg20[%get3A_215] {strides = array<i32>} : memref<2064xf32, #tpu.memory_space<vmem>>, vector<16xf32>,
      %get3A_217 = arith.constant 16 : index
      %get3A_218 = tpu.vector_load %arg21[%get3A_217] {strides = array<i32>} : memref<2064xi32, #tpu.memory_space<vmem>>, vector<16xi32>,
      %le3A_219 = arith.cmpf ole, %get3A_216, %cond3A_202 : vector<16xf32>
      %convert_element_type3A_220 = arith.extui %le3A_219 : vector<16xi1> to vector<16xi32>
      %broadcast_in_dim3A_221 = arith.constant true
      %broadcast_in_dim3A_222 = vector.broadcast %broadcast_in_dim3A_221 : i1 to vector<16xi1>
      %masked_cumsum3A_223 = tpu.scan <sum>, %convert_element_type3A_220 masked %broadcast_in_dim3A_222 : vector<16xi32>, vector<16xi1> -> vector<16xi32>
      %add3A_224 = arith.addi %add3A_214, %masked_cumsum3A_223 : vector<16xi32>
      %sub3A_225 = arith.subi %add3A_224, %convert_element_type3A_220 : vector<16xi32>
      tpu.vector_store_idx %arg22[%sub3A_225], %get3A_218 masked %le3A_219 : memref<2064xi32, #tpu.memory_space<vmem>>[vector<16xi32>], vector<16xi32>, vector<16xi1>
      %all_reduce_population_count3A_226 = tpu.all_reduce %le3A_219 {dim = 0 : i64, kind = #tpu.reduction_kind<sum>} : vector<16xi1> -> vector<16xi32>
      %add3A_227 = arith.addi %add3A_214, %all_reduce_population_count3A_226 : vector<16xi32>
      %get3A_228 = arith.constant 32 : index
      %get3A_229 = tpu.vector_load %arg20[%get3A_228] {strides = array<i32>} : memref<2064xf32, #tpu.memory_space<vmem>>, vector<16xf32>,
      %get3A_230 = arith.constant 32 : index
      %get3A_231 = tpu.vector_load %arg21[%get3A_230] {strides = array<i32>} : memref<2064xi32, #tpu.memory_space<vmem>>, vector<16xi32>,
      %le3A_232 = arith.cmpf ole, %get3A_229, %cond3A_202 : vector<16xf32>
      %convert_element_type3A_233 = arith.extui %le3A_232 : vector<16xi1> to vector<16xi32>
      %broadcast_in_dim3A_234 = arith.constant true
      %broadcast_in_dim3A_235 = vector.broadcast %broadcast_in_dim3A_234 : i1 to vector<16xi1>
      %masked_cumsum3A_236 = tpu.scan <sum>, %convert_element_type3A_233 masked %broadcast_in_dim3A_235 : vector<16xi32>, vector<16xi1> -> vector<16xi32>
      %add3A_237 = arith.addi %add3A_227, %masked_cumsum3A_236 : vector<16xi32>
      %sub3A_238 = arith.subi %add3A_237, %convert_element_type3A_233 : vector<16xi32>
      tpu.vector_store_idx %arg22[%sub3A_238], %get3A_231 masked %le3A_232 : memref<2064xi32, #tpu.memory_space<vmem>>[vector<16xi32>], vector<16xi32>, vector<16xi1>
      %all_reduce_population_count3A_239 = tpu.all_reduce %le3A_232 {dim = 0 : i64, kind = #tpu.reduction_kind<sum>} : vector<16xi1> -> vector<16xi32>
      %add3A_240 = arith.addi %add3A_227, %all_reduce_population_count3A_239 : vector<16xi32>
      %get3A_241 = arith.constant 48 : index
      %get3A_242 = tpu.vector_load %arg20[%get3A_241] {strides = array<i32>} : memref<2064xf32, #tpu.memory_space<vmem>>, vector<16xf32>,
      %get3A_243 = arith.constant 48 : index
      %get3A_244 = tpu.vector_load %arg21[%get3A_243] {strides = array<i32>} : memref<2064xi32, #tpu.memory_space<vmem>>, vector<16xi32>,
      %le3A_245 = arith.cmpf ole, %get3A_242, %cond3A_202 : vector<16xf32>
      %convert_element_type3A_246 = arith.extui %le3A_245 : vector<16xi1> to vector<16xi32>
      %broadcast_in_dim3A_247 = arith.constant true
      %broadcast_in_dim3A_248 = vector.broadcast %broadcast_in_dim3A_247 : i1 to vector<16xi1>
      %masked_cumsum3A_249 = tpu.scan <sum>, %convert_element_type3A_246 masked %broadcast_in_dim3A_248 : vector<16xi32>, vector<16xi1> -> vector<16xi32>
      %add3A_250 = arith.addi %add3A_240, %masked_cumsum3A_249 : vector<16xi32>
      %sub3A_251 = arith.subi %add3A_250, %convert_element_type3A_246 : vector<16xi32>
      tpu.vector_store_idx %arg22[%sub3A_251], %get3A_244 masked %le3A_245 : memref<2064xi32, #tpu.memory_space<vmem>>[vector<16xi32>], vector<16xi32>, vector<16xi1>
      %all_reduce_population_count3A_252 = tpu.all_reduce %le3A_245 {dim = 0 : i64, kind = #tpu.reduction_kind<sum>} : vector<16xi1> -> vector<16xi32>
      %add3A_253 = arith.addi %add3A_240, %all_reduce_population_count3A_252 : vector<16xi32>
      %get3A_254 = arith.constant 64 : index
      %get3A_255 = tpu.vector_load %arg20[%get3A_254] {strides = array<i32>} : memref<2064xf32, #tpu.memory_space<vmem>>, vector<16xf32>,
      %get3A_256 = arith.constant 64 : index
      %get3A_257 = tpu.vector_load %arg21[%get3A_256] {strides = array<i32>} : memref<2064xi32, #tpu.memory_space<vmem>>, vector<16xi32>,
      %le3A_258 = arith.cmpf ole, %get3A_255, %cond3A_202 : vector<16xf32>
      %convert_element_type3A_259 = arith.extui %le3A_258 : vector<16xi1> to vector<16xi32>
      %broadcast_in_dim3A_260 = arith.constant true
      %broadcast_in_dim3A_261 = vector.broadcast %broadcast_in_dim3A_260 : i1 to vector<16xi1>
      %masked_cumsum3A_262 = tpu.scan <sum>, %convert_element_type3A_259 masked %broadcast_in_dim3A_261 : vector<16xi32>, vector<16xi1> -> vector<16xi32>
      %add3A_263 = arith.addi %add3A_253, %masked_cumsum3A_262 : vector<16xi32>
      %sub3A_264 = arith.subi %add3A_263, %convert_element_type3A_259 : vector<16xi32>
      tpu.vector_store_idx %arg22[%sub3A_264], %get3A_257 masked %le3A_258 : memref<2064xi32, #tpu.memory_space<vmem>>[vector<16xi32>], vector<16xi32>, vector<16xi1>
      %all_reduce_population_count3A_265 = tpu.all_reduce %le3A_258 {dim = 0 : i64, kind = #tpu.reduction_kind<sum>} : vector<16xi1> -> vector<16xi32>
      %add3A_266 = arith.addi %add3A_253, %all_reduce_population_count3A_265 : vector<16xi32>
      %get3A_267 = arith.constant 80 : index
      %get3A_268 = tpu.vector_load %arg20[%get3A_267] {strides = array<i32>} : memref<2064xf32, #tpu.memory_space<vmem>>, vector<16xf32>,
      %get3A_269 = arith.constant 80 : index
      %get3A_270 = tpu.vector_load %arg21[%get3A_269] {strides = array<i32>} : memref<2064xi32, #tpu.memory_space<vmem>>, vector<16xi32>,
      %le3A_271 = arith.cmpf ole, %get3A_268, %cond3A_202 : vector<16xf32>
      %convert_element_type3A_272 = arith.extui %le3A_271 : vector<16xi1> to vector<16xi32>
      %broadcast_in_dim3A_273 = arith.constant true
      %broadcast_in_dim3A_274 = vector.broadcast %broadcast_in_dim3A_273 : i1 to vector<16xi1>
      %masked_cumsum3A_275 = tpu.scan <sum>, %convert_element_type3A_272 masked %broadcast_in_dim3A_274 : vector<16xi32>, vector<16xi1> -> vector<16xi32>
      %add3A_276 = arith.addi %add3A_266, %masked_cumsum3A_275 : vector<16xi32>
      %sub3A_277 = arith.subi %add3A_276, %convert_element_type3A_272 : vector<16xi32>
      tpu.vector_store_idx %arg22[%sub3A_277], %get3A_270 masked %le3A_271 : memref<2064xi32, #tpu.memory_space<vmem>>[vector<16xi32>], vector<16xi32>, vector<16xi1>
      %all_reduce_population_count3A_278 = tpu.all_reduce %le3A_271 {dim = 0 : i64, kind = #tpu.reduction_kind<sum>} : vector<16xi1> -> vector<16xi32>
      %add3A_279 = arith.addi %add3A_266, %all_reduce_population_count3A_278 : vector<16xi32>
      %get3A_280 = arith.constant 96 : index
      %get3A_281 = tpu.vector_load %arg20[%get3A_280] {strides = array<i32>} : memref<2064xf32, #tpu.memory_space<vmem>>, vector<16xf32>,
      %get3A_282 = arith.constant 96 : index
      %get3A_283 = tpu.vector_load %arg21[%get3A_282] {strides = array<i32>} : memref<2064xi32, #tpu.memory_space<vmem>>, vector<16xi32>,
      %le3A_284 = arith.cmpf ole, %get3A_281, %cond3A_202 : vector<16xf32>
      %convert_element_type3A_285 = arith.extui %le3A_284 : vector<16xi1> to vector<16xi32>
      %broadcast_in_dim3A_286 = arith.constant true
      %broadcast_in_dim3A_287 = vector.broadcast %broadcast_in_dim3A_286 : i1 to vector<16xi1>
      %masked_cumsum3A_288 = tpu.scan <sum>, %convert_element_type3A_285 masked %broadcast_in_dim3A_287 : vector<16xi32>, vector<16xi1> -> vector<16xi32>
      %add3A_289 = arith.addi %add3A_279, %masked_cumsum3A_288 : vector<16xi32>
      %sub3A_290 = arith.subi %add3A_289, %convert_element_type3A_285 : vector<16xi32>
      tpu.vector_store_idx %arg22[%sub3A_290], %get3A_283 masked %le3A_284 : memref<2064xi32, #tpu.memory_space<vmem>>[vector<16xi32>], vector<16xi32>, vector<16xi1>
      %all_reduce_population_count3A_291 = tpu.all_reduce %le3A_284 {dim = 0 : i64, kind = #tpu.reduction_kind<sum>} : vector<16xi1> -> vector<16xi32>
      %add3A_292 = arith.addi %add3A_279, %all_reduce_population_count3A_291 : vector<16xi32>
      %get3A_293 = arith.constant 112 : index
      %get3A_294 = tpu.vector_load %arg20[%get3A_293] {strides = array<i32>} : memref<2064xf32, #tpu.memory_space<vmem>>, vector<16xf32>,
      %get3A_295 = arith.constant 112 : index
      %get3A_296 = tpu.vector_load %arg21[%get3A_295] {strides = array<i32>} : memref<2064xi32, #tpu.memory_space<vmem>>, vector<16xi32>,
      %le3A_297 = arith.cmpf ole, %get3A_294, %cond3A_202 : vector<16xf32>
      %convert_element_type3A_298 = arith.extui %le3A_297 : vector<16xi1> to vector<16xi32>
      %broadcast_in_dim3A_299 = arith.constant true
      %broadcast_in_dim3A_300 = vector.broadcast %broadcast_in_dim3A_299 : i1 to vector<16xi1>
      %masked_cumsum3A_301 = tpu.scan <sum>, %convert_element_type3A_298 masked %broadcast_in_dim3A_300 : vector<16xi32>, vector<16xi1> -> vector<16xi32>
      %add3A_302 = arith.addi %add3A_292, %masked_cumsum3A_301 : vector<16xi32>
      %sub3A_303 = arith.subi %add3A_302, %convert_element_type3A_298 : vector<16xi32>
      tpu.vector_store_idx %arg22[%sub3A_303], %get3A_296 masked %le3A_297 : memref<2064xi32, #tpu.memory_space<vmem>>[vector<16xi32>], vector<16xi32>, vector<16xi1>
      %all_reduce_population_count3A_304 = tpu.all_reduce %le3A_297 {dim = 0 : i64, kind = #tpu.reduction_kind<sum>} : vector<16xi1> -> vector<16xi32>
      %add3A_305 = arith.addi %add3A_292, %all_reduce_population_count3A_304 : vector<16xi32>
      %get3A_306 = arith.constant 0 : index
      %get3A_307 = tpu.vector_load %arg22[%get3A_306] {strides = array<i32>} : memref<2064xi32, #tpu.memory_space<vmem>>, vector<16xi32>,
      %mul3A_308 = arith.constant 32 : i32
      %mul3A_309 = arith.muli %scan3A_163, %mul3A_308 : i32
      %add3A_310 = arith.constant 0 : i32
      %add3A_311 = arith.addi %mul3A_309, %add3A_310 : i32
      %gather3A_312 = tpu.vector_load_idx %arg12[%get3A_307] : memref<2048xf32, #tpu.memory_space<vmem>>[vector<16xi32>], vector<16xf32>,
      %sub3A_313 = arith.subf %gather3A_312, %gather3A_169 : vector<16xf32>
      %div3A_314 = arith.constant 1.500000e-01 : f32
      %div3A_315 = vector.broadcast %div3A_314 : f32 to vector<16xf32>
      %div3A_316 = arith.divf %sub3A_313, %div3A_315 : vector<16xf32>
      %swap3A_317 = arith.index_cast %add3A_311 : i32 to index
      %swap3A_318 = tpu.vector_load %arg23[%swap3A_317] {strides = array<i32>} : memref<4096xf32, #tpu.memory_space<vmem>>, vector<16xf32>,
      tpu.vector_store %arg23[%swap3A_317], %div3A_316 {strides = array<i32>} : memref<4096xf32, #tpu.memory_space<vmem>>, vector<16xf32>,
      %gather3A_319 = tpu.vector_load_idx %arg13[%get3A_307] : memref<2048xf32, #tpu.memory_space<vmem>>[vector<16xi32>], vector<16xf32>,
      %sub3A_320 = arith.subf %gather3A_319, %gather3A_170 : vector<16xf32>
      %div3A_321 = arith.constant 1.500000e-01 : f32
      %div3A_322 = vector.broadcast %div3A_321 : f32 to vector<16xf32>
      %div3A_323 = arith.divf %sub3A_320, %div3A_322 : vector<16xf32>
      %swap3A_324 = arith.index_cast %add3A_311 : i32 to index
      %swap3A_325 = tpu.vector_load %arg24[%swap3A_324] {strides = array<i32>} : memref<4096xf32, #tpu.memory_space<vmem>>, vector<16xf32>,
      tpu.vector_store %arg24[%swap3A_324], %div3A_323 {strides = array<i32>} : memref<4096xf32, #tpu.memory_space<vmem>>, vector<16xf32>,
      %gather3A_326 = tpu.vector_load_idx %arg14[%get3A_307] : memref<2048xf32, #tpu.memory_space<vmem>>[vector<16xi32>], vector<16xf32>,
      %sub3A_327 = arith.subf %gather3A_326, %gather3A_171 : vector<16xf32>
      %div3A_328 = arith.constant 1.500000e-01 : f32
      %div3A_329 = vector.broadcast %div3A_328 : f32 to vector<16xf32>
      %div3A_330 = arith.divf %sub3A_327, %div3A_329 : vector<16xf32>
      %swap3A_331 = arith.index_cast %add3A_311 : i32 to index
      %swap3A_332 = tpu.vector_load %arg25[%swap3A_331] {strides = array<i32>} : memref<4096xf32, #tpu.memory_space<vmem>>, vector<16xf32>,
      tpu.vector_store %arg25[%swap3A_331], %div3A_330 {strides = array<i32>} : memref<4096xf32, #tpu.memory_space<vmem>>, vector<16xf32>,
      %get3A_333 = arith.constant 16 : index
      %get3A_334 = tpu.vector_load %arg22[%get3A_333] {strides = array<i32>} : memref<2064xi32, #tpu.memory_space<vmem>>, vector<16xi32>,
      %mul3A_335 = arith.constant 32 : i32
      %mul3A_336 = arith.muli %scan3A_163, %mul3A_335 : i32
      %add3A_337 = arith.constant 16 : i32
      %add3A_338 = arith.addi %mul3A_336, %add3A_337 : i32
      %gather3A_339 = tpu.vector_load_idx %arg12[%get3A_334] : memref<2048xf32, #tpu.memory_space<vmem>>[vector<16xi32>], vector<16xf32>,
      %sub3A_340 = arith.subf %gather3A_339, %gather3A_169 : vector<16xf32>
      %div3A_341 = arith.constant 1.500000e-01 : f32
      %div3A_342 = vector.broadcast %div3A_341 : f32 to vector<16xf32>
      %div3A_343 = arith.divf %sub3A_340, %div3A_342 : vector<16xf32>
      %swap3A_344 = arith.index_cast %add3A_338 : i32 to index
      %swap3A_345 = tpu.vector_load %arg23[%swap3A_344] {strides = array<i32>} : memref<4096xf32, #tpu.memory_space<vmem>>, vector<16xf32>,
      tpu.vector_store %arg23[%swap3A_344], %div3A_343 {strides = array<i32>} : memref<4096xf32, #tpu.memory_space<vmem>>, vector<16xf32>,
      %gather3A_346 = tpu.vector_load_idx %arg13[%get3A_334] : memref<2048xf32, #tpu.memory_space<vmem>>[vector<16xi32>], vector<16xf32>,
      %sub3A_347 = arith.subf %gather3A_346, %gather3A_170 : vector<16xf32>
      %div3A_348 = arith.constant 1.500000e-01 : f32
      %div3A_349 = vector.broadcast %div3A_348 : f32 to vector<16xf32>
      %div3A_350 = arith.divf %sub3A_347, %div3A_349 : vector<16xf32>
      %swap3A_351 = arith.index_cast %add3A_338 : i32 to index
      %swap3A_352 = tpu.vector_load %arg24[%swap3A_351] {strides = array<i32>} : memref<4096xf32, #tpu.memory_space<vmem>>, vector<16xf32>,
      tpu.vector_store %arg24[%swap3A_351], %div3A_350 {strides = array<i32>} : memref<4096xf32, #tpu.memory_space<vmem>>, vector<16xf32>,
      %gather3A_353 = tpu.vector_load_idx %arg14[%get3A_334] : memref<2048xf32, #tpu.memory_space<vmem>>[vector<16xi32>], vector<16xf32>,
      %sub3A_354 = arith.subf %gather3A_353, %gather3A_171 : vector<16xf32>
      %div3A_355 = arith.constant 1.500000e-01 : f32
      %div3A_356 = vector.broadcast %div3A_355 : f32 to vector<16xf32>
      %div3A_357 = arith.divf %sub3A_354, %div3A_356 : vector<16xf32>
      %swap3A_358 = arith.index_cast %add3A_338 : i32 to index
      %swap3A_359 = tpu.vector_load %arg25[%swap3A_358] {strides = array<i32>} : memref<4096xf32, #tpu.memory_space<vmem>>, vector<16xf32>,
      tpu.vector_store %arg25[%swap3A_358], %div3A_357 {strides = array<i32>} : memref<4096xf32, #tpu.memory_space<vmem>>, vector<16xf32>,
      %scan3A_360 = arith.constant 0 : i32
      scf.yield %scan3A_360 : i32
    }
    %scan3A_154 = arith.constant 128 : i32
    %mul3A_155 = arith.constant 128 : i32
    %mul3A_156 = arith.muli %add3A, %mul3A_155 : i32
    %mul3A_157 = arith.constant 32 : i32
    %mul3A_158 = arith.muli %mul3A_156, %mul3A_157 : i32
    "tpu.region"() ({
      %run_scoped3A = tpu.sem_alloc : memref<!tpu.dma_semaphore, #tpu.memory_space<semaphore_mem>>
      %dma_start3A = tpu.memref_slice %arg5[%mul3A_158] : memref<131072xf32, #tpu.memory_space<hbm>> -> memref<4096xf32, #tpu.memory_space<hbm>>
      %dma_start3A_163 = tpu.memref_slice %arg5[%mul3A_158] : memref<131072xf32, #tpu.memory_space<hbm>> -> memref<4096xf32, #tpu.memory_space<hbm>>
      tpu.enqueue_dma source(%arg23 : memref<4096xf32, #tpu.memory_space<vmem>>) target(%dma_start3A_163 : memref<4096xf32, #tpu.memory_space<hbm>>) target_semaphore(%run_scoped3A : memref<!tpu.dma_semaphore, #tpu.memory_space<semaphore_mem>>)
      %dma_wait3A = tpu.memref_slice %arg5[%mul3A_158] : memref<131072xf32, #tpu.memory_space<hbm>> -> memref<4096xf32, #tpu.memory_space<hbm>>
      %dma_wait3A_164 = tpu.memref_slice %arg5[%mul3A_158] : memref<131072xf32, #tpu.memory_space<hbm>> -> memref<4096xf32, #tpu.memory_space<hbm>>
      tpu.wait_dma2 semaphore(%run_scoped3A : memref<!tpu.dma_semaphore, #tpu.memory_space<semaphore_mem>>) src(%arg23 : memref<4096xf32, #tpu.memory_space<vmem>>) dst(%dma_wait3A_164 : memref<4096xf32, #tpu.memory_space<hbm>>)
      tpu.yield
    }) : () -> ()
    %mul3A_159 = arith.constant 32 : i32
    %mul3A_160 = arith.muli %mul3A_156, %mul3A_159 : i32
    "tpu.region"() ({
      %run_scoped3A = tpu.sem_alloc : memref<!tpu.dma_semaphore, #tpu.memory_space<semaphore_mem>>
      %dma_start3A = tpu.memref_slice %arg6[%mul3A_160] : memref<131072xf32, #tpu.memory_space<hbm>> -> memref<4096xf32, #tpu.memory_space<hbm>>
      %dma_start3A_163 = tpu.memref_slice %arg6[%mul3A_160] : memref<131072xf32, #tpu.memory_space<hbm>> -> memref<4096xf32, #tpu.memory_space<hbm>>
      tpu.enqueue_dma source(%arg24 : memref<4096xf32, #tpu.memory_space<vmem>>) target(%dma_start3A_163 : memref<4096xf32, #tpu.memory_space<hbm>>) target_semaphore(%run_scoped3A : memref<!tpu.dma_semaphore, #tpu.memory_space<semaphore_mem>>)
      %dma_wait3A = tpu.memref_slice %arg6[%mul3A_160] : memref<131072xf32, #tpu.memory_space<hbm>> -> memref<4096xf32, #tpu.memory_space<hbm>>
      %dma_wait3A_164 = tpu.memref_slice %arg6[%mul3A_160] : memref<131072xf32, #tpu.memory_space<hbm>> -> memref<4096xf32, #tpu.memory_space<hbm>>
      tpu.wait_dma2 semaphore(%run_scoped3A : memref<!tpu.dma_semaphore, #tpu.memory_space<semaphore_mem>>) src(%arg24 : memref<4096xf32, #tpu.memory_space<vmem>>) dst(%dma_wait3A_164 : memref<4096xf32, #tpu.memory_space<hbm>>)
      tpu.yield
    }) : () -> ()
    %mul3A_161 = arith.constant 32 : i32
    %mul3A_162 = arith.muli %mul3A_156, %mul3A_161 : i32
    "tpu.region"() ({
      %run_scoped3A = tpu.sem_alloc : memref<!tpu.dma_semaphore, #tpu.memory_space<semaphore_mem>>
      %dma_start3A = tpu.memref_slice %arg7[%mul3A_162] : memref<131072xf32, #tpu.memory_space<hbm>> -> memref<4096xf32, #tpu.memory_space<hbm>>
      %dma_start3A_163 = tpu.memref_slice %arg7[%mul3A_162] : memref<131072xf32, #tpu.memory_space<hbm>> -> memref<4096xf32, #tpu.memory_space<hbm>>
      tpu.enqueue_dma source(%arg25 : memref<4096xf32, #tpu.memory_space<vmem>>) target(%dma_start3A_163 : memref<4096xf32, #tpu.memory_space<hbm>>) target_semaphore(%run_scoped3A : memref<!tpu.dma_semaphore, #tpu.memory_space<semaphore_mem>>)
      %dma_wait3A = tpu.memref_slice %arg7[%mul3A_162] : memref<131072xf32, #tpu.memory_space<hbm>> -> memref<4096xf32, #tpu.memory_space<hbm>>
      %dma_wait3A_164 = tpu.memref_slice %arg7[%mul3A_162] : memref<131072xf32, #tpu.memory_space<hbm>> -> memref<4096xf32, #tpu.memory_space<hbm>>
      tpu.wait_dma2 semaphore(%run_scoped3A : memref<!tpu.dma_semaphore, #tpu.memory_space<semaphore_mem>>) src(%arg25 : memref<4096xf32, #tpu.memory_space<vmem>>) dst(%dma_wait3A_164 : memref<4096xf32, #tpu.memory_space<hbm>>)
      tpu.yield
    }) : () -> ()
    "tpu.region"() ({
      %run_scoped3A = tpu.sem_alloc : memref<!tpu.dma_semaphore, #tpu.memory_space<semaphore_mem>>
      %dma_start3A = tpu.memref_slice %arg8[%mul3A_156] : memref<4096xf32, #tpu.memory_space<hbm>> -> memref<128xf32, #tpu.memory_space<hbm>>
      %dma_start3A_163 = tpu.memref_slice %arg8[%mul3A_156] : memref<4096xf32, #tpu.memory_space<hbm>> -> memref<128xf32, #tpu.memory_space<hbm>>
      tpu.enqueue_dma source(%arg16 : memref<128xf32, #tpu.memory_space<vmem>>) target(%dma_start3A_163 : memref<128xf32, #tpu.memory_space<hbm>>) target_semaphore(%run_scoped3A : memref<!tpu.dma_semaphore, #tpu.memory_space<semaphore_mem>>)
      %dma_wait3A = tpu.memref_slice %arg8[%mul3A_156] : memref<4096xf32, #tpu.memory_space<hbm>> -> memref<128xf32, #tpu.memory_space<hbm>>
      %dma_wait3A_164 = tpu.memref_slice %arg8[%mul3A_156] : memref<4096xf32, #tpu.memory_space<hbm>> -> memref<128xf32, #tpu.memory_space<hbm>>
      tpu.wait_dma2 semaphore(%run_scoped3A : memref<!tpu.dma_semaphore, #tpu.memory_space<semaphore_mem>>) src(%arg16 : memref<128xf32, #tpu.memory_space<vmem>>) dst(%dma_wait3A_164 : memref<128xf32, #tpu.memory_space<hbm>>)
      tpu.yield
    }) : () -> ()
    "tpu.region"() ({
      %run_scoped3A = tpu.sem_alloc : memref<!tpu.dma_semaphore, #tpu.memory_space<semaphore_mem>>
      %dma_start3A = tpu.memref_slice %arg9[%mul3A_156] : memref<4096xf32, #tpu.memory_space<hbm>> -> memref<128xf32, #tpu.memory_space<hbm>>
      %dma_start3A_163 = tpu.memref_slice %arg9[%mul3A_156] : memref<4096xf32, #tpu.memory_space<hbm>> -> memref<128xf32, #tpu.memory_space<hbm>>
      tpu.enqueue_dma source(%arg17 : memref<128xf32, #tpu.memory_space<vmem>>) target(%dma_start3A_163 : memref<128xf32, #tpu.memory_space<hbm>>) target_semaphore(%run_scoped3A : memref<!tpu.dma_semaphore, #tpu.memory_space<semaphore_mem>>)
      %dma_wait3A = tpu.memref_slice %arg9[%mul3A_156] : memref<4096xf32, #tpu.memory_space<hbm>> -> memref<128xf32, #tpu.memory_space<hbm>>
      %dma_wait3A_164 = tpu.memref_slice %arg9[%mul3A_156] : memref<4096xf32, #tpu.memory_space<hbm>> -> memref<128xf32, #tpu.memory_space<hbm>>
      tpu.wait_dma2 semaphore(%run_scoped3A : memref<!tpu.dma_semaphore, #tpu.memory_space<semaphore_mem>>) src(%arg17 : memref<128xf32, #tpu.memory_space<vmem>>) dst(%dma_wait3A_164 : memref<128xf32, #tpu.memory_space<hbm>>)
      tpu.yield
    }) : () -> ()
    "tpu.region"() ({
      %run_scoped3A = tpu.sem_alloc : memref<!tpu.dma_semaphore, #tpu.memory_space<semaphore_mem>>
      %dma_start3A = tpu.memref_slice %arg10[%mul3A_156] : memref<4096xf32, #tpu.memory_space<hbm>> -> memref<128xf32, #tpu.memory_space<hbm>>
      %dma_start3A_163 = tpu.memref_slice %arg10[%mul3A_156] : memref<4096xf32, #tpu.memory_space<hbm>> -> memref<128xf32, #tpu.memory_space<hbm>>
      tpu.enqueue_dma source(%arg18 : memref<128xf32, #tpu.memory_space<vmem>>) target(%dma_start3A_163 : memref<128xf32, #tpu.memory_space<hbm>>) target_semaphore(%run_scoped3A : memref<!tpu.dma_semaphore, #tpu.memory_space<semaphore_mem>>)
      %dma_wait3A = tpu.memref_slice %arg10[%mul3A_156] : memref<4096xf32, #tpu.memory_space<hbm>> -> memref<128xf32, #tpu.memory_space<hbm>>
      %dma_wait3A_164 = tpu.memref_slice %arg10[%mul3A_156] : memref<4096xf32, #tpu.memory_space<hbm>> -> memref<128xf32, #tpu.memory_space<hbm>>
      tpu.wait_dma2 semaphore(%run_scoped3A : memref<!tpu.dma_semaphore, #tpu.memory_space<semaphore_mem>>) src(%arg18 : memref<128xf32, #tpu.memory_space<vmem>>) dst(%dma_wait3A_164 : memref<128xf32, #tpu.memory_space<hbm>>)
      tpu.yield
    }) : () -> ()
    "tpu.region"() ({
      %run_scoped3A = tpu.sem_alloc : memref<!tpu.dma_semaphore, #tpu.memory_space<semaphore_mem>>
      %dma_start3A = tpu.memref_slice %arg11[%mul3A_156] : memref<4096xi32, #tpu.memory_space<hbm>> -> memref<128xi32, #tpu.memory_space<hbm>>
      %dma_start3A_163 = tpu.memref_slice %arg11[%mul3A_156] : memref<4096xi32, #tpu.memory_space<hbm>> -> memref<128xi32, #tpu.memory_space<hbm>>
      tpu.enqueue_dma source(%arg26 : memref<128xi32, #tpu.memory_space<vmem>>) target(%dma_start3A_163 : memref<128xi32, #tpu.memory_space<hbm>>) target_semaphore(%run_scoped3A : memref<!tpu.dma_semaphore, #tpu.memory_space<semaphore_mem>>)
      %dma_wait3A = tpu.memref_slice %arg11[%mul3A_156] : memref<4096xi32, #tpu.memory_space<hbm>> -> memref<128xi32, #tpu.memory_space<hbm>>
      %dma_wait3A_164 = tpu.memref_slice %arg11[%mul3A_156] : memref<4096xi32, #tpu.memory_space<hbm>> -> memref<128xi32, #tpu.memory_space<hbm>>
      tpu.wait_dma2 semaphore(%run_scoped3A : memref<!tpu.dma_semaphore, #tpu.memory_space<semaphore_mem>>) src(%arg26 : memref<128xi32, #tpu.memory_space<vmem>>) dst(%dma_wait3A_164 : memref<128xi32, #tpu.memory_space<hbm>>)
      tpu.yield
    }) : () -> ()
    return
  }
}

module attributes {stable_mosaic.version = 14 : i64} {
  func.func @_fps_body(%arg0: memref<48x2048xf32, #tpu.memory_space<vmem>>, %arg1: memref<16x256xi32, #tpu.memory_space<vmem>>) attributes {dimension_semantics = [], scalar_prefetch = 0 : i64, scratch_operands = 0 : i64, tpu.core_type = #tpu.core_type<tc>} {
    %get3A = arith.constant 0 : index
    %get3A_0 = arith.constant 0 : index
    %get3A_1 = vector.load %arg0[%get3A, %get3A_0] : memref<48x2048xf32, #tpu.memory_space<vmem>>, vector<48x2048xf32>
    %iota3A = tpu.iota {dimensions = array<i32: 1>} : vector<8x256xi32>
    %slice3A = vector.extract_strided_slice %get3A_1 {offsets = [0, 0], sizes = [16, 2048], strides = [1, 1]} : vector<48x2048xf32> to vector<16x2048xf32>
    %slice3A_2 = vector.extract_strided_slice %slice3A {offsets = [0, 0], sizes = [8, 2048], strides = [1, 1]} : vector<16x2048xf32> to vector<8x2048xf32>
    %slice3A_3 = vector.extract_strided_slice %get3A_1 {offsets = [16, 0], sizes = [16, 2048], strides = [1, 1]} : vector<48x2048xf32> to vector<16x2048xf32>
    %slice3A_4 = vector.extract_strided_slice %slice3A_3 {offsets = [0, 0], sizes = [8, 2048], strides = [1, 1]} : vector<16x2048xf32> to vector<8x2048xf32>
    %slice3A_5 = vector.extract_strided_slice %get3A_1 {offsets = [32, 0], sizes = [16, 2048], strides = [1, 1]} : vector<48x2048xf32> to vector<16x2048xf32>
    %slice3A_6 = vector.extract_strided_slice %slice3A_5 {offsets = [0, 0], sizes = [8, 2048], strides = [1, 1]} : vector<16x2048xf32> to vector<8x2048xf32>
    %concatenate3A = tpu.concatenate %slice3A_2, %slice3A_4, %slice3A_6 in 0 : vector<8x2048xf32>, vector<8x2048xf32>, vector<8x2048xf32> -> vector<24x2048xf32>
    %slice3A_7 = vector.extract_strided_slice %get3A_1 {offsets = [0, 0], sizes = [16, 2048], strides = [1, 1]} : vector<48x2048xf32> to vector<16x2048xf32>
    %slice3A_8 = vector.extract_strided_slice %slice3A_7 {offsets = [8, 0], sizes = [8, 2048], strides = [1, 1]} : vector<16x2048xf32> to vector<8x2048xf32>
    %slice3A_9 = vector.extract_strided_slice %get3A_1 {offsets = [16, 0], sizes = [16, 2048], strides = [1, 1]} : vector<48x2048xf32> to vector<16x2048xf32>
    %slice3A_10 = vector.extract_strided_slice %slice3A_9 {offsets = [8, 0], sizes = [8, 2048], strides = [1, 1]} : vector<16x2048xf32> to vector<8x2048xf32>
    %slice3A_11 = vector.extract_strided_slice %get3A_1 {offsets = [32, 0], sizes = [16, 2048], strides = [1, 1]} : vector<48x2048xf32> to vector<16x2048xf32>
    %slice3A_12 = vector.extract_strided_slice %slice3A_11 {offsets = [8, 0], sizes = [8, 2048], strides = [1, 1]} : vector<16x2048xf32> to vector<8x2048xf32>
    %concatenate3A_13 = tpu.concatenate %slice3A_8, %slice3A_10, %slice3A_12 in 0 : vector<8x2048xf32>, vector<8x2048xf32>, vector<8x2048xf32> -> vector<24x2048xf32>
    %broadcast_in_dim3A = arith.constant 0x7F800000 : f32
    %broadcast_in_dim3A_14 = vector.broadcast %broadcast_in_dim3A : f32 to vector<8x2048xf32>
    %broadcast_in_dim3A_15 = arith.constant 0 : i32
    %broadcast_in_dim3A_16 = vector.broadcast %broadcast_in_dim3A_15 : i32 to vector<8x256xi32>
    %slice3A_17 = vector.extract_strided_slice %concatenate3A {offsets = [0, 0], sizes = [24, 1], strides = [1, 1]} : vector<24x2048xf32> to vector<24x1xf32>
    %broadcast_in_dim3A_18 = arith.constant 0x7F800000 : f32
    %broadcast_in_dim3A_19 = vector.broadcast %broadcast_in_dim3A_18 : f32 to vector<8x2048xf32>
    %broadcast_in_dim3A_20 = arith.constant 0 : i32
    %broadcast_in_dim3A_21 = vector.broadcast %broadcast_in_dim3A_20 : i32 to vector<8x256xi32>
    %slice3A_22 = vector.extract_strided_slice %concatenate3A_13 {offsets = [0, 0], sizes = [24, 1], strides = [1, 1]} : vector<24x2048xf32> to vector<24x1xf32>
    %scan3A = arith.constant 1 : i32
    %scan3A_23 = arith.constant 254 : i32
    %scan3A_24 = arith.addi %scan3A, %scan3A_23 : i32
    %scan3A_25 = arith.constant 2 : i32
    %scan3A_26:6 = scf.for %scan3A_519 = %scan3A to %scan3A_24 step %scan3A_25 iter_args(%scan3A_520 = %broadcast_in_dim3A_14, %scan3A_521 = %broadcast_in_dim3A_16, %scan3A_522 = %slice3A_17, %scan3A_523 = %broadcast_in_dim3A_19, %scan3A_524 = %broadcast_in_dim3A_21, %scan3A_525 = %slice3A_22) -> (vector<8x2048xf32>, vector<8x256xi32>, vector<24x1xf32>, vector<8x2048xf32>, vector<8x256xi32>, vector<24x1xf32>)  : i32 {
      %slice3A_526 = vector.extract_strided_slice %scan3A_522 {offsets = [0, 0], sizes = [8, 1], strides = [1, 1]} : vector<24x1xf32> to vector<8x1xf32>
      %slice3A_527 = vector.extract_strided_slice %scan3A_522 {offsets = [8, 0], sizes = [8, 1], strides = [1, 1]} : vector<24x1xf32> to vector<8x1xf32>
      %slice3A_528 = vector.extract_strided_slice %scan3A_522 {offsets = [16, 0], sizes = [8, 1], strides = [1, 1]} : vector<24x1xf32> to vector<8x1xf32>
      %slice3A_529 = vector.extract_strided_slice %concatenate3A {offsets = [0, 0], sizes = [8, 2048], strides = [1, 1]} : vector<24x2048xf32> to vector<8x2048xf32>
      %sub3A_530 = vector.broadcast %slice3A_526 : vector<8x1xf32> to vector<8x2048xf32>
      %sub3A_531 = arith.subf %slice3A_529, %sub3A_530 : vector<8x2048xf32>
      %slice3A_532 = vector.extract_strided_slice %concatenate3A {offsets = [8, 0], sizes = [8, 2048], strides = [1, 1]} : vector<24x2048xf32> to vector<8x2048xf32>
      %sub3A_533 = vector.broadcast %slice3A_527 : vector<8x1xf32> to vector<8x2048xf32>
      %sub3A_534 = arith.subf %slice3A_532, %sub3A_533 : vector<8x2048xf32>
      %slice3A_535 = vector.extract_strided_slice %concatenate3A {offsets = [16, 0], sizes = [8, 2048], strides = [1, 1]} : vector<24x2048xf32> to vector<8x2048xf32>
      %sub3A_536 = vector.broadcast %slice3A_528 : vector<8x1xf32> to vector<8x2048xf32>
      %sub3A_537 = arith.subf %slice3A_535, %sub3A_536 : vector<8x2048xf32>
      %mul3A_538 = arith.mulf %sub3A_531, %sub3A_531 : vector<8x2048xf32>
      %mul3A_539 = arith.mulf %sub3A_534, %sub3A_534 : vector<8x2048xf32>
      %add3A_540 = arith.addf %mul3A_538, %mul3A_539 : vector<8x2048xf32>
      %mul3A_541 = arith.mulf %sub3A_537, %sub3A_537 : vector<8x2048xf32>
      %add3A_542 = arith.addf %add3A_540, %mul3A_541 : vector<8x2048xf32>
      %min3A_543 = arith.minimumf %scan3A_520, %add3A_542 : vector<8x2048xf32>
      %argmax3A_544 = tpu.reduce_index %min3A_543 {axis = 1 : i32, kind = #tpu.reduction_kind<arg_max>} : vector<8x2048xf32> -> vector<8xi32>
      %broadcast_in_dim3A_545 = vector.shape_cast %argmax3A_544 : vector<8xi32> to vector<8x1xi32>
      %concatenate3A_546 = tpu.concatenate %broadcast_in_dim3A_545, %broadcast_in_dim3A_545, %broadcast_in_dim3A_545 in 0 : vector<8x1xi32>, vector<8x1xi32>, vector<8x1xi32> -> vector<24x1xi32>
      %jit3A_547 = arith.constant 128 : i32
      %div3A_548 = vector.broadcast %jit3A_547 : i32 to vector<24x1xi32>
      %div3A_549 = arith.divsi %concatenate3A_546, %div3A_548 : vector<24x1xi32>
      %sign3A_550 = arith.constant 0 : i32
      %sign3A_551 = vector.broadcast %sign3A_550 : i32 to vector<24x1xi32>
      %sign3A_552 = arith.cmpi sgt, %concatenate3A_546, %sign3A_551 : vector<24x1xi32>
      %sign3A_553 = arith.extui %sign3A_552 : vector<24x1xi1> to vector<24x1xi32>
      %sign3A_554 = arith.constant 0 : i32
      %sign3A_555 = vector.broadcast %sign3A_554 : i32 to vector<24x1xi32>
      %sign3A_556 = arith.cmpi slt, %concatenate3A_546, %sign3A_555 : vector<24x1xi32>
      %sign3A_557 = arith.extui %sign3A_556 : vector<24x1xi1> to vector<24x1xi32>
      %sign3A_558 = arith.subi %sign3A_553, %sign3A_557 : vector<24x1xi32>
      %sign3A_559 = arith.constant 0 : i32
      %sign3A_560 = arith.cmpi sgt, %jit3A_547, %sign3A_559 : i32
      %sign3A_561 = arith.extui %sign3A_560 : i1 to i32
      %sign3A_562 = arith.constant 0 : i32
      %sign3A_563 = arith.cmpi slt, %jit3A_547, %sign3A_562 : i32
      %sign3A_564 = arith.extui %sign3A_563 : i1 to i32
      %sign3A_565 = arith.subi %sign3A_561, %sign3A_564 : i32
      %ne3A_566 = vector.broadcast %sign3A_565 : i32 to vector<24x1xi32>
      %ne3A_567 = arith.cmpi ne, %sign3A_558, %ne3A_566 : vector<24x1xi32>
      %rem3A_568 = vector.broadcast %jit3A_547 : i32 to vector<24x1xi32>
      %rem3A_569 = arith.remsi %concatenate3A_546, %rem3A_568 : vector<24x1xi32>
      %ne3A_570 = arith.constant 0 : i32
      %ne3A_571 = vector.broadcast %ne3A_570 : i32 to vector<24x1xi32>
      %ne3A_572 = arith.cmpi ne, %rem3A_569, %ne3A_571 : vector<24x1xi32>
      %and3A_573 = arith.andi %ne3A_567, %ne3A_572 : vector<24x1xi1>
      %sub3A_574 = arith.constant 1 : i32
      %sub3A_575 = vector.broadcast %sub3A_574 : i32 to vector<24x1xi32>
      %sub3A_576 = arith.subi %div3A_549, %sub3A_575 : vector<24x1xi32>
      %select_n3A_577 = arith.select %and3A_573, %sub3A_576, %div3A_549 : vector<24x1xi1>, vector<24x1xi32>
      %jit3A_578 = arith.constant 128 : i32
      %eq3A_579 = arith.constant 0 : i32
      %eq3A_580 = arith.cmpi eq, %jit3A_578, %eq3A_579 : i32
      %jit3A_581 = arith.constant 1 : i32
      %select_n3A_582 = arith.select %eq3A_580, %jit3A_581, %jit3A_578 : i32
      %rem3A_583 = vector.broadcast %select_n3A_582 : i32 to vector<24x1xi32>
      %rem3A_584 = arith.remsi %concatenate3A_546, %rem3A_583 : vector<24x1xi32>
      %ne3A_585 = arith.constant 0 : i32
      %ne3A_586 = vector.broadcast %ne3A_585 : i32 to vector<24x1xi32>
      %ne3A_587 = arith.cmpi ne, %rem3A_584, %ne3A_586 : vector<24x1xi32>
      %lt3A_588 = arith.constant 0 : i32
      %lt3A_589 = vector.broadcast %lt3A_588 : i32 to vector<24x1xi32>
      %lt3A_590 = arith.cmpi slt, %rem3A_584, %lt3A_589 : vector<24x1xi32>
      %lt3A_591 = arith.constant 0 : i32
      %lt3A_592 = arith.cmpi slt, %select_n3A_582, %lt3A_591 : i32
      %ne3A_593 = vector.broadcast %lt3A_592 : i1 to vector<24x1xi1>
      %ne3A_594 = vector.broadcast %ne3A_593 : vector<24x1xi1> to vector<24x1xi1>
      %ne3A_595 = arith.xori %lt3A_590, %ne3A_594 : vector<24x1xi1>
      %and3A_596 = arith.andi %ne3A_595, %ne3A_587 : vector<24x1xi1>
      %add3A_597 = vector.broadcast %select_n3A_582 : i32 to vector<24x1xi32>
      %add3A_598 = arith.addi %rem3A_584, %add3A_597 : vector<24x1xi32>
      %select_n3A_599 = arith.select %and3A_596, %add3A_598, %rem3A_584 : vector<24x1xi1>, vector<24x1xi32>
      %broadcast_in_dim3A_600 = arith.constant 0.000000e+00 : f32
      %broadcast_in_dim3A_601 = vector.broadcast %broadcast_in_dim3A_600 : f32 to vector<24x128xf32>
      %eq3A_602 = arith.constant 0 : i32
      %eq3A_603 = vector.broadcast %eq3A_602 : i32 to vector<24x1xi32>
      %eq3A_604 = arith.cmpi eq, %select_n3A_577, %eq3A_603 : vector<24x1xi32>
      %slice3A_605 = vector.extract_strided_slice %concatenate3A {offsets = [0, 0], sizes = [24, 128], strides = [1, 1]} : vector<24x2048xf32> to vector<24x128xf32>
      %jit3A_606 = arith.constant 0.000000e+00 : f32
      %broadcast_in_dim3A_607 = vector.shape_cast %eq3A_604 : vector<24x1xi1> to vector<24x1xi1>
      %broadcast_in_dim3A_608 = vector.broadcast %broadcast_in_dim3A_607 : vector<24x1xi1> to vector<24x128xi1>
      %broadcast_in_dim3A_609 = vector.broadcast %jit3A_606 : f32 to vector<24x128xf32>
      %select_n3A_610 = arith.select %broadcast_in_dim3A_608, %slice3A_605, %broadcast_in_dim3A_609 : vector<24x128xi1>, vector<24x128xf32>
      %add3A_611 = arith.addf %broadcast_in_dim3A_601, %select_n3A_610 : vector<24x128xf32>
      %eq3A_612 = arith.constant 1 : i32
      %eq3A_613 = vector.broadcast %eq3A_612 : i32 to vector<24x1xi32>
      %eq3A_614 = arith.cmpi eq, %select_n3A_577, %eq3A_613 : vector<24x1xi32>
      %slice3A_615 = vector.extract_strided_slice %concatenate3A {offsets = [0, 128], sizes = [24, 128], strides = [1, 1]} : vector<24x2048xf32> to vector<24x128xf32>
      %jit3A_616 = arith.constant 0.000000e+00 : f32
      %broadcast_in_dim3A_617 = vector.shape_cast %eq3A_614 : vector<24x1xi1> to vector<24x1xi1>
      %broadcast_in_dim3A_618 = vector.broadcast %broadcast_in_dim3A_617 : vector<24x1xi1> to vector<24x128xi1>
      %broadcast_in_dim3A_619 = vector.broadcast %jit3A_616 : f32 to vector<24x128xf32>
      %select_n3A_620 = arith.select %broadcast_in_dim3A_618, %slice3A_615, %broadcast_in_dim3A_619 : vector<24x128xi1>, vector<24x128xf32>
      %add3A_621 = arith.addf %add3A_611, %select_n3A_620 : vector<24x128xf32>
      %eq3A_622 = arith.constant 2 : i32
      %eq3A_623 = vector.broadcast %eq3A_622 : i32 to vector<24x1xi32>
      %eq3A_624 = arith.cmpi eq, %select_n3A_577, %eq3A_623 : vector<24x1xi32>
      %slice3A_625 = vector.extract_strided_slice %concatenate3A {offsets = [0, 256], sizes = [24, 128], strides = [1, 1]} : vector<24x2048xf32> to vector<24x128xf32>
      %jit3A_626 = arith.constant 0.000000e+00 : f32
      %broadcast_in_dim3A_627 = vector.shape_cast %eq3A_624 : vector<24x1xi1> to vector<24x1xi1>
      %broadcast_in_dim3A_628 = vector.broadcast %broadcast_in_dim3A_627 : vector<24x1xi1> to vector<24x128xi1>
      %broadcast_in_dim3A_629 = vector.broadcast %jit3A_626 : f32 to vector<24x128xf32>
      %select_n3A_630 = arith.select %broadcast_in_dim3A_628, %slice3A_625, %broadcast_in_dim3A_629 : vector<24x128xi1>, vector<24x128xf32>
      %add3A_631 = arith.addf %add3A_621, %select_n3A_630 : vector<24x128xf32>
      %eq3A_632 = arith.constant 3 : i32
      %eq3A_633 = vector.broadcast %eq3A_632 : i32 to vector<24x1xi32>
      %eq3A_634 = arith.cmpi eq, %select_n3A_577, %eq3A_633 : vector<24x1xi32>
      %slice3A_635 = vector.extract_strided_slice %concatenate3A {offsets = [0, 384], sizes = [24, 128], strides = [1, 1]} : vector<24x2048xf32> to vector<24x128xf32>
      %jit3A_636 = arith.constant 0.000000e+00 : f32
      %broadcast_in_dim3A_637 = vector.shape_cast %eq3A_634 : vector<24x1xi1> to vector<24x1xi1>
      %broadcast_in_dim3A_638 = vector.broadcast %broadcast_in_dim3A_637 : vector<24x1xi1> to vector<24x128xi1>
      %broadcast_in_dim3A_639 = vector.broadcast %jit3A_636 : f32 to vector<24x128xf32>
      %select_n3A_640 = arith.select %broadcast_in_dim3A_638, %slice3A_635, %broadcast_in_dim3A_639 : vector<24x128xi1>, vector<24x128xf32>
      %add3A_641 = arith.addf %add3A_631, %select_n3A_640 : vector<24x128xf32>
      %eq3A_642 = arith.constant 4 : i32
      %eq3A_643 = vector.broadcast %eq3A_642 : i32 to vector<24x1xi32>
      %eq3A_644 = arith.cmpi eq, %select_n3A_577, %eq3A_643 : vector<24x1xi32>
      %slice3A_645 = vector.extract_strided_slice %concatenate3A {offsets = [0, 512], sizes = [24, 128], strides = [1, 1]} : vector<24x2048xf32> to vector<24x128xf32>
      %jit3A_646 = arith.constant 0.000000e+00 : f32
      %broadcast_in_dim3A_647 = vector.shape_cast %eq3A_644 : vector<24x1xi1> to vector<24x1xi1>
      %broadcast_in_dim3A_648 = vector.broadcast %broadcast_in_dim3A_647 : vector<24x1xi1> to vector<24x128xi1>
      %broadcast_in_dim3A_649 = vector.broadcast %jit3A_646 : f32 to vector<24x128xf32>
      %select_n3A_650 = arith.select %broadcast_in_dim3A_648, %slice3A_645, %broadcast_in_dim3A_649 : vector<24x128xi1>, vector<24x128xf32>
      %add3A_651 = arith.addf %add3A_641, %select_n3A_650 : vector<24x128xf32>
      %eq3A_652 = arith.constant 5 : i32
      %eq3A_653 = vector.broadcast %eq3A_652 : i32 to vector<24x1xi32>
      %eq3A_654 = arith.cmpi eq, %select_n3A_577, %eq3A_653 : vector<24x1xi32>
      %slice3A_655 = vector.extract_strided_slice %concatenate3A {offsets = [0, 640], sizes = [24, 128], strides = [1, 1]} : vector<24x2048xf32> to vector<24x128xf32>
      %jit3A_656 = arith.constant 0.000000e+00 : f32
      %broadcast_in_dim3A_657 = vector.shape_cast %eq3A_654 : vector<24x1xi1> to vector<24x1xi1>
      %broadcast_in_dim3A_658 = vector.broadcast %broadcast_in_dim3A_657 : vector<24x1xi1> to vector<24x128xi1>
      %broadcast_in_dim3A_659 = vector.broadcast %jit3A_656 : f32 to vector<24x128xf32>
      %select_n3A_660 = arith.select %broadcast_in_dim3A_658, %slice3A_655, %broadcast_in_dim3A_659 : vector<24x128xi1>, vector<24x128xf32>
      %add3A_661 = arith.addf %add3A_651, %select_n3A_660 : vector<24x128xf32>
      %eq3A_662 = arith.constant 6 : i32
      %eq3A_663 = vector.broadcast %eq3A_662 : i32 to vector<24x1xi32>
      %eq3A_664 = arith.cmpi eq, %select_n3A_577, %eq3A_663 : vector<24x1xi32>
      %slice3A_665 = vector.extract_strided_slice %concatenate3A {offsets = [0, 768], sizes = [24, 128], strides = [1, 1]} : vector<24x2048xf32> to vector<24x128xf32>
      %jit3A_666 = arith.constant 0.000000e+00 : f32
      %broadcast_in_dim3A_667 = vector.shape_cast %eq3A_664 : vector<24x1xi1> to vector<24x1xi1>
      %broadcast_in_dim3A_668 = vector.broadcast %broadcast_in_dim3A_667 : vector<24x1xi1> to vector<24x128xi1>
      %broadcast_in_dim3A_669 = vector.broadcast %jit3A_666 : f32 to vector<24x128xf32>
      %select_n3A_670 = arith.select %broadcast_in_dim3A_668, %slice3A_665, %broadcast_in_dim3A_669 : vector<24x128xi1>, vector<24x128xf32>
      %add3A_671 = arith.addf %add3A_661, %select_n3A_670 : vector<24x128xf32>
      %eq3A_672 = arith.constant 7 : i32
      %eq3A_673 = vector.broadcast %eq3A_672 : i32 to vector<24x1xi32>
      %eq3A_674 = arith.cmpi eq, %select_n3A_577, %eq3A_673 : vector<24x1xi32>
      %slice3A_675 = vector.extract_strided_slice %concatenate3A {offsets = [0, 896], sizes = [24, 128], strides = [1, 1]} : vector<24x2048xf32> to vector<24x128xf32>
      %jit3A_676 = arith.constant 0.000000e+00 : f32
      %broadcast_in_dim3A_677 = vector.shape_cast %eq3A_674 : vector<24x1xi1> to vector<24x1xi1>
      %broadcast_in_dim3A_678 = vector.broadcast %broadcast_in_dim3A_677 : vector<24x1xi1> to vector<24x128xi1>
      %broadcast_in_dim3A_679 = vector.broadcast %jit3A_676 : f32 to vector<24x128xf32>
      %select_n3A_680 = arith.select %broadcast_in_dim3A_678, %slice3A_675, %broadcast_in_dim3A_679 : vector<24x128xi1>, vector<24x128xf32>
      %add3A_681 = arith.addf %add3A_671, %select_n3A_680 : vector<24x128xf32>
      %eq3A_682 = arith.constant 8 : i32
      %eq3A_683 = vector.broadcast %eq3A_682 : i32 to vector<24x1xi32>
      %eq3A_684 = arith.cmpi eq, %select_n3A_577, %eq3A_683 : vector<24x1xi32>
      %slice3A_685 = vector.extract_strided_slice %concatenate3A {offsets = [0, 1024], sizes = [24, 128], strides = [1, 1]} : vector<24x2048xf32> to vector<24x128xf32>
      %jit3A_686 = arith.constant 0.000000e+00 : f32
      %broadcast_in_dim3A_687 = vector.shape_cast %eq3A_684 : vector<24x1xi1> to vector<24x1xi1>
      %broadcast_in_dim3A_688 = vector.broadcast %broadcast_in_dim3A_687 : vector<24x1xi1> to vector<24x128xi1>
      %broadcast_in_dim3A_689 = vector.broadcast %jit3A_686 : f32 to vector<24x128xf32>
      %select_n3A_690 = arith.select %broadcast_in_dim3A_688, %slice3A_685, %broadcast_in_dim3A_689 : vector<24x128xi1>, vector<24x128xf32>
      %add3A_691 = arith.addf %add3A_681, %select_n3A_690 : vector<24x128xf32>
      %eq3A_692 = arith.constant 9 : i32
      %eq3A_693 = vector.broadcast %eq3A_692 : i32 to vector<24x1xi32>
      %eq3A_694 = arith.cmpi eq, %select_n3A_577, %eq3A_693 : vector<24x1xi32>
      %slice3A_695 = vector.extract_strided_slice %concatenate3A {offsets = [0, 1152], sizes = [24, 128], strides = [1, 1]} : vector<24x2048xf32> to vector<24x128xf32>
      %jit3A_696 = arith.constant 0.000000e+00 : f32
      %broadcast_in_dim3A_697 = vector.shape_cast %eq3A_694 : vector<24x1xi1> to vector<24x1xi1>
      %broadcast_in_dim3A_698 = vector.broadcast %broadcast_in_dim3A_697 : vector<24x1xi1> to vector<24x128xi1>
      %broadcast_in_dim3A_699 = vector.broadcast %jit3A_696 : f32 to vector<24x128xf32>
      %select_n3A_700 = arith.select %broadcast_in_dim3A_698, %slice3A_695, %broadcast_in_dim3A_699 : vector<24x128xi1>, vector<24x128xf32>
      %add3A_701 = arith.addf %add3A_691, %select_n3A_700 : vector<24x128xf32>
      %eq3A_702 = arith.constant 10 : i32
      %eq3A_703 = vector.broadcast %eq3A_702 : i32 to vector<24x1xi32>
      %eq3A_704 = arith.cmpi eq, %select_n3A_577, %eq3A_703 : vector<24x1xi32>
      %slice3A_705 = vector.extract_strided_slice %concatenate3A {offsets = [0, 1280], sizes = [24, 128], strides = [1, 1]} : vector<24x2048xf32> to vector<24x128xf32>
      %jit3A_706 = arith.constant 0.000000e+00 : f32
      %broadcast_in_dim3A_707 = vector.shape_cast %eq3A_704 : vector<24x1xi1> to vector<24x1xi1>
      %broadcast_in_dim3A_708 = vector.broadcast %broadcast_in_dim3A_707 : vector<24x1xi1> to vector<24x128xi1>
      %broadcast_in_dim3A_709 = vector.broadcast %jit3A_706 : f32 to vector<24x128xf32>
      %select_n3A_710 = arith.select %broadcast_in_dim3A_708, %slice3A_705, %broadcast_in_dim3A_709 : vector<24x128xi1>, vector<24x128xf32>
      %add3A_711 = arith.addf %add3A_701, %select_n3A_710 : vector<24x128xf32>
      %eq3A_712 = arith.constant 11 : i32
      %eq3A_713 = vector.broadcast %eq3A_712 : i32 to vector<24x1xi32>
      %eq3A_714 = arith.cmpi eq, %select_n3A_577, %eq3A_713 : vector<24x1xi32>
      %slice3A_715 = vector.extract_strided_slice %concatenate3A {offsets = [0, 1408], sizes = [24, 128], strides = [1, 1]} : vector<24x2048xf32> to vector<24x128xf32>
      %jit3A_716 = arith.constant 0.000000e+00 : f32
      %broadcast_in_dim3A_717 = vector.shape_cast %eq3A_714 : vector<24x1xi1> to vector<24x1xi1>
      %broadcast_in_dim3A_718 = vector.broadcast %broadcast_in_dim3A_717 : vector<24x1xi1> to vector<24x128xi1>
      %broadcast_in_dim3A_719 = vector.broadcast %jit3A_716 : f32 to vector<24x128xf32>
      %select_n3A_720 = arith.select %broadcast_in_dim3A_718, %slice3A_715, %broadcast_in_dim3A_719 : vector<24x128xi1>, vector<24x128xf32>
      %add3A_721 = arith.addf %add3A_711, %select_n3A_720 : vector<24x128xf32>
      %eq3A_722 = arith.constant 12 : i32
      %eq3A_723 = vector.broadcast %eq3A_722 : i32 to vector<24x1xi32>
      %eq3A_724 = arith.cmpi eq, %select_n3A_577, %eq3A_723 : vector<24x1xi32>
      %slice3A_725 = vector.extract_strided_slice %concatenate3A {offsets = [0, 1536], sizes = [24, 128], strides = [1, 1]} : vector<24x2048xf32> to vector<24x128xf32>
      %jit3A_726 = arith.constant 0.000000e+00 : f32
      %broadcast_in_dim3A_727 = vector.shape_cast %eq3A_724 : vector<24x1xi1> to vector<24x1xi1>
      %broadcast_in_dim3A_728 = vector.broadcast %broadcast_in_dim3A_727 : vector<24x1xi1> to vector<24x128xi1>
      %broadcast_in_dim3A_729 = vector.broadcast %jit3A_726 : f32 to vector<24x128xf32>
      %select_n3A_730 = arith.select %broadcast_in_dim3A_728, %slice3A_725, %broadcast_in_dim3A_729 : vector<24x128xi1>, vector<24x128xf32>
      %add3A_731 = arith.addf %add3A_721, %select_n3A_730 : vector<24x128xf32>
      %eq3A_732 = arith.constant 13 : i32
      %eq3A_733 = vector.broadcast %eq3A_732 : i32 to vector<24x1xi32>
      %eq3A_734 = arith.cmpi eq, %select_n3A_577, %eq3A_733 : vector<24x1xi32>
      %slice3A_735 = vector.extract_strided_slice %concatenate3A {offsets = [0, 1664], sizes = [24, 128], strides = [1, 1]} : vector<24x2048xf32> to vector<24x128xf32>
      %jit3A_736 = arith.constant 0.000000e+00 : f32
      %broadcast_in_dim3A_737 = vector.shape_cast %eq3A_734 : vector<24x1xi1> to vector<24x1xi1>
      %broadcast_in_dim3A_738 = vector.broadcast %broadcast_in_dim3A_737 : vector<24x1xi1> to vector<24x128xi1>
      %broadcast_in_dim3A_739 = vector.broadcast %jit3A_736 : f32 to vector<24x128xf32>
      %select_n3A_740 = arith.select %broadcast_in_dim3A_738, %slice3A_735, %broadcast_in_dim3A_739 : vector<24x128xi1>, vector<24x128xf32>
      %add3A_741 = arith.addf %add3A_731, %select_n3A_740 : vector<24x128xf32>
      %eq3A_742 = arith.constant 14 : i32
      %eq3A_743 = vector.broadcast %eq3A_742 : i32 to vector<24x1xi32>
      %eq3A_744 = arith.cmpi eq, %select_n3A_577, %eq3A_743 : vector<24x1xi32>
      %slice3A_745 = vector.extract_strided_slice %concatenate3A {offsets = [0, 1792], sizes = [24, 128], strides = [1, 1]} : vector<24x2048xf32> to vector<24x128xf32>
      %jit3A_746 = arith.constant 0.000000e+00 : f32
      %broadcast_in_dim3A_747 = vector.shape_cast %eq3A_744 : vector<24x1xi1> to vector<24x1xi1>
      %broadcast_in_dim3A_748 = vector.broadcast %broadcast_in_dim3A_747 : vector<24x1xi1> to vector<24x128xi1>
      %broadcast_in_dim3A_749 = vector.broadcast %jit3A_746 : f32 to vector<24x128xf32>
      %select_n3A_750 = arith.select %broadcast_in_dim3A_748, %slice3A_745, %broadcast_in_dim3A_749 : vector<24x128xi1>, vector<24x128xf32>
      %add3A_751 = arith.addf %add3A_741, %select_n3A_750 : vector<24x128xf32>
      %eq3A_752 = arith.constant 15 : i32
      %eq3A_753 = vector.broadcast %eq3A_752 : i32 to vector<24x1xi32>
      %eq3A_754 = arith.cmpi eq, %select_n3A_577, %eq3A_753 : vector<24x1xi32>
      %slice3A_755 = vector.extract_strided_slice %concatenate3A {offsets = [0, 1920], sizes = [24, 128], strides = [1, 1]} : vector<24x2048xf32> to vector<24x128xf32>
      %jit3A_756 = arith.constant 0.000000e+00 : f32
      %broadcast_in_dim3A_757 = vector.shape_cast %eq3A_754 : vector<24x1xi1> to vector<24x1xi1>
      %broadcast_in_dim3A_758 = vector.broadcast %broadcast_in_dim3A_757 : vector<24x1xi1> to vector<24x128xi1>
      %broadcast_in_dim3A_759 = vector.broadcast %jit3A_756 : f32 to vector<24x128xf32>
      %select_n3A_760 = arith.select %broadcast_in_dim3A_758, %slice3A_755, %broadcast_in_dim3A_759 : vector<24x128xi1>, vector<24x128xf32>
      %add3A_761 = arith.addf %add3A_751, %select_n3A_760 : vector<24x128xf32>
      %lt3A_762 = arith.constant 0 : i32
      %lt3A_763 = vector.broadcast %lt3A_762 : i32 to vector<24x1xi32>
      %lt3A_764 = arith.cmpi slt, %select_n3A_599, %lt3A_763 : vector<24x1xi32>
      %add3A_765 = arith.constant 128 : i32
      %add3A_766 = vector.broadcast %add3A_765 : i32 to vector<24x1xi32>
      %add3A_767 = arith.addi %select_n3A_599, %add3A_766 : vector<24x1xi32>
      %select_n3A_768 = arith.select %lt3A_764, %add3A_767, %select_n3A_599 : vector<24x1xi1>, vector<24x1xi32>
      %reshape3A_769 = vector.shape_cast %select_n3A_768 : vector<24x1xi32> to vector<24x1x1xi32>
      %gather3A_770 = vector.shape_cast %reshape3A_769 : vector<24x1x1xi32> to vector<24x1xi32>
      %gather3A_771 = tpu.dynamic_gather %add3A_761[%gather3A_770] in [1] : vector<24x128xf32>, vector<24x1xi32> -> vector<24x1xf32>
      %eq3A_772 = vector.broadcast %scan3A_519 : i32 to vector<8x256xi32>
      %eq3A_773 = arith.cmpi eq, %iota3A, %eq3A_772 : vector<8x256xi32>
      %broadcast_in_dim3A_774 = vector.shape_cast %broadcast_in_dim3A_545 : vector<8x1xi32> to vector<8x1xi32>
      %broadcast_in_dim3A_775 = vector.broadcast %broadcast_in_dim3A_774 : vector<8x1xi32> to vector<8x256xi32>
      %select_n3A_776 = arith.select %eq3A_773, %broadcast_in_dim3A_775, %scan3A_521 : vector<8x256xi1>, vector<8x256xi32>
      %slice3A_777 = vector.extract_strided_slice %scan3A_525 {offsets = [0, 0], sizes = [8, 1], strides = [1, 1]} : vector<24x1xf32> to vector<8x1xf32>
      %slice3A_778 = vector.extract_strided_slice %scan3A_525 {offsets = [8, 0], sizes = [8, 1], strides = [1, 1]} : vector<24x1xf32> to vector<8x1xf32>
      %slice3A_779 = vector.extract_strided_slice %scan3A_525 {offsets = [16, 0], sizes = [8, 1], strides = [1, 1]} : vector<24x1xf32> to vector<8x1xf32>
      %slice3A_780 = vector.extract_strided_slice %concatenate3A_13 {offsets = [0, 0], sizes = [8, 2048], strides = [1, 1]} : vector<24x2048xf32> to vector<8x2048xf32>
      %sub3A_781 = vector.broadcast %slice3A_777 : vector<8x1xf32> to vector<8x2048xf32>
      %sub3A_782 = arith.subf %slice3A_780, %sub3A_781 : vector<8x2048xf32>
      %slice3A_783 = vector.extract_strided_slice %concatenate3A_13 {offsets = [8, 0], sizes = [8, 2048], strides = [1, 1]} : vector<24x2048xf32> to vector<8x2048xf32>
      %sub3A_784 = vector.broadcast %slice3A_778 : vector<8x1xf32> to vector<8x2048xf32>
      %sub3A_785 = arith.subf %slice3A_783, %sub3A_784 : vector<8x2048xf32>
      %slice3A_786 = vector.extract_strided_slice %concatenate3A_13 {offsets = [16, 0], sizes = [8, 2048], strides = [1, 1]} : vector<24x2048xf32> to vector<8x2048xf32>
      %sub3A_787 = vector.broadcast %slice3A_779 : vector<8x1xf32> to vector<8x2048xf32>
      %sub3A_788 = arith.subf %slice3A_786, %sub3A_787 : vector<8x2048xf32>
      %mul3A_789 = arith.mulf %sub3A_782, %sub3A_782 : vector<8x2048xf32>
      %mul3A_790 = arith.mulf %sub3A_785, %sub3A_785 : vector<8x2048xf32>
      %add3A_791 = arith.addf %mul3A_789, %mul3A_790 : vector<8x2048xf32>
      %mul3A_792 = arith.mulf %sub3A_788, %sub3A_788 : vector<8x2048xf32>
      %add3A_793 = arith.addf %add3A_791, %mul3A_792 : vector<8x2048xf32>
      %min3A_794 = arith.minimumf %scan3A_523, %add3A_793 : vector<8x2048xf32>
      %argmax3A_795 = tpu.reduce_index %min3A_794 {axis = 1 : i32, kind = #tpu.reduction_kind<arg_max>} : vector<8x2048xf32> -> vector<8xi32>
      %broadcast_in_dim3A_796 = vector.shape_cast %argmax3A_795 : vector<8xi32> to vector<8x1xi32>
      %concatenate3A_797 = tpu.concatenate %broadcast_in_dim3A_796, %broadcast_in_dim3A_796, %broadcast_in_dim3A_796 in 0 : vector<8x1xi32>, vector<8x1xi32>, vector<8x1xi32> -> vector<24x1xi32>
      %jit3A_798 = arith.constant 128 : i32
      %div3A_799 = vector.broadcast %jit3A_798 : i32 to vector<24x1xi32>
      %div3A_800 = arith.divsi %concatenate3A_797, %div3A_799 : vector<24x1xi32>
      %sign3A_801 = arith.constant 0 : i32
      %sign3A_802 = vector.broadcast %sign3A_801 : i32 to vector<24x1xi32>
      %sign3A_803 = arith.cmpi sgt, %concatenate3A_797, %sign3A_802 : vector<24x1xi32>
      %sign3A_804 = arith.extui %sign3A_803 : vector<24x1xi1> to vector<24x1xi32>
      %sign3A_805 = arith.constant 0 : i32
      %sign3A_806 = vector.broadcast %sign3A_805 : i32 to vector<24x1xi32>
      %sign3A_807 = arith.cmpi slt, %concatenate3A_797, %sign3A_806 : vector<24x1xi32>
      %sign3A_808 = arith.extui %sign3A_807 : vector<24x1xi1> to vector<24x1xi32>
      %sign3A_809 = arith.subi %sign3A_804, %sign3A_808 : vector<24x1xi32>
      %sign3A_810 = arith.constant 0 : i32
      %sign3A_811 = arith.cmpi sgt, %jit3A_798, %sign3A_810 : i32
      %sign3A_812 = arith.extui %sign3A_811 : i1 to i32
      %sign3A_813 = arith.constant 0 : i32
      %sign3A_814 = arith.cmpi slt, %jit3A_798, %sign3A_813 : i32
      %sign3A_815 = arith.extui %sign3A_814 : i1 to i32
      %sign3A_816 = arith.subi %sign3A_812, %sign3A_815 : i32
      %ne3A_817 = vector.broadcast %sign3A_816 : i32 to vector<24x1xi32>
      %ne3A_818 = arith.cmpi ne, %sign3A_809, %ne3A_817 : vector<24x1xi32>
      %rem3A_819 = vector.broadcast %jit3A_798 : i32 to vector<24x1xi32>
      %rem3A_820 = arith.remsi %concatenate3A_797, %rem3A_819 : vector<24x1xi32>
      %ne3A_821 = arith.constant 0 : i32
      %ne3A_822 = vector.broadcast %ne3A_821 : i32 to vector<24x1xi32>
      %ne3A_823 = arith.cmpi ne, %rem3A_820, %ne3A_822 : vector<24x1xi32>
      %and3A_824 = arith.andi %ne3A_818, %ne3A_823 : vector<24x1xi1>
      %sub3A_825 = arith.constant 1 : i32
      %sub3A_826 = vector.broadcast %sub3A_825 : i32 to vector<24x1xi32>
      %sub3A_827 = arith.subi %div3A_800, %sub3A_826 : vector<24x1xi32>
      %select_n3A_828 = arith.select %and3A_824, %sub3A_827, %div3A_800 : vector<24x1xi1>, vector<24x1xi32>
      %jit3A_829 = arith.constant 128 : i32
      %eq3A_830 = arith.constant 0 : i32
      %eq3A_831 = arith.cmpi eq, %jit3A_829, %eq3A_830 : i32
      %jit3A_832 = arith.constant 1 : i32
      %select_n3A_833 = arith.select %eq3A_831, %jit3A_832, %jit3A_829 : i32
      %rem3A_834 = vector.broadcast %select_n3A_833 : i32 to vector<24x1xi32>
      %rem3A_835 = arith.remsi %concatenate3A_797, %rem3A_834 : vector<24x1xi32>
      %ne3A_836 = arith.constant 0 : i32
      %ne3A_837 = vector.broadcast %ne3A_836 : i32 to vector<24x1xi32>
      %ne3A_838 = arith.cmpi ne, %rem3A_835, %ne3A_837 : vector<24x1xi32>
      %lt3A_839 = arith.constant 0 : i32
      %lt3A_840 = vector.broadcast %lt3A_839 : i32 to vector<24x1xi32>
      %lt3A_841 = arith.cmpi slt, %rem3A_835, %lt3A_840 : vector<24x1xi32>
      %lt3A_842 = arith.constant 0 : i32
      %lt3A_843 = arith.cmpi slt, %select_n3A_833, %lt3A_842 : i32
      %ne3A_844 = vector.broadcast %lt3A_843 : i1 to vector<24x1xi1>
      %ne3A_845 = vector.broadcast %ne3A_844 : vector<24x1xi1> to vector<24x1xi1>
      %ne3A_846 = arith.xori %lt3A_841, %ne3A_845 : vector<24x1xi1>
      %and3A_847 = arith.andi %ne3A_846, %ne3A_838 : vector<24x1xi1>
      %add3A_848 = vector.broadcast %select_n3A_833 : i32 to vector<24x1xi32>
      %add3A_849 = arith.addi %rem3A_835, %add3A_848 : vector<24x1xi32>
      %select_n3A_850 = arith.select %and3A_847, %add3A_849, %rem3A_835 : vector<24x1xi1>, vector<24x1xi32>
      %broadcast_in_dim3A_851 = arith.constant 0.000000e+00 : f32
      %broadcast_in_dim3A_852 = vector.broadcast %broadcast_in_dim3A_851 : f32 to vector<24x128xf32>
      %eq3A_853 = arith.constant 0 : i32
      %eq3A_854 = vector.broadcast %eq3A_853 : i32 to vector<24x1xi32>
      %eq3A_855 = arith.cmpi eq, %select_n3A_828, %eq3A_854 : vector<24x1xi32>
      %slice3A_856 = vector.extract_strided_slice %concatenate3A_13 {offsets = [0, 0], sizes = [24, 128], strides = [1, 1]} : vector<24x2048xf32> to vector<24x128xf32>
      %jit3A_857 = arith.constant 0.000000e+00 : f32
      %broadcast_in_dim3A_858 = vector.shape_cast %eq3A_855 : vector<24x1xi1> to vector<24x1xi1>
      %broadcast_in_dim3A_859 = vector.broadcast %broadcast_in_dim3A_858 : vector<24x1xi1> to vector<24x128xi1>
      %broadcast_in_dim3A_860 = vector.broadcast %jit3A_857 : f32 to vector<24x128xf32>
      %select_n3A_861 = arith.select %broadcast_in_dim3A_859, %slice3A_856, %broadcast_in_dim3A_860 : vector<24x128xi1>, vector<24x128xf32>
      %add3A_862 = arith.addf %broadcast_in_dim3A_852, %select_n3A_861 : vector<24x128xf32>
      %eq3A_863 = arith.constant 1 : i32
      %eq3A_864 = vector.broadcast %eq3A_863 : i32 to vector<24x1xi32>
      %eq3A_865 = arith.cmpi eq, %select_n3A_828, %eq3A_864 : vector<24x1xi32>
      %slice3A_866 = vector.extract_strided_slice %concatenate3A_13 {offsets = [0, 128], sizes = [24, 128], strides = [1, 1]} : vector<24x2048xf32> to vector<24x128xf32>
      %jit3A_867 = arith.constant 0.000000e+00 : f32
      %broadcast_in_dim3A_868 = vector.shape_cast %eq3A_865 : vector<24x1xi1> to vector<24x1xi1>
      %broadcast_in_dim3A_869 = vector.broadcast %broadcast_in_dim3A_868 : vector<24x1xi1> to vector<24x128xi1>
      %broadcast_in_dim3A_870 = vector.broadcast %jit3A_867 : f32 to vector<24x128xf32>
      %select_n3A_871 = arith.select %broadcast_in_dim3A_869, %slice3A_866, %broadcast_in_dim3A_870 : vector<24x128xi1>, vector<24x128xf32>
      %add3A_872 = arith.addf %add3A_862, %select_n3A_871 : vector<24x128xf32>
      %eq3A_873 = arith.constant 2 : i32
      %eq3A_874 = vector.broadcast %eq3A_873 : i32 to vector<24x1xi32>
      %eq3A_875 = arith.cmpi eq, %select_n3A_828, %eq3A_874 : vector<24x1xi32>
      %slice3A_876 = vector.extract_strided_slice %concatenate3A_13 {offsets = [0, 256], sizes = [24, 128], strides = [1, 1]} : vector<24x2048xf32> to vector<24x128xf32>
      %jit3A_877 = arith.constant 0.000000e+00 : f32
      %broadcast_in_dim3A_878 = vector.shape_cast %eq3A_875 : vector<24x1xi1> to vector<24x1xi1>
      %broadcast_in_dim3A_879 = vector.broadcast %broadcast_in_dim3A_878 : vector<24x1xi1> to vector<24x128xi1>
      %broadcast_in_dim3A_880 = vector.broadcast %jit3A_877 : f32 to vector<24x128xf32>
      %select_n3A_881 = arith.select %broadcast_in_dim3A_879, %slice3A_876, %broadcast_in_dim3A_880 : vector<24x128xi1>, vector<24x128xf32>
      %add3A_882 = arith.addf %add3A_872, %select_n3A_881 : vector<24x128xf32>
      %eq3A_883 = arith.constant 3 : i32
      %eq3A_884 = vector.broadcast %eq3A_883 : i32 to vector<24x1xi32>
      %eq3A_885 = arith.cmpi eq, %select_n3A_828, %eq3A_884 : vector<24x1xi32>
      %slice3A_886 = vector.extract_strided_slice %concatenate3A_13 {offsets = [0, 384], sizes = [24, 128], strides = [1, 1]} : vector<24x2048xf32> to vector<24x128xf32>
      %jit3A_887 = arith.constant 0.000000e+00 : f32
      %broadcast_in_dim3A_888 = vector.shape_cast %eq3A_885 : vector<24x1xi1> to vector<24x1xi1>
      %broadcast_in_dim3A_889 = vector.broadcast %broadcast_in_dim3A_888 : vector<24x1xi1> to vector<24x128xi1>
      %broadcast_in_dim3A_890 = vector.broadcast %jit3A_887 : f32 to vector<24x128xf32>
      %select_n3A_891 = arith.select %broadcast_in_dim3A_889, %slice3A_886, %broadcast_in_dim3A_890 : vector<24x128xi1>, vector<24x128xf32>
      %add3A_892 = arith.addf %add3A_882, %select_n3A_891 : vector<24x128xf32>
      %eq3A_893 = arith.constant 4 : i32
      %eq3A_894 = vector.broadcast %eq3A_893 : i32 to vector<24x1xi32>
      %eq3A_895 = arith.cmpi eq, %select_n3A_828, %eq3A_894 : vector<24x1xi32>
      %slice3A_896 = vector.extract_strided_slice %concatenate3A_13 {offsets = [0, 512], sizes = [24, 128], strides = [1, 1]} : vector<24x2048xf32> to vector<24x128xf32>
      %jit3A_897 = arith.constant 0.000000e+00 : f32
      %broadcast_in_dim3A_898 = vector.shape_cast %eq3A_895 : vector<24x1xi1> to vector<24x1xi1>
      %broadcast_in_dim3A_899 = vector.broadcast %broadcast_in_dim3A_898 : vector<24x1xi1> to vector<24x128xi1>
      %broadcast_in_dim3A_900 = vector.broadcast %jit3A_897 : f32 to vector<24x128xf32>
      %select_n3A_901 = arith.select %broadcast_in_dim3A_899, %slice3A_896, %broadcast_in_dim3A_900 : vector<24x128xi1>, vector<24x128xf32>
      %add3A_902 = arith.addf %add3A_892, %select_n3A_901 : vector<24x128xf32>
      %eq3A_903 = arith.constant 5 : i32
      %eq3A_904 = vector.broadcast %eq3A_903 : i32 to vector<24x1xi32>
      %eq3A_905 = arith.cmpi eq, %select_n3A_828, %eq3A_904 : vector<24x1xi32>
      %slice3A_906 = vector.extract_strided_slice %concatenate3A_13 {offsets = [0, 640], sizes = [24, 128], strides = [1, 1]} : vector<24x2048xf32> to vector<24x128xf32>
      %jit3A_907 = arith.constant 0.000000e+00 : f32
      %broadcast_in_dim3A_908 = vector.shape_cast %eq3A_905 : vector<24x1xi1> to vector<24x1xi1>
      %broadcast_in_dim3A_909 = vector.broadcast %broadcast_in_dim3A_908 : vector<24x1xi1> to vector<24x128xi1>
      %broadcast_in_dim3A_910 = vector.broadcast %jit3A_907 : f32 to vector<24x128xf32>
      %select_n3A_911 = arith.select %broadcast_in_dim3A_909, %slice3A_906, %broadcast_in_dim3A_910 : vector<24x128xi1>, vector<24x128xf32>
      %add3A_912 = arith.addf %add3A_902, %select_n3A_911 : vector<24x128xf32>
      %eq3A_913 = arith.constant 6 : i32
      %eq3A_914 = vector.broadcast %eq3A_913 : i32 to vector<24x1xi32>
      %eq3A_915 = arith.cmpi eq, %select_n3A_828, %eq3A_914 : vector<24x1xi32>
      %slice3A_916 = vector.extract_strided_slice %concatenate3A_13 {offsets = [0, 768], sizes = [24, 128], strides = [1, 1]} : vector<24x2048xf32> to vector<24x128xf32>
      %jit3A_917 = arith.constant 0.000000e+00 : f32
      %broadcast_in_dim3A_918 = vector.shape_cast %eq3A_915 : vector<24x1xi1> to vector<24x1xi1>
      %broadcast_in_dim3A_919 = vector.broadcast %broadcast_in_dim3A_918 : vector<24x1xi1> to vector<24x128xi1>
      %broadcast_in_dim3A_920 = vector.broadcast %jit3A_917 : f32 to vector<24x128xf32>
      %select_n3A_921 = arith.select %broadcast_in_dim3A_919, %slice3A_916, %broadcast_in_dim3A_920 : vector<24x128xi1>, vector<24x128xf32>
      %add3A_922 = arith.addf %add3A_912, %select_n3A_921 : vector<24x128xf32>
      %eq3A_923 = arith.constant 7 : i32
      %eq3A_924 = vector.broadcast %eq3A_923 : i32 to vector<24x1xi32>
      %eq3A_925 = arith.cmpi eq, %select_n3A_828, %eq3A_924 : vector<24x1xi32>
      %slice3A_926 = vector.extract_strided_slice %concatenate3A_13 {offsets = [0, 896], sizes = [24, 128], strides = [1, 1]} : vector<24x2048xf32> to vector<24x128xf32>
      %jit3A_927 = arith.constant 0.000000e+00 : f32
      %broadcast_in_dim3A_928 = vector.shape_cast %eq3A_925 : vector<24x1xi1> to vector<24x1xi1>
      %broadcast_in_dim3A_929 = vector.broadcast %broadcast_in_dim3A_928 : vector<24x1xi1> to vector<24x128xi1>
      %broadcast_in_dim3A_930 = vector.broadcast %jit3A_927 : f32 to vector<24x128xf32>
      %select_n3A_931 = arith.select %broadcast_in_dim3A_929, %slice3A_926, %broadcast_in_dim3A_930 : vector<24x128xi1>, vector<24x128xf32>
      %add3A_932 = arith.addf %add3A_922, %select_n3A_931 : vector<24x128xf32>
      %eq3A_933 = arith.constant 8 : i32
      %eq3A_934 = vector.broadcast %eq3A_933 : i32 to vector<24x1xi32>
      %eq3A_935 = arith.cmpi eq, %select_n3A_828, %eq3A_934 : vector<24x1xi32>
      %slice3A_936 = vector.extract_strided_slice %concatenate3A_13 {offsets = [0, 1024], sizes = [24, 128], strides = [1, 1]} : vector<24x2048xf32> to vector<24x128xf32>
      %jit3A_937 = arith.constant 0.000000e+00 : f32
      %broadcast_in_dim3A_938 = vector.shape_cast %eq3A_935 : vector<24x1xi1> to vector<24x1xi1>
      %broadcast_in_dim3A_939 = vector.broadcast %broadcast_in_dim3A_938 : vector<24x1xi1> to vector<24x128xi1>
      %broadcast_in_dim3A_940 = vector.broadcast %jit3A_937 : f32 to vector<24x128xf32>
      %select_n3A_941 = arith.select %broadcast_in_dim3A_939, %slice3A_936, %broadcast_in_dim3A_940 : vector<24x128xi1>, vector<24x128xf32>
      %add3A_942 = arith.addf %add3A_932, %select_n3A_941 : vector<24x128xf32>
      %eq3A_943 = arith.constant 9 : i32
      %eq3A_944 = vector.broadcast %eq3A_943 : i32 to vector<24x1xi32>
      %eq3A_945 = arith.cmpi eq, %select_n3A_828, %eq3A_944 : vector<24x1xi32>
      %slice3A_946 = vector.extract_strided_slice %concatenate3A_13 {offsets = [0, 1152], sizes = [24, 128], strides = [1, 1]} : vector<24x2048xf32> to vector<24x128xf32>
      %jit3A_947 = arith.constant 0.000000e+00 : f32
      %broadcast_in_dim3A_948 = vector.shape_cast %eq3A_945 : vector<24x1xi1> to vector<24x1xi1>
      %broadcast_in_dim3A_949 = vector.broadcast %broadcast_in_dim3A_948 : vector<24x1xi1> to vector<24x128xi1>
      %broadcast_in_dim3A_950 = vector.broadcast %jit3A_947 : f32 to vector<24x128xf32>
      %select_n3A_951 = arith.select %broadcast_in_dim3A_949, %slice3A_946, %broadcast_in_dim3A_950 : vector<24x128xi1>, vector<24x128xf32>
      %add3A_952 = arith.addf %add3A_942, %select_n3A_951 : vector<24x128xf32>
      %eq3A_953 = arith.constant 10 : i32
      %eq3A_954 = vector.broadcast %eq3A_953 : i32 to vector<24x1xi32>
      %eq3A_955 = arith.cmpi eq, %select_n3A_828, %eq3A_954 : vector<24x1xi32>
      %slice3A_956 = vector.extract_strided_slice %concatenate3A_13 {offsets = [0, 1280], sizes = [24, 128], strides = [1, 1]} : vector<24x2048xf32> to vector<24x128xf32>
      %jit3A_957 = arith.constant 0.000000e+00 : f32
      %broadcast_in_dim3A_958 = vector.shape_cast %eq3A_955 : vector<24x1xi1> to vector<24x1xi1>
      %broadcast_in_dim3A_959 = vector.broadcast %broadcast_in_dim3A_958 : vector<24x1xi1> to vector<24x128xi1>
      %broadcast_in_dim3A_960 = vector.broadcast %jit3A_957 : f32 to vector<24x128xf32>
      %select_n3A_961 = arith.select %broadcast_in_dim3A_959, %slice3A_956, %broadcast_in_dim3A_960 : vector<24x128xi1>, vector<24x128xf32>
      %add3A_962 = arith.addf %add3A_952, %select_n3A_961 : vector<24x128xf32>
      %eq3A_963 = arith.constant 11 : i32
      %eq3A_964 = vector.broadcast %eq3A_963 : i32 to vector<24x1xi32>
      %eq3A_965 = arith.cmpi eq, %select_n3A_828, %eq3A_964 : vector<24x1xi32>
      %slice3A_966 = vector.extract_strided_slice %concatenate3A_13 {offsets = [0, 1408], sizes = [24, 128], strides = [1, 1]} : vector<24x2048xf32> to vector<24x128xf32>
      %jit3A_967 = arith.constant 0.000000e+00 : f32
      %broadcast_in_dim3A_968 = vector.shape_cast %eq3A_965 : vector<24x1xi1> to vector<24x1xi1>
      %broadcast_in_dim3A_969 = vector.broadcast %broadcast_in_dim3A_968 : vector<24x1xi1> to vector<24x128xi1>
      %broadcast_in_dim3A_970 = vector.broadcast %jit3A_967 : f32 to vector<24x128xf32>
      %select_n3A_971 = arith.select %broadcast_in_dim3A_969, %slice3A_966, %broadcast_in_dim3A_970 : vector<24x128xi1>, vector<24x128xf32>
      %add3A_972 = arith.addf %add3A_962, %select_n3A_971 : vector<24x128xf32>
      %eq3A_973 = arith.constant 12 : i32
      %eq3A_974 = vector.broadcast %eq3A_973 : i32 to vector<24x1xi32>
      %eq3A_975 = arith.cmpi eq, %select_n3A_828, %eq3A_974 : vector<24x1xi32>
      %slice3A_976 = vector.extract_strided_slice %concatenate3A_13 {offsets = [0, 1536], sizes = [24, 128], strides = [1, 1]} : vector<24x2048xf32> to vector<24x128xf32>
      %jit3A_977 = arith.constant 0.000000e+00 : f32
      %broadcast_in_dim3A_978 = vector.shape_cast %eq3A_975 : vector<24x1xi1> to vector<24x1xi1>
      %broadcast_in_dim3A_979 = vector.broadcast %broadcast_in_dim3A_978 : vector<24x1xi1> to vector<24x128xi1>
      %broadcast_in_dim3A_980 = vector.broadcast %jit3A_977 : f32 to vector<24x128xf32>
      %select_n3A_981 = arith.select %broadcast_in_dim3A_979, %slice3A_976, %broadcast_in_dim3A_980 : vector<24x128xi1>, vector<24x128xf32>
      %add3A_982 = arith.addf %add3A_972, %select_n3A_981 : vector<24x128xf32>
      %eq3A_983 = arith.constant 13 : i32
      %eq3A_984 = vector.broadcast %eq3A_983 : i32 to vector<24x1xi32>
      %eq3A_985 = arith.cmpi eq, %select_n3A_828, %eq3A_984 : vector<24x1xi32>
      %slice3A_986 = vector.extract_strided_slice %concatenate3A_13 {offsets = [0, 1664], sizes = [24, 128], strides = [1, 1]} : vector<24x2048xf32> to vector<24x128xf32>
      %jit3A_987 = arith.constant 0.000000e+00 : f32
      %broadcast_in_dim3A_988 = vector.shape_cast %eq3A_985 : vector<24x1xi1> to vector<24x1xi1>
      %broadcast_in_dim3A_989 = vector.broadcast %broadcast_in_dim3A_988 : vector<24x1xi1> to vector<24x128xi1>
      %broadcast_in_dim3A_990 = vector.broadcast %jit3A_987 : f32 to vector<24x128xf32>
      %select_n3A_991 = arith.select %broadcast_in_dim3A_989, %slice3A_986, %broadcast_in_dim3A_990 : vector<24x128xi1>, vector<24x128xf32>
      %add3A_992 = arith.addf %add3A_982, %select_n3A_991 : vector<24x128xf32>
      %eq3A_993 = arith.constant 14 : i32
      %eq3A_994 = vector.broadcast %eq3A_993 : i32 to vector<24x1xi32>
      %eq3A_995 = arith.cmpi eq, %select_n3A_828, %eq3A_994 : vector<24x1xi32>
      %slice3A_996 = vector.extract_strided_slice %concatenate3A_13 {offsets = [0, 1792], sizes = [24, 128], strides = [1, 1]} : vector<24x2048xf32> to vector<24x128xf32>
      %jit3A_997 = arith.constant 0.000000e+00 : f32
      %broadcast_in_dim3A_998 = vector.shape_cast %eq3A_995 : vector<24x1xi1> to vector<24x1xi1>
      %broadcast_in_dim3A_999 = vector.broadcast %broadcast_in_dim3A_998 : vector<24x1xi1> to vector<24x128xi1>
      %broadcast_in_dim3A_1000 = vector.broadcast %jit3A_997 : f32 to vector<24x128xf32>
      %select_n3A_1001 = arith.select %broadcast_in_dim3A_999, %slice3A_996, %broadcast_in_dim3A_1000 : vector<24x128xi1>, vector<24x128xf32>
      %add3A_1002 = arith.addf %add3A_992, %select_n3A_1001 : vector<24x128xf32>
      %eq3A_1003 = arith.constant 15 : i32
      %eq3A_1004 = vector.broadcast %eq3A_1003 : i32 to vector<24x1xi32>
      %eq3A_1005 = arith.cmpi eq, %select_n3A_828, %eq3A_1004 : vector<24x1xi32>
      %slice3A_1006 = vector.extract_strided_slice %concatenate3A_13 {offsets = [0, 1920], sizes = [24, 128], strides = [1, 1]} : vector<24x2048xf32> to vector<24x128xf32>
      %jit3A_1007 = arith.constant 0.000000e+00 : f32
      %broadcast_in_dim3A_1008 = vector.shape_cast %eq3A_1005 : vector<24x1xi1> to vector<24x1xi1>
      %broadcast_in_dim3A_1009 = vector.broadcast %broadcast_in_dim3A_1008 : vector<24x1xi1> to vector<24x128xi1>
      %broadcast_in_dim3A_1010 = vector.broadcast %jit3A_1007 : f32 to vector<24x128xf32>
      %select_n3A_1011 = arith.select %broadcast_in_dim3A_1009, %slice3A_1006, %broadcast_in_dim3A_1010 : vector<24x128xi1>, vector<24x128xf32>
      %add3A_1012 = arith.addf %add3A_1002, %select_n3A_1011 : vector<24x128xf32>
      %lt3A_1013 = arith.constant 0 : i32
      %lt3A_1014 = vector.broadcast %lt3A_1013 : i32 to vector<24x1xi32>
      %lt3A_1015 = arith.cmpi slt, %select_n3A_850, %lt3A_1014 : vector<24x1xi32>
      %add3A_1016 = arith.constant 128 : i32
      %add3A_1017 = vector.broadcast %add3A_1016 : i32 to vector<24x1xi32>
      %add3A_1018 = arith.addi %select_n3A_850, %add3A_1017 : vector<24x1xi32>
      %select_n3A_1019 = arith.select %lt3A_1015, %add3A_1018, %select_n3A_850 : vector<24x1xi1>, vector<24x1xi32>
      %reshape3A_1020 = vector.shape_cast %select_n3A_1019 : vector<24x1xi32> to vector<24x1x1xi32>
      %gather3A_1021 = vector.shape_cast %reshape3A_1020 : vector<24x1x1xi32> to vector<24x1xi32>
      %gather3A_1022 = tpu.dynamic_gather %add3A_1012[%gather3A_1021] in [1] : vector<24x128xf32>, vector<24x1xi32> -> vector<24x1xf32>
      %eq3A_1023 = vector.broadcast %scan3A_519 : i32 to vector<8x256xi32>
      %eq3A_1024 = arith.cmpi eq, %iota3A, %eq3A_1023 : vector<8x256xi32>
      %broadcast_in_dim3A_1025 = vector.shape_cast %broadcast_in_dim3A_796 : vector<8x1xi32> to vector<8x1xi32>
      %broadcast_in_dim3A_1026 = vector.broadcast %broadcast_in_dim3A_1025 : vector<8x1xi32> to vector<8x256xi32>
      %select_n3A_1027 = arith.select %eq3A_1024, %broadcast_in_dim3A_1026, %scan3A_524 : vector<8x256xi1>, vector<8x256xi32>
      %scan3A_1028 = arith.constant 1 : i32
      %scan3A_1029 = arith.addi %scan3A_519, %scan3A_1028 : i32
      %slice3A_1030 = vector.extract_strided_slice %gather3A_771 {offsets = [0, 0], sizes = [8, 1], strides = [1, 1]} : vector<24x1xf32> to vector<8x1xf32>
      %slice3A_1031 = vector.extract_strided_slice %gather3A_771 {offsets = [8, 0], sizes = [8, 1], strides = [1, 1]} : vector<24x1xf32> to vector<8x1xf32>
      %slice3A_1032 = vector.extract_strided_slice %gather3A_771 {offsets = [16, 0], sizes = [8, 1], strides = [1, 1]} : vector<24x1xf32> to vector<8x1xf32>
      %slice3A_1033 = vector.extract_strided_slice %concatenate3A {offsets = [0, 0], sizes = [8, 2048], strides = [1, 1]} : vector<24x2048xf32> to vector<8x2048xf32>
      %sub3A_1034 = vector.broadcast %slice3A_1030 : vector<8x1xf32> to vector<8x2048xf32>
      %sub3A_1035 = arith.subf %slice3A_1033, %sub3A_1034 : vector<8x2048xf32>
      %slice3A_1036 = vector.extract_strided_slice %concatenate3A {offsets = [8, 0], sizes = [8, 2048], strides = [1, 1]} : vector<24x2048xf32> to vector<8x2048xf32>
      %sub3A_1037 = vector.broadcast %slice3A_1031 : vector<8x1xf32> to vector<8x2048xf32>
      %sub3A_1038 = arith.subf %slice3A_1036, %sub3A_1037 : vector<8x2048xf32>
      %slice3A_1039 = vector.extract_strided_slice %concatenate3A {offsets = [16, 0], sizes = [8, 2048], strides = [1, 1]} : vector<24x2048xf32> to vector<8x2048xf32>
      %sub3A_1040 = vector.broadcast %slice3A_1032 : vector<8x1xf32> to vector<8x2048xf32>
      %sub3A_1041 = arith.subf %slice3A_1039, %sub3A_1040 : vector<8x2048xf32>
      %mul3A_1042 = arith.mulf %sub3A_1035, %sub3A_1035 : vector<8x2048xf32>
      %mul3A_1043 = arith.mulf %sub3A_1038, %sub3A_1038 : vector<8x2048xf32>
      %add3A_1044 = arith.addf %mul3A_1042, %mul3A_1043 : vector<8x2048xf32>
      %mul3A_1045 = arith.mulf %sub3A_1041, %sub3A_1041 : vector<8x2048xf32>
      %add3A_1046 = arith.addf %add3A_1044, %mul3A_1045 : vector<8x2048xf32>
      %min3A_1047 = arith.minimumf %min3A_543, %add3A_1046 : vector<8x2048xf32>
      %argmax3A_1048 = tpu.reduce_index %min3A_1047 {axis = 1 : i32, kind = #tpu.reduction_kind<arg_max>} : vector<8x2048xf32> -> vector<8xi32>
      %broadcast_in_dim3A_1049 = vector.shape_cast %argmax3A_1048 : vector<8xi32> to vector<8x1xi32>
      %concatenate3A_1050 = tpu.concatenate %broadcast_in_dim3A_1049, %broadcast_in_dim3A_1049, %broadcast_in_dim3A_1049 in 0 : vector<8x1xi32>, vector<8x1xi32>, vector<8x1xi32> -> vector<24x1xi32>
      %jit3A_1051 = arith.constant 128 : i32
      %div3A_1052 = vector.broadcast %jit3A_1051 : i32 to vector<24x1xi32>
      %div3A_1053 = arith.divsi %concatenate3A_1050, %div3A_1052 : vector<24x1xi32>
      %sign3A_1054 = arith.constant 0 : i32
      %sign3A_1055 = vector.broadcast %sign3A_1054 : i32 to vector<24x1xi32>
      %sign3A_1056 = arith.cmpi sgt, %concatenate3A_1050, %sign3A_1055 : vector<24x1xi32>
      %sign3A_1057 = arith.extui %sign3A_1056 : vector<24x1xi1> to vector<24x1xi32>
      %sign3A_1058 = arith.constant 0 : i32
      %sign3A_1059 = vector.broadcast %sign3A_1058 : i32 to vector<24x1xi32>
      %sign3A_1060 = arith.cmpi slt, %concatenate3A_1050, %sign3A_1059 : vector<24x1xi32>
      %sign3A_1061 = arith.extui %sign3A_1060 : vector<24x1xi1> to vector<24x1xi32>
      %sign3A_1062 = arith.subi %sign3A_1057, %sign3A_1061 : vector<24x1xi32>
      %sign3A_1063 = arith.constant 0 : i32
      %sign3A_1064 = arith.cmpi sgt, %jit3A_1051, %sign3A_1063 : i32
      %sign3A_1065 = arith.extui %sign3A_1064 : i1 to i32
      %sign3A_1066 = arith.constant 0 : i32
      %sign3A_1067 = arith.cmpi slt, %jit3A_1051, %sign3A_1066 : i32
      %sign3A_1068 = arith.extui %sign3A_1067 : i1 to i32
      %sign3A_1069 = arith.subi %sign3A_1065, %sign3A_1068 : i32
      %ne3A_1070 = vector.broadcast %sign3A_1069 : i32 to vector<24x1xi32>
      %ne3A_1071 = arith.cmpi ne, %sign3A_1062, %ne3A_1070 : vector<24x1xi32>
      %rem3A_1072 = vector.broadcast %jit3A_1051 : i32 to vector<24x1xi32>
      %rem3A_1073 = arith.remsi %concatenate3A_1050, %rem3A_1072 : vector<24x1xi32>
      %ne3A_1074 = arith.constant 0 : i32
      %ne3A_1075 = vector.broadcast %ne3A_1074 : i32 to vector<24x1xi32>
      %ne3A_1076 = arith.cmpi ne, %rem3A_1073, %ne3A_1075 : vector<24x1xi32>
      %and3A_1077 = arith.andi %ne3A_1071, %ne3A_1076 : vector<24x1xi1>
      %sub3A_1078 = arith.constant 1 : i32
      %sub3A_1079 = vector.broadcast %sub3A_1078 : i32 to vector<24x1xi32>
      %sub3A_1080 = arith.subi %div3A_1053, %sub3A_1079 : vector<24x1xi32>
      %select_n3A_1081 = arith.select %and3A_1077, %sub3A_1080, %div3A_1053 : vector<24x1xi1>, vector<24x1xi32>
      %jit3A_1082 = arith.constant 128 : i32
      %eq3A_1083 = arith.constant 0 : i32
      %eq3A_1084 = arith.cmpi eq, %jit3A_1082, %eq3A_1083 : i32
      %jit3A_1085 = arith.constant 1 : i32
      %select_n3A_1086 = arith.select %eq3A_1084, %jit3A_1085, %jit3A_1082 : i32
      %rem3A_1087 = vector.broadcast %select_n3A_1086 : i32 to vector<24x1xi32>
      %rem3A_1088 = arith.remsi %concatenate3A_1050, %rem3A_1087 : vector<24x1xi32>
      %ne3A_1089 = arith.constant 0 : i32
      %ne3A_1090 = vector.broadcast %ne3A_1089 : i32 to vector<24x1xi32>
      %ne3A_1091 = arith.cmpi ne, %rem3A_1088, %ne3A_1090 : vector<24x1xi32>
      %lt3A_1092 = arith.constant 0 : i32
      %lt3A_1093 = vector.broadcast %lt3A_1092 : i32 to vector<24x1xi32>
      %lt3A_1094 = arith.cmpi slt, %rem3A_1088, %lt3A_1093 : vector<24x1xi32>
      %lt3A_1095 = arith.constant 0 : i32
      %lt3A_1096 = arith.cmpi slt, %select_n3A_1086, %lt3A_1095 : i32
      %ne3A_1097 = vector.broadcast %lt3A_1096 : i1 to vector<24x1xi1>
      %ne3A_1098 = vector.broadcast %ne3A_1097 : vector<24x1xi1> to vector<24x1xi1>
      %ne3A_1099 = arith.xori %lt3A_1094, %ne3A_1098 : vector<24x1xi1>
      %and3A_1100 = arith.andi %ne3A_1099, %ne3A_1091 : vector<24x1xi1>
      %add3A_1101 = vector.broadcast %select_n3A_1086 : i32 to vector<24x1xi32>
      %add3A_1102 = arith.addi %rem3A_1088, %add3A_1101 : vector<24x1xi32>
      %select_n3A_1103 = arith.select %and3A_1100, %add3A_1102, %rem3A_1088 : vector<24x1xi1>, vector<24x1xi32>
      %broadcast_in_dim3A_1104 = arith.constant 0.000000e+00 : f32
      %broadcast_in_dim3A_1105 = vector.broadcast %broadcast_in_dim3A_1104 : f32 to vector<24x128xf32>
      %eq3A_1106 = arith.constant 0 : i32
      %eq3A_1107 = vector.broadcast %eq3A_1106 : i32 to vector<24x1xi32>
      %eq3A_1108 = arith.cmpi eq, %select_n3A_1081, %eq3A_1107 : vector<24x1xi32>
      %slice3A_1109 = vector.extract_strided_slice %concatenate3A {offsets = [0, 0], sizes = [24, 128], strides = [1, 1]} : vector<24x2048xf32> to vector<24x128xf32>
      %jit3A_1110 = arith.constant 0.000000e+00 : f32
      %broadcast_in_dim3A_1111 = vector.shape_cast %eq3A_1108 : vector<24x1xi1> to vector<24x1xi1>
      %broadcast_in_dim3A_1112 = vector.broadcast %broadcast_in_dim3A_1111 : vector<24x1xi1> to vector<24x128xi1>
      %broadcast_in_dim3A_1113 = vector.broadcast %jit3A_1110 : f32 to vector<24x128xf32>
      %select_n3A_1114 = arith.select %broadcast_in_dim3A_1112, %slice3A_1109, %broadcast_in_dim3A_1113 : vector<24x128xi1>, vector<24x128xf32>
      %add3A_1115 = arith.addf %broadcast_in_dim3A_1105, %select_n3A_1114 : vector<24x128xf32>
      %eq3A_1116 = arith.constant 1 : i32
      %eq3A_1117 = vector.broadcast %eq3A_1116 : i32 to vector<24x1xi32>
      %eq3A_1118 = arith.cmpi eq, %select_n3A_1081, %eq3A_1117 : vector<24x1xi32>
      %slice3A_1119 = vector.extract_strided_slice %concatenate3A {offsets = [0, 128], sizes = [24, 128], strides = [1, 1]} : vector<24x2048xf32> to vector<24x128xf32>
      %jit3A_1120 = arith.constant 0.000000e+00 : f32
      %broadcast_in_dim3A_1121 = vector.shape_cast %eq3A_1118 : vector<24x1xi1> to vector<24x1xi1>
      %broadcast_in_dim3A_1122 = vector.broadcast %broadcast_in_dim3A_1121 : vector<24x1xi1> to vector<24x128xi1>
      %broadcast_in_dim3A_1123 = vector.broadcast %jit3A_1120 : f32 to vector<24x128xf32>
      %select_n3A_1124 = arith.select %broadcast_in_dim3A_1122, %slice3A_1119, %broadcast_in_dim3A_1123 : vector<24x128xi1>, vector<24x128xf32>
      %add3A_1125 = arith.addf %add3A_1115, %select_n3A_1124 : vector<24x128xf32>
      %eq3A_1126 = arith.constant 2 : i32
      %eq3A_1127 = vector.broadcast %eq3A_1126 : i32 to vector<24x1xi32>
      %eq3A_1128 = arith.cmpi eq, %select_n3A_1081, %eq3A_1127 : vector<24x1xi32>
      %slice3A_1129 = vector.extract_strided_slice %concatenate3A {offsets = [0, 256], sizes = [24, 128], strides = [1, 1]} : vector<24x2048xf32> to vector<24x128xf32>
      %jit3A_1130 = arith.constant 0.000000e+00 : f32
      %broadcast_in_dim3A_1131 = vector.shape_cast %eq3A_1128 : vector<24x1xi1> to vector<24x1xi1>
      %broadcast_in_dim3A_1132 = vector.broadcast %broadcast_in_dim3A_1131 : vector<24x1xi1> to vector<24x128xi1>
      %broadcast_in_dim3A_1133 = vector.broadcast %jit3A_1130 : f32 to vector<24x128xf32>
      %select_n3A_1134 = arith.select %broadcast_in_dim3A_1132, %slice3A_1129, %broadcast_in_dim3A_1133 : vector<24x128xi1>, vector<24x128xf32>
      %add3A_1135 = arith.addf %add3A_1125, %select_n3A_1134 : vector<24x128xf32>
      %eq3A_1136 = arith.constant 3 : i32
      %eq3A_1137 = vector.broadcast %eq3A_1136 : i32 to vector<24x1xi32>
      %eq3A_1138 = arith.cmpi eq, %select_n3A_1081, %eq3A_1137 : vector<24x1xi32>
      %slice3A_1139 = vector.extract_strided_slice %concatenate3A {offsets = [0, 384], sizes = [24, 128], strides = [1, 1]} : vector<24x2048xf32> to vector<24x128xf32>
      %jit3A_1140 = arith.constant 0.000000e+00 : f32
      %broadcast_in_dim3A_1141 = vector.shape_cast %eq3A_1138 : vector<24x1xi1> to vector<24x1xi1>
      %broadcast_in_dim3A_1142 = vector.broadcast %broadcast_in_dim3A_1141 : vector<24x1xi1> to vector<24x128xi1>
      %broadcast_in_dim3A_1143 = vector.broadcast %jit3A_1140 : f32 to vector<24x128xf32>
      %select_n3A_1144 = arith.select %broadcast_in_dim3A_1142, %slice3A_1139, %broadcast_in_dim3A_1143 : vector<24x128xi1>, vector<24x128xf32>
      %add3A_1145 = arith.addf %add3A_1135, %select_n3A_1144 : vector<24x128xf32>
      %eq3A_1146 = arith.constant 4 : i32
      %eq3A_1147 = vector.broadcast %eq3A_1146 : i32 to vector<24x1xi32>
      %eq3A_1148 = arith.cmpi eq, %select_n3A_1081, %eq3A_1147 : vector<24x1xi32>
      %slice3A_1149 = vector.extract_strided_slice %concatenate3A {offsets = [0, 512], sizes = [24, 128], strides = [1, 1]} : vector<24x2048xf32> to vector<24x128xf32>
      %jit3A_1150 = arith.constant 0.000000e+00 : f32
      %broadcast_in_dim3A_1151 = vector.shape_cast %eq3A_1148 : vector<24x1xi1> to vector<24x1xi1>
      %broadcast_in_dim3A_1152 = vector.broadcast %broadcast_in_dim3A_1151 : vector<24x1xi1> to vector<24x128xi1>
      %broadcast_in_dim3A_1153 = vector.broadcast %jit3A_1150 : f32 to vector<24x128xf32>
      %select_n3A_1154 = arith.select %broadcast_in_dim3A_1152, %slice3A_1149, %broadcast_in_dim3A_1153 : vector<24x128xi1>, vector<24x128xf32>
      %add3A_1155 = arith.addf %add3A_1145, %select_n3A_1154 : vector<24x128xf32>
      %eq3A_1156 = arith.constant 5 : i32
      %eq3A_1157 = vector.broadcast %eq3A_1156 : i32 to vector<24x1xi32>
      %eq3A_1158 = arith.cmpi eq, %select_n3A_1081, %eq3A_1157 : vector<24x1xi32>
      %slice3A_1159 = vector.extract_strided_slice %concatenate3A {offsets = [0, 640], sizes = [24, 128], strides = [1, 1]} : vector<24x2048xf32> to vector<24x128xf32>
      %jit3A_1160 = arith.constant 0.000000e+00 : f32
      %broadcast_in_dim3A_1161 = vector.shape_cast %eq3A_1158 : vector<24x1xi1> to vector<24x1xi1>
      %broadcast_in_dim3A_1162 = vector.broadcast %broadcast_in_dim3A_1161 : vector<24x1xi1> to vector<24x128xi1>
      %broadcast_in_dim3A_1163 = vector.broadcast %jit3A_1160 : f32 to vector<24x128xf32>
      %select_n3A_1164 = arith.select %broadcast_in_dim3A_1162, %slice3A_1159, %broadcast_in_dim3A_1163 : vector<24x128xi1>, vector<24x128xf32>
      %add3A_1165 = arith.addf %add3A_1155, %select_n3A_1164 : vector<24x128xf32>
      %eq3A_1166 = arith.constant 6 : i32
      %eq3A_1167 = vector.broadcast %eq3A_1166 : i32 to vector<24x1xi32>
      %eq3A_1168 = arith.cmpi eq, %select_n3A_1081, %eq3A_1167 : vector<24x1xi32>
      %slice3A_1169 = vector.extract_strided_slice %concatenate3A {offsets = [0, 768], sizes = [24, 128], strides = [1, 1]} : vector<24x2048xf32> to vector<24x128xf32>
      %jit3A_1170 = arith.constant 0.000000e+00 : f32
      %broadcast_in_dim3A_1171 = vector.shape_cast %eq3A_1168 : vector<24x1xi1> to vector<24x1xi1>
      %broadcast_in_dim3A_1172 = vector.broadcast %broadcast_in_dim3A_1171 : vector<24x1xi1> to vector<24x128xi1>
      %broadcast_in_dim3A_1173 = vector.broadcast %jit3A_1170 : f32 to vector<24x128xf32>
      %select_n3A_1174 = arith.select %broadcast_in_dim3A_1172, %slice3A_1169, %broadcast_in_dim3A_1173 : vector<24x128xi1>, vector<24x128xf32>
      %add3A_1175 = arith.addf %add3A_1165, %select_n3A_1174 : vector<24x128xf32>
      %eq3A_1176 = arith.constant 7 : i32
      %eq3A_1177 = vector.broadcast %eq3A_1176 : i32 to vector<24x1xi32>
      %eq3A_1178 = arith.cmpi eq, %select_n3A_1081, %eq3A_1177 : vector<24x1xi32>
      %slice3A_1179 = vector.extract_strided_slice %concatenate3A {offsets = [0, 896], sizes = [24, 128], strides = [1, 1]} : vector<24x2048xf32> to vector<24x128xf32>
      %jit3A_1180 = arith.constant 0.000000e+00 : f32
      %broadcast_in_dim3A_1181 = vector.shape_cast %eq3A_1178 : vector<24x1xi1> to vector<24x1xi1>
      %broadcast_in_dim3A_1182 = vector.broadcast %broadcast_in_dim3A_1181 : vector<24x1xi1> to vector<24x128xi1>
      %broadcast_in_dim3A_1183 = vector.broadcast %jit3A_1180 : f32 to vector<24x128xf32>
      %select_n3A_1184 = arith.select %broadcast_in_dim3A_1182, %slice3A_1179, %broadcast_in_dim3A_1183 : vector<24x128xi1>, vector<24x128xf32>
      %add3A_1185 = arith.addf %add3A_1175, %select_n3A_1184 : vector<24x128xf32>
      %eq3A_1186 = arith.constant 8 : i32
      %eq3A_1187 = vector.broadcast %eq3A_1186 : i32 to vector<24x1xi32>
      %eq3A_1188 = arith.cmpi eq, %select_n3A_1081, %eq3A_1187 : vector<24x1xi32>
      %slice3A_1189 = vector.extract_strided_slice %concatenate3A {offsets = [0, 1024], sizes = [24, 128], strides = [1, 1]} : vector<24x2048xf32> to vector<24x128xf32>
      %jit3A_1190 = arith.constant 0.000000e+00 : f32
      %broadcast_in_dim3A_1191 = vector.shape_cast %eq3A_1188 : vector<24x1xi1> to vector<24x1xi1>
      %broadcast_in_dim3A_1192 = vector.broadcast %broadcast_in_dim3A_1191 : vector<24x1xi1> to vector<24x128xi1>
      %broadcast_in_dim3A_1193 = vector.broadcast %jit3A_1190 : f32 to vector<24x128xf32>
      %select_n3A_1194 = arith.select %broadcast_in_dim3A_1192, %slice3A_1189, %broadcast_in_dim3A_1193 : vector<24x128xi1>, vector<24x128xf32>
      %add3A_1195 = arith.addf %add3A_1185, %select_n3A_1194 : vector<24x128xf32>
      %eq3A_1196 = arith.constant 9 : i32
      %eq3A_1197 = vector.broadcast %eq3A_1196 : i32 to vector<24x1xi32>
      %eq3A_1198 = arith.cmpi eq, %select_n3A_1081, %eq3A_1197 : vector<24x1xi32>
      %slice3A_1199 = vector.extract_strided_slice %concatenate3A {offsets = [0, 1152], sizes = [24, 128], strides = [1, 1]} : vector<24x2048xf32> to vector<24x128xf32>
      %jit3A_1200 = arith.constant 0.000000e+00 : f32
      %broadcast_in_dim3A_1201 = vector.shape_cast %eq3A_1198 : vector<24x1xi1> to vector<24x1xi1>
      %broadcast_in_dim3A_1202 = vector.broadcast %broadcast_in_dim3A_1201 : vector<24x1xi1> to vector<24x128xi1>
      %broadcast_in_dim3A_1203 = vector.broadcast %jit3A_1200 : f32 to vector<24x128xf32>
      %select_n3A_1204 = arith.select %broadcast_in_dim3A_1202, %slice3A_1199, %broadcast_in_dim3A_1203 : vector<24x128xi1>, vector<24x128xf32>
      %add3A_1205 = arith.addf %add3A_1195, %select_n3A_1204 : vector<24x128xf32>
      %eq3A_1206 = arith.constant 10 : i32
      %eq3A_1207 = vector.broadcast %eq3A_1206 : i32 to vector<24x1xi32>
      %eq3A_1208 = arith.cmpi eq, %select_n3A_1081, %eq3A_1207 : vector<24x1xi32>
      %slice3A_1209 = vector.extract_strided_slice %concatenate3A {offsets = [0, 1280], sizes = [24, 128], strides = [1, 1]} : vector<24x2048xf32> to vector<24x128xf32>
      %jit3A_1210 = arith.constant 0.000000e+00 : f32
      %broadcast_in_dim3A_1211 = vector.shape_cast %eq3A_1208 : vector<24x1xi1> to vector<24x1xi1>
      %broadcast_in_dim3A_1212 = vector.broadcast %broadcast_in_dim3A_1211 : vector<24x1xi1> to vector<24x128xi1>
      %broadcast_in_dim3A_1213 = vector.broadcast %jit3A_1210 : f32 to vector<24x128xf32>
      %select_n3A_1214 = arith.select %broadcast_in_dim3A_1212, %slice3A_1209, %broadcast_in_dim3A_1213 : vector<24x128xi1>, vector<24x128xf32>
      %add3A_1215 = arith.addf %add3A_1205, %select_n3A_1214 : vector<24x128xf32>
      %eq3A_1216 = arith.constant 11 : i32
      %eq3A_1217 = vector.broadcast %eq3A_1216 : i32 to vector<24x1xi32>
      %eq3A_1218 = arith.cmpi eq, %select_n3A_1081, %eq3A_1217 : vector<24x1xi32>
      %slice3A_1219 = vector.extract_strided_slice %concatenate3A {offsets = [0, 1408], sizes = [24, 128], strides = [1, 1]} : vector<24x2048xf32> to vector<24x128xf32>
      %jit3A_1220 = arith.constant 0.000000e+00 : f32
      %broadcast_in_dim3A_1221 = vector.shape_cast %eq3A_1218 : vector<24x1xi1> to vector<24x1xi1>
      %broadcast_in_dim3A_1222 = vector.broadcast %broadcast_in_dim3A_1221 : vector<24x1xi1> to vector<24x128xi1>
      %broadcast_in_dim3A_1223 = vector.broadcast %jit3A_1220 : f32 to vector<24x128xf32>
      %select_n3A_1224 = arith.select %broadcast_in_dim3A_1222, %slice3A_1219, %broadcast_in_dim3A_1223 : vector<24x128xi1>, vector<24x128xf32>
      %add3A_1225 = arith.addf %add3A_1215, %select_n3A_1224 : vector<24x128xf32>
      %eq3A_1226 = arith.constant 12 : i32
      %eq3A_1227 = vector.broadcast %eq3A_1226 : i32 to vector<24x1xi32>
      %eq3A_1228 = arith.cmpi eq, %select_n3A_1081, %eq3A_1227 : vector<24x1xi32>
      %slice3A_1229 = vector.extract_strided_slice %concatenate3A {offsets = [0, 1536], sizes = [24, 128], strides = [1, 1]} : vector<24x2048xf32> to vector<24x128xf32>
      %jit3A_1230 = arith.constant 0.000000e+00 : f32
      %broadcast_in_dim3A_1231 = vector.shape_cast %eq3A_1228 : vector<24x1xi1> to vector<24x1xi1>
      %broadcast_in_dim3A_1232 = vector.broadcast %broadcast_in_dim3A_1231 : vector<24x1xi1> to vector<24x128xi1>
      %broadcast_in_dim3A_1233 = vector.broadcast %jit3A_1230 : f32 to vector<24x128xf32>
      %select_n3A_1234 = arith.select %broadcast_in_dim3A_1232, %slice3A_1229, %broadcast_in_dim3A_1233 : vector<24x128xi1>, vector<24x128xf32>
      %add3A_1235 = arith.addf %add3A_1225, %select_n3A_1234 : vector<24x128xf32>
      %eq3A_1236 = arith.constant 13 : i32
      %eq3A_1237 = vector.broadcast %eq3A_1236 : i32 to vector<24x1xi32>
      %eq3A_1238 = arith.cmpi eq, %select_n3A_1081, %eq3A_1237 : vector<24x1xi32>
      %slice3A_1239 = vector.extract_strided_slice %concatenate3A {offsets = [0, 1664], sizes = [24, 128], strides = [1, 1]} : vector<24x2048xf32> to vector<24x128xf32>
      %jit3A_1240 = arith.constant 0.000000e+00 : f32
      %broadcast_in_dim3A_1241 = vector.shape_cast %eq3A_1238 : vector<24x1xi1> to vector<24x1xi1>
      %broadcast_in_dim3A_1242 = vector.broadcast %broadcast_in_dim3A_1241 : vector<24x1xi1> to vector<24x128xi1>
      %broadcast_in_dim3A_1243 = vector.broadcast %jit3A_1240 : f32 to vector<24x128xf32>
      %select_n3A_1244 = arith.select %broadcast_in_dim3A_1242, %slice3A_1239, %broadcast_in_dim3A_1243 : vector<24x128xi1>, vector<24x128xf32>
      %add3A_1245 = arith.addf %add3A_1235, %select_n3A_1244 : vector<24x128xf32>
      %eq3A_1246 = arith.constant 14 : i32
      %eq3A_1247 = vector.broadcast %eq3A_1246 : i32 to vector<24x1xi32>
      %eq3A_1248 = arith.cmpi eq, %select_n3A_1081, %eq3A_1247 : vector<24x1xi32>
      %slice3A_1249 = vector.extract_strided_slice %concatenate3A {offsets = [0, 1792], sizes = [24, 128], strides = [1, 1]} : vector<24x2048xf32> to vector<24x128xf32>
      %jit3A_1250 = arith.constant 0.000000e+00 : f32
      %broadcast_in_dim3A_1251 = vector.shape_cast %eq3A_1248 : vector<24x1xi1> to vector<24x1xi1>
      %broadcast_in_dim3A_1252 = vector.broadcast %broadcast_in_dim3A_1251 : vector<24x1xi1> to vector<24x128xi1>
      %broadcast_in_dim3A_1253 = vector.broadcast %jit3A_1250 : f32 to vector<24x128xf32>
      %select_n3A_1254 = arith.select %broadcast_in_dim3A_1252, %slice3A_1249, %broadcast_in_dim3A_1253 : vector<24x128xi1>, vector<24x128xf32>
      %add3A_1255 = arith.addf %add3A_1245, %select_n3A_1254 : vector<24x128xf32>
      %eq3A_1256 = arith.constant 15 : i32
      %eq3A_1257 = vector.broadcast %eq3A_1256 : i32 to vector<24x1xi32>
      %eq3A_1258 = arith.cmpi eq, %select_n3A_1081, %eq3A_1257 : vector<24x1xi32>
      %slice3A_1259 = vector.extract_strided_slice %concatenate3A {offsets = [0, 1920], sizes = [24, 128], strides = [1, 1]} : vector<24x2048xf32> to vector<24x128xf32>
      %jit3A_1260 = arith.constant 0.000000e+00 : f32
      %broadcast_in_dim3A_1261 = vector.shape_cast %eq3A_1258 : vector<24x1xi1> to vector<24x1xi1>
      %broadcast_in_dim3A_1262 = vector.broadcast %broadcast_in_dim3A_1261 : vector<24x1xi1> to vector<24x128xi1>
      %broadcast_in_dim3A_1263 = vector.broadcast %jit3A_1260 : f32 to vector<24x128xf32>
      %select_n3A_1264 = arith.select %broadcast_in_dim3A_1262, %slice3A_1259, %broadcast_in_dim3A_1263 : vector<24x128xi1>, vector<24x128xf32>
      %add3A_1265 = arith.addf %add3A_1255, %select_n3A_1264 : vector<24x128xf32>
      %lt3A_1266 = arith.constant 0 : i32
      %lt3A_1267 = vector.broadcast %lt3A_1266 : i32 to vector<24x1xi32>
      %lt3A_1268 = arith.cmpi slt, %select_n3A_1103, %lt3A_1267 : vector<24x1xi32>
      %add3A_1269 = arith.constant 128 : i32
      %add3A_1270 = vector.broadcast %add3A_1269 : i32 to vector<24x1xi32>
      %add3A_1271 = arith.addi %select_n3A_1103, %add3A_1270 : vector<24x1xi32>
      %select_n3A_1272 = arith.select %lt3A_1268, %add3A_1271, %select_n3A_1103 : vector<24x1xi1>, vector<24x1xi32>
      %reshape3A_1273 = vector.shape_cast %select_n3A_1272 : vector<24x1xi32> to vector<24x1x1xi32>
      %gather3A_1274 = vector.shape_cast %reshape3A_1273 : vector<24x1x1xi32> to vector<24x1xi32>
      %gather3A_1275 = tpu.dynamic_gather %add3A_1265[%gather3A_1274] in [1] : vector<24x128xf32>, vector<24x1xi32> -> vector<24x1xf32>
      %eq3A_1276 = vector.broadcast %scan3A_1029 : i32 to vector<8x256xi32>
      %eq3A_1277 = arith.cmpi eq, %iota3A, %eq3A_1276 : vector<8x256xi32>
      %broadcast_in_dim3A_1278 = vector.shape_cast %broadcast_in_dim3A_1049 : vector<8x1xi32> to vector<8x1xi32>
      %broadcast_in_dim3A_1279 = vector.broadcast %broadcast_in_dim3A_1278 : vector<8x1xi32> to vector<8x256xi32>
      %select_n3A_1280 = arith.select %eq3A_1277, %broadcast_in_dim3A_1279, %select_n3A_776 : vector<8x256xi1>, vector<8x256xi32>
      %slice3A_1281 = vector.extract_strided_slice %gather3A_1022 {offsets = [0, 0], sizes = [8, 1], strides = [1, 1]} : vector<24x1xf32> to vector<8x1xf32>
      %slice3A_1282 = vector.extract_strided_slice %gather3A_1022 {offsets = [8, 0], sizes = [8, 1], strides = [1, 1]} : vector<24x1xf32> to vector<8x1xf32>
      %slice3A_1283 = vector.extract_strided_slice %gather3A_1022 {offsets = [16, 0], sizes = [8, 1], strides = [1, 1]} : vector<24x1xf32> to vector<8x1xf32>
      %slice3A_1284 = vector.extract_strided_slice %concatenate3A_13 {offsets = [0, 0], sizes = [8, 2048], strides = [1, 1]} : vector<24x2048xf32> to vector<8x2048xf32>
      %sub3A_1285 = vector.broadcast %slice3A_1281 : vector<8x1xf32> to vector<8x2048xf32>
      %sub3A_1286 = arith.subf %slice3A_1284, %sub3A_1285 : vector<8x2048xf32>
      %slice3A_1287 = vector.extract_strided_slice %concatenate3A_13 {offsets = [8, 0], sizes = [8, 2048], strides = [1, 1]} : vector<24x2048xf32> to vector<8x2048xf32>
      %sub3A_1288 = vector.broadcast %slice3A_1282 : vector<8x1xf32> to vector<8x2048xf32>
      %sub3A_1289 = arith.subf %slice3A_1287, %sub3A_1288 : vector<8x2048xf32>
      %slice3A_1290 = vector.extract_strided_slice %concatenate3A_13 {offsets = [16, 0], sizes = [8, 2048], strides = [1, 1]} : vector<24x2048xf32> to vector<8x2048xf32>
      %sub3A_1291 = vector.broadcast %slice3A_1283 : vector<8x1xf32> to vector<8x2048xf32>
      %sub3A_1292 = arith.subf %slice3A_1290, %sub3A_1291 : vector<8x2048xf32>
      %mul3A_1293 = arith.mulf %sub3A_1286, %sub3A_1286 : vector<8x2048xf32>
      %mul3A_1294 = arith.mulf %sub3A_1289, %sub3A_1289 : vector<8x2048xf32>
      %add3A_1295 = arith.addf %mul3A_1293, %mul3A_1294 : vector<8x2048xf32>
      %mul3A_1296 = arith.mulf %sub3A_1292, %sub3A_1292 : vector<8x2048xf32>
      %add3A_1297 = arith.addf %add3A_1295, %mul3A_1296 : vector<8x2048xf32>
      %min3A_1298 = arith.minimumf %min3A_794, %add3A_1297 : vector<8x2048xf32>
      %argmax3A_1299 = tpu.reduce_index %min3A_1298 {axis = 1 : i32, kind = #tpu.reduction_kind<arg_max>} : vector<8x2048xf32> -> vector<8xi32>
      %broadcast_in_dim3A_1300 = vector.shape_cast %argmax3A_1299 : vector<8xi32> to vector<8x1xi32>
      %concatenate3A_1301 = tpu.concatenate %broadcast_in_dim3A_1300, %broadcast_in_dim3A_1300, %broadcast_in_dim3A_1300 in 0 : vector<8x1xi32>, vector<8x1xi32>, vector<8x1xi32> -> vector<24x1xi32>
      %jit3A_1302 = arith.constant 128 : i32
      %div3A_1303 = vector.broadcast %jit3A_1302 : i32 to vector<24x1xi32>
      %div3A_1304 = arith.divsi %concatenate3A_1301, %div3A_1303 : vector<24x1xi32>
      %sign3A_1305 = arith.constant 0 : i32
      %sign3A_1306 = vector.broadcast %sign3A_1305 : i32 to vector<24x1xi32>
      %sign3A_1307 = arith.cmpi sgt, %concatenate3A_1301, %sign3A_1306 : vector<24x1xi32>
      %sign3A_1308 = arith.extui %sign3A_1307 : vector<24x1xi1> to vector<24x1xi32>
      %sign3A_1309 = arith.constant 0 : i32
      %sign3A_1310 = vector.broadcast %sign3A_1309 : i32 to vector<24x1xi32>
      %sign3A_1311 = arith.cmpi slt, %concatenate3A_1301, %sign3A_1310 : vector<24x1xi32>
      %sign3A_1312 = arith.extui %sign3A_1311 : vector<24x1xi1> to vector<24x1xi32>
      %sign3A_1313 = arith.subi %sign3A_1308, %sign3A_1312 : vector<24x1xi32>
      %sign3A_1314 = arith.constant 0 : i32
      %sign3A_1315 = arith.cmpi sgt, %jit3A_1302, %sign3A_1314 : i32
      %sign3A_1316 = arith.extui %sign3A_1315 : i1 to i32
      %sign3A_1317 = arith.constant 0 : i32
      %sign3A_1318 = arith.cmpi slt, %jit3A_1302, %sign3A_1317 : i32
      %sign3A_1319 = arith.extui %sign3A_1318 : i1 to i32
      %sign3A_1320 = arith.subi %sign3A_1316, %sign3A_1319 : i32
      %ne3A_1321 = vector.broadcast %sign3A_1320 : i32 to vector<24x1xi32>
      %ne3A_1322 = arith.cmpi ne, %sign3A_1313, %ne3A_1321 : vector<24x1xi32>
      %rem3A_1323 = vector.broadcast %jit3A_1302 : i32 to vector<24x1xi32>
      %rem3A_1324 = arith.remsi %concatenate3A_1301, %rem3A_1323 : vector<24x1xi32>
      %ne3A_1325 = arith.constant 0 : i32
      %ne3A_1326 = vector.broadcast %ne3A_1325 : i32 to vector<24x1xi32>
      %ne3A_1327 = arith.cmpi ne, %rem3A_1324, %ne3A_1326 : vector<24x1xi32>
      %and3A_1328 = arith.andi %ne3A_1322, %ne3A_1327 : vector<24x1xi1>
      %sub3A_1329 = arith.constant 1 : i32
      %sub3A_1330 = vector.broadcast %sub3A_1329 : i32 to vector<24x1xi32>
      %sub3A_1331 = arith.subi %div3A_1304, %sub3A_1330 : vector<24x1xi32>
      %select_n3A_1332 = arith.select %and3A_1328, %sub3A_1331, %div3A_1304 : vector<24x1xi1>, vector<24x1xi32>
      %jit3A_1333 = arith.constant 128 : i32
      %eq3A_1334 = arith.constant 0 : i32
      %eq3A_1335 = arith.cmpi eq, %jit3A_1333, %eq3A_1334 : i32
      %jit3A_1336 = arith.constant 1 : i32
      %select_n3A_1337 = arith.select %eq3A_1335, %jit3A_1336, %jit3A_1333 : i32
      %rem3A_1338 = vector.broadcast %select_n3A_1337 : i32 to vector<24x1xi32>
      %rem3A_1339 = arith.remsi %concatenate3A_1301, %rem3A_1338 : vector<24x1xi32>
      %ne3A_1340 = arith.constant 0 : i32
      %ne3A_1341 = vector.broadcast %ne3A_1340 : i32 to vector<24x1xi32>
      %ne3A_1342 = arith.cmpi ne, %rem3A_1339, %ne3A_1341 : vector<24x1xi32>
      %lt3A_1343 = arith.constant 0 : i32
      %lt3A_1344 = vector.broadcast %lt3A_1343 : i32 to vector<24x1xi32>
      %lt3A_1345 = arith.cmpi slt, %rem3A_1339, %lt3A_1344 : vector<24x1xi32>
      %lt3A_1346 = arith.constant 0 : i32
      %lt3A_1347 = arith.cmpi slt, %select_n3A_1337, %lt3A_1346 : i32
      %ne3A_1348 = vector.broadcast %lt3A_1347 : i1 to vector<24x1xi1>
      %ne3A_1349 = vector.broadcast %ne3A_1348 : vector<24x1xi1> to vector<24x1xi1>
      %ne3A_1350 = arith.xori %lt3A_1345, %ne3A_1349 : vector<24x1xi1>
      %and3A_1351 = arith.andi %ne3A_1350, %ne3A_1342 : vector<24x1xi1>
      %add3A_1352 = vector.broadcast %select_n3A_1337 : i32 to vector<24x1xi32>
      %add3A_1353 = arith.addi %rem3A_1339, %add3A_1352 : vector<24x1xi32>
      %select_n3A_1354 = arith.select %and3A_1351, %add3A_1353, %rem3A_1339 : vector<24x1xi1>, vector<24x1xi32>
      %broadcast_in_dim3A_1355 = arith.constant 0.000000e+00 : f32
      %broadcast_in_dim3A_1356 = vector.broadcast %broadcast_in_dim3A_1355 : f32 to vector<24x128xf32>
      %eq3A_1357 = arith.constant 0 : i32
      %eq3A_1358 = vector.broadcast %eq3A_1357 : i32 to vector<24x1xi32>
      %eq3A_1359 = arith.cmpi eq, %select_n3A_1332, %eq3A_1358 : vector<24x1xi32>
      %slice3A_1360 = vector.extract_strided_slice %concatenate3A_13 {offsets = [0, 0], sizes = [24, 128], strides = [1, 1]} : vector<24x2048xf32> to vector<24x128xf32>
      %jit3A_1361 = arith.constant 0.000000e+00 : f32
      %broadcast_in_dim3A_1362 = vector.shape_cast %eq3A_1359 : vector<24x1xi1> to vector<24x1xi1>
      %broadcast_in_dim3A_1363 = vector.broadcast %broadcast_in_dim3A_1362 : vector<24x1xi1> to vector<24x128xi1>
      %broadcast_in_dim3A_1364 = vector.broadcast %jit3A_1361 : f32 to vector<24x128xf32>
      %select_n3A_1365 = arith.select %broadcast_in_dim3A_1363, %slice3A_1360, %broadcast_in_dim3A_1364 : vector<24x128xi1>, vector<24x128xf32>
      %add3A_1366 = arith.addf %broadcast_in_dim3A_1356, %select_n3A_1365 : vector<24x128xf32>
      %eq3A_1367 = arith.constant 1 : i32
      %eq3A_1368 = vector.broadcast %eq3A_1367 : i32 to vector<24x1xi32>
      %eq3A_1369 = arith.cmpi eq, %select_n3A_1332, %eq3A_1368 : vector<24x1xi32>
      %slice3A_1370 = vector.extract_strided_slice %concatenate3A_13 {offsets = [0, 128], sizes = [24, 128], strides = [1, 1]} : vector<24x2048xf32> to vector<24x128xf32>
      %jit3A_1371 = arith.constant 0.000000e+00 : f32
      %broadcast_in_dim3A_1372 = vector.shape_cast %eq3A_1369 : vector<24x1xi1> to vector<24x1xi1>
      %broadcast_in_dim3A_1373 = vector.broadcast %broadcast_in_dim3A_1372 : vector<24x1xi1> to vector<24x128xi1>
      %broadcast_in_dim3A_1374 = vector.broadcast %jit3A_1371 : f32 to vector<24x128xf32>
      %select_n3A_1375 = arith.select %broadcast_in_dim3A_1373, %slice3A_1370, %broadcast_in_dim3A_1374 : vector<24x128xi1>, vector<24x128xf32>
      %add3A_1376 = arith.addf %add3A_1366, %select_n3A_1375 : vector<24x128xf32>
      %eq3A_1377 = arith.constant 2 : i32
      %eq3A_1378 = vector.broadcast %eq3A_1377 : i32 to vector<24x1xi32>
      %eq3A_1379 = arith.cmpi eq, %select_n3A_1332, %eq3A_1378 : vector<24x1xi32>
      %slice3A_1380 = vector.extract_strided_slice %concatenate3A_13 {offsets = [0, 256], sizes = [24, 128], strides = [1, 1]} : vector<24x2048xf32> to vector<24x128xf32>
      %jit3A_1381 = arith.constant 0.000000e+00 : f32
      %broadcast_in_dim3A_1382 = vector.shape_cast %eq3A_1379 : vector<24x1xi1> to vector<24x1xi1>
      %broadcast_in_dim3A_1383 = vector.broadcast %broadcast_in_dim3A_1382 : vector<24x1xi1> to vector<24x128xi1>
      %broadcast_in_dim3A_1384 = vector.broadcast %jit3A_1381 : f32 to vector<24x128xf32>
      %select_n3A_1385 = arith.select %broadcast_in_dim3A_1383, %slice3A_1380, %broadcast_in_dim3A_1384 : vector<24x128xi1>, vector<24x128xf32>
      %add3A_1386 = arith.addf %add3A_1376, %select_n3A_1385 : vector<24x128xf32>
      %eq3A_1387 = arith.constant 3 : i32
      %eq3A_1388 = vector.broadcast %eq3A_1387 : i32 to vector<24x1xi32>
      %eq3A_1389 = arith.cmpi eq, %select_n3A_1332, %eq3A_1388 : vector<24x1xi32>
      %slice3A_1390 = vector.extract_strided_slice %concatenate3A_13 {offsets = [0, 384], sizes = [24, 128], strides = [1, 1]} : vector<24x2048xf32> to vector<24x128xf32>
      %jit3A_1391 = arith.constant 0.000000e+00 : f32
      %broadcast_in_dim3A_1392 = vector.shape_cast %eq3A_1389 : vector<24x1xi1> to vector<24x1xi1>
      %broadcast_in_dim3A_1393 = vector.broadcast %broadcast_in_dim3A_1392 : vector<24x1xi1> to vector<24x128xi1>
      %broadcast_in_dim3A_1394 = vector.broadcast %jit3A_1391 : f32 to vector<24x128xf32>
      %select_n3A_1395 = arith.select %broadcast_in_dim3A_1393, %slice3A_1390, %broadcast_in_dim3A_1394 : vector<24x128xi1>, vector<24x128xf32>
      %add3A_1396 = arith.addf %add3A_1386, %select_n3A_1395 : vector<24x128xf32>
      %eq3A_1397 = arith.constant 4 : i32
      %eq3A_1398 = vector.broadcast %eq3A_1397 : i32 to vector<24x1xi32>
      %eq3A_1399 = arith.cmpi eq, %select_n3A_1332, %eq3A_1398 : vector<24x1xi32>
      %slice3A_1400 = vector.extract_strided_slice %concatenate3A_13 {offsets = [0, 512], sizes = [24, 128], strides = [1, 1]} : vector<24x2048xf32> to vector<24x128xf32>
      %jit3A_1401 = arith.constant 0.000000e+00 : f32
      %broadcast_in_dim3A_1402 = vector.shape_cast %eq3A_1399 : vector<24x1xi1> to vector<24x1xi1>
      %broadcast_in_dim3A_1403 = vector.broadcast %broadcast_in_dim3A_1402 : vector<24x1xi1> to vector<24x128xi1>
      %broadcast_in_dim3A_1404 = vector.broadcast %jit3A_1401 : f32 to vector<24x128xf32>
      %select_n3A_1405 = arith.select %broadcast_in_dim3A_1403, %slice3A_1400, %broadcast_in_dim3A_1404 : vector<24x128xi1>, vector<24x128xf32>
      %add3A_1406 = arith.addf %add3A_1396, %select_n3A_1405 : vector<24x128xf32>
      %eq3A_1407 = arith.constant 5 : i32
      %eq3A_1408 = vector.broadcast %eq3A_1407 : i32 to vector<24x1xi32>
      %eq3A_1409 = arith.cmpi eq, %select_n3A_1332, %eq3A_1408 : vector<24x1xi32>
      %slice3A_1410 = vector.extract_strided_slice %concatenate3A_13 {offsets = [0, 640], sizes = [24, 128], strides = [1, 1]} : vector<24x2048xf32> to vector<24x128xf32>
      %jit3A_1411 = arith.constant 0.000000e+00 : f32
      %broadcast_in_dim3A_1412 = vector.shape_cast %eq3A_1409 : vector<24x1xi1> to vector<24x1xi1>
      %broadcast_in_dim3A_1413 = vector.broadcast %broadcast_in_dim3A_1412 : vector<24x1xi1> to vector<24x128xi1>
      %broadcast_in_dim3A_1414 = vector.broadcast %jit3A_1411 : f32 to vector<24x128xf32>
      %select_n3A_1415 = arith.select %broadcast_in_dim3A_1413, %slice3A_1410, %broadcast_in_dim3A_1414 : vector<24x128xi1>, vector<24x128xf32>
      %add3A_1416 = arith.addf %add3A_1406, %select_n3A_1415 : vector<24x128xf32>
      %eq3A_1417 = arith.constant 6 : i32
      %eq3A_1418 = vector.broadcast %eq3A_1417 : i32 to vector<24x1xi32>
      %eq3A_1419 = arith.cmpi eq, %select_n3A_1332, %eq3A_1418 : vector<24x1xi32>
      %slice3A_1420 = vector.extract_strided_slice %concatenate3A_13 {offsets = [0, 768], sizes = [24, 128], strides = [1, 1]} : vector<24x2048xf32> to vector<24x128xf32>
      %jit3A_1421 = arith.constant 0.000000e+00 : f32
      %broadcast_in_dim3A_1422 = vector.shape_cast %eq3A_1419 : vector<24x1xi1> to vector<24x1xi1>
      %broadcast_in_dim3A_1423 = vector.broadcast %broadcast_in_dim3A_1422 : vector<24x1xi1> to vector<24x128xi1>
      %broadcast_in_dim3A_1424 = vector.broadcast %jit3A_1421 : f32 to vector<24x128xf32>
      %select_n3A_1425 = arith.select %broadcast_in_dim3A_1423, %slice3A_1420, %broadcast_in_dim3A_1424 : vector<24x128xi1>, vector<24x128xf32>
      %add3A_1426 = arith.addf %add3A_1416, %select_n3A_1425 : vector<24x128xf32>
      %eq3A_1427 = arith.constant 7 : i32
      %eq3A_1428 = vector.broadcast %eq3A_1427 : i32 to vector<24x1xi32>
      %eq3A_1429 = arith.cmpi eq, %select_n3A_1332, %eq3A_1428 : vector<24x1xi32>
      %slice3A_1430 = vector.extract_strided_slice %concatenate3A_13 {offsets = [0, 896], sizes = [24, 128], strides = [1, 1]} : vector<24x2048xf32> to vector<24x128xf32>
      %jit3A_1431 = arith.constant 0.000000e+00 : f32
      %broadcast_in_dim3A_1432 = vector.shape_cast %eq3A_1429 : vector<24x1xi1> to vector<24x1xi1>
      %broadcast_in_dim3A_1433 = vector.broadcast %broadcast_in_dim3A_1432 : vector<24x1xi1> to vector<24x128xi1>
      %broadcast_in_dim3A_1434 = vector.broadcast %jit3A_1431 : f32 to vector<24x128xf32>
      %select_n3A_1435 = arith.select %broadcast_in_dim3A_1433, %slice3A_1430, %broadcast_in_dim3A_1434 : vector<24x128xi1>, vector<24x128xf32>
      %add3A_1436 = arith.addf %add3A_1426, %select_n3A_1435 : vector<24x128xf32>
      %eq3A_1437 = arith.constant 8 : i32
      %eq3A_1438 = vector.broadcast %eq3A_1437 : i32 to vector<24x1xi32>
      %eq3A_1439 = arith.cmpi eq, %select_n3A_1332, %eq3A_1438 : vector<24x1xi32>
      %slice3A_1440 = vector.extract_strided_slice %concatenate3A_13 {offsets = [0, 1024], sizes = [24, 128], strides = [1, 1]} : vector<24x2048xf32> to vector<24x128xf32>
      %jit3A_1441 = arith.constant 0.000000e+00 : f32
      %broadcast_in_dim3A_1442 = vector.shape_cast %eq3A_1439 : vector<24x1xi1> to vector<24x1xi1>
      %broadcast_in_dim3A_1443 = vector.broadcast %broadcast_in_dim3A_1442 : vector<24x1xi1> to vector<24x128xi1>
      %broadcast_in_dim3A_1444 = vector.broadcast %jit3A_1441 : f32 to vector<24x128xf32>
      %select_n3A_1445 = arith.select %broadcast_in_dim3A_1443, %slice3A_1440, %broadcast_in_dim3A_1444 : vector<24x128xi1>, vector<24x128xf32>
      %add3A_1446 = arith.addf %add3A_1436, %select_n3A_1445 : vector<24x128xf32>
      %eq3A_1447 = arith.constant 9 : i32
      %eq3A_1448 = vector.broadcast %eq3A_1447 : i32 to vector<24x1xi32>
      %eq3A_1449 = arith.cmpi eq, %select_n3A_1332, %eq3A_1448 : vector<24x1xi32>
      %slice3A_1450 = vector.extract_strided_slice %concatenate3A_13 {offsets = [0, 1152], sizes = [24, 128], strides = [1, 1]} : vector<24x2048xf32> to vector<24x128xf32>
      %jit3A_1451 = arith.constant 0.000000e+00 : f32
      %broadcast_in_dim3A_1452 = vector.shape_cast %eq3A_1449 : vector<24x1xi1> to vector<24x1xi1>
      %broadcast_in_dim3A_1453 = vector.broadcast %broadcast_in_dim3A_1452 : vector<24x1xi1> to vector<24x128xi1>
      %broadcast_in_dim3A_1454 = vector.broadcast %jit3A_1451 : f32 to vector<24x128xf32>
      %select_n3A_1455 = arith.select %broadcast_in_dim3A_1453, %slice3A_1450, %broadcast_in_dim3A_1454 : vector<24x128xi1>, vector<24x128xf32>
      %add3A_1456 = arith.addf %add3A_1446, %select_n3A_1455 : vector<24x128xf32>
      %eq3A_1457 = arith.constant 10 : i32
      %eq3A_1458 = vector.broadcast %eq3A_1457 : i32 to vector<24x1xi32>
      %eq3A_1459 = arith.cmpi eq, %select_n3A_1332, %eq3A_1458 : vector<24x1xi32>
      %slice3A_1460 = vector.extract_strided_slice %concatenate3A_13 {offsets = [0, 1280], sizes = [24, 128], strides = [1, 1]} : vector<24x2048xf32> to vector<24x128xf32>
      %jit3A_1461 = arith.constant 0.000000e+00 : f32
      %broadcast_in_dim3A_1462 = vector.shape_cast %eq3A_1459 : vector<24x1xi1> to vector<24x1xi1>
      %broadcast_in_dim3A_1463 = vector.broadcast %broadcast_in_dim3A_1462 : vector<24x1xi1> to vector<24x128xi1>
      %broadcast_in_dim3A_1464 = vector.broadcast %jit3A_1461 : f32 to vector<24x128xf32>
      %select_n3A_1465 = arith.select %broadcast_in_dim3A_1463, %slice3A_1460, %broadcast_in_dim3A_1464 : vector<24x128xi1>, vector<24x128xf32>
      %add3A_1466 = arith.addf %add3A_1456, %select_n3A_1465 : vector<24x128xf32>
      %eq3A_1467 = arith.constant 11 : i32
      %eq3A_1468 = vector.broadcast %eq3A_1467 : i32 to vector<24x1xi32>
      %eq3A_1469 = arith.cmpi eq, %select_n3A_1332, %eq3A_1468 : vector<24x1xi32>
      %slice3A_1470 = vector.extract_strided_slice %concatenate3A_13 {offsets = [0, 1408], sizes = [24, 128], strides = [1, 1]} : vector<24x2048xf32> to vector<24x128xf32>
      %jit3A_1471 = arith.constant 0.000000e+00 : f32
      %broadcast_in_dim3A_1472 = vector.shape_cast %eq3A_1469 : vector<24x1xi1> to vector<24x1xi1>
      %broadcast_in_dim3A_1473 = vector.broadcast %broadcast_in_dim3A_1472 : vector<24x1xi1> to vector<24x128xi1>
      %broadcast_in_dim3A_1474 = vector.broadcast %jit3A_1471 : f32 to vector<24x128xf32>
      %select_n3A_1475 = arith.select %broadcast_in_dim3A_1473, %slice3A_1470, %broadcast_in_dim3A_1474 : vector<24x128xi1>, vector<24x128xf32>
      %add3A_1476 = arith.addf %add3A_1466, %select_n3A_1475 : vector<24x128xf32>
      %eq3A_1477 = arith.constant 12 : i32
      %eq3A_1478 = vector.broadcast %eq3A_1477 : i32 to vector<24x1xi32>
      %eq3A_1479 = arith.cmpi eq, %select_n3A_1332, %eq3A_1478 : vector<24x1xi32>
      %slice3A_1480 = vector.extract_strided_slice %concatenate3A_13 {offsets = [0, 1536], sizes = [24, 128], strides = [1, 1]} : vector<24x2048xf32> to vector<24x128xf32>
      %jit3A_1481 = arith.constant 0.000000e+00 : f32
      %broadcast_in_dim3A_1482 = vector.shape_cast %eq3A_1479 : vector<24x1xi1> to vector<24x1xi1>
      %broadcast_in_dim3A_1483 = vector.broadcast %broadcast_in_dim3A_1482 : vector<24x1xi1> to vector<24x128xi1>
      %broadcast_in_dim3A_1484 = vector.broadcast %jit3A_1481 : f32 to vector<24x128xf32>
      %select_n3A_1485 = arith.select %broadcast_in_dim3A_1483, %slice3A_1480, %broadcast_in_dim3A_1484 : vector<24x128xi1>, vector<24x128xf32>
      %add3A_1486 = arith.addf %add3A_1476, %select_n3A_1485 : vector<24x128xf32>
      %eq3A_1487 = arith.constant 13 : i32
      %eq3A_1488 = vector.broadcast %eq3A_1487 : i32 to vector<24x1xi32>
      %eq3A_1489 = arith.cmpi eq, %select_n3A_1332, %eq3A_1488 : vector<24x1xi32>
      %slice3A_1490 = vector.extract_strided_slice %concatenate3A_13 {offsets = [0, 1664], sizes = [24, 128], strides = [1, 1]} : vector<24x2048xf32> to vector<24x128xf32>
      %jit3A_1491 = arith.constant 0.000000e+00 : f32
      %broadcast_in_dim3A_1492 = vector.shape_cast %eq3A_1489 : vector<24x1xi1> to vector<24x1xi1>
      %broadcast_in_dim3A_1493 = vector.broadcast %broadcast_in_dim3A_1492 : vector<24x1xi1> to vector<24x128xi1>
      %broadcast_in_dim3A_1494 = vector.broadcast %jit3A_1491 : f32 to vector<24x128xf32>
      %select_n3A_1495 = arith.select %broadcast_in_dim3A_1493, %slice3A_1490, %broadcast_in_dim3A_1494 : vector<24x128xi1>, vector<24x128xf32>
      %add3A_1496 = arith.addf %add3A_1486, %select_n3A_1495 : vector<24x128xf32>
      %eq3A_1497 = arith.constant 14 : i32
      %eq3A_1498 = vector.broadcast %eq3A_1497 : i32 to vector<24x1xi32>
      %eq3A_1499 = arith.cmpi eq, %select_n3A_1332, %eq3A_1498 : vector<24x1xi32>
      %slice3A_1500 = vector.extract_strided_slice %concatenate3A_13 {offsets = [0, 1792], sizes = [24, 128], strides = [1, 1]} : vector<24x2048xf32> to vector<24x128xf32>
      %jit3A_1501 = arith.constant 0.000000e+00 : f32
      %broadcast_in_dim3A_1502 = vector.shape_cast %eq3A_1499 : vector<24x1xi1> to vector<24x1xi1>
      %broadcast_in_dim3A_1503 = vector.broadcast %broadcast_in_dim3A_1502 : vector<24x1xi1> to vector<24x128xi1>
      %broadcast_in_dim3A_1504 = vector.broadcast %jit3A_1501 : f32 to vector<24x128xf32>
      %select_n3A_1505 = arith.select %broadcast_in_dim3A_1503, %slice3A_1500, %broadcast_in_dim3A_1504 : vector<24x128xi1>, vector<24x128xf32>
      %add3A_1506 = arith.addf %add3A_1496, %select_n3A_1505 : vector<24x128xf32>
      %eq3A_1507 = arith.constant 15 : i32
      %eq3A_1508 = vector.broadcast %eq3A_1507 : i32 to vector<24x1xi32>
      %eq3A_1509 = arith.cmpi eq, %select_n3A_1332, %eq3A_1508 : vector<24x1xi32>
      %slice3A_1510 = vector.extract_strided_slice %concatenate3A_13 {offsets = [0, 1920], sizes = [24, 128], strides = [1, 1]} : vector<24x2048xf32> to vector<24x128xf32>
      %jit3A_1511 = arith.constant 0.000000e+00 : f32
      %broadcast_in_dim3A_1512 = vector.shape_cast %eq3A_1509 : vector<24x1xi1> to vector<24x1xi1>
      %broadcast_in_dim3A_1513 = vector.broadcast %broadcast_in_dim3A_1512 : vector<24x1xi1> to vector<24x128xi1>
      %broadcast_in_dim3A_1514 = vector.broadcast %jit3A_1511 : f32 to vector<24x128xf32>
      %select_n3A_1515 = arith.select %broadcast_in_dim3A_1513, %slice3A_1510, %broadcast_in_dim3A_1514 : vector<24x128xi1>, vector<24x128xf32>
      %add3A_1516 = arith.addf %add3A_1506, %select_n3A_1515 : vector<24x128xf32>
      %lt3A_1517 = arith.constant 0 : i32
      %lt3A_1518 = vector.broadcast %lt3A_1517 : i32 to vector<24x1xi32>
      %lt3A_1519 = arith.cmpi slt, %select_n3A_1354, %lt3A_1518 : vector<24x1xi32>
      %add3A_1520 = arith.constant 128 : i32
      %add3A_1521 = vector.broadcast %add3A_1520 : i32 to vector<24x1xi32>
      %add3A_1522 = arith.addi %select_n3A_1354, %add3A_1521 : vector<24x1xi32>
      %select_n3A_1523 = arith.select %lt3A_1519, %add3A_1522, %select_n3A_1354 : vector<24x1xi1>, vector<24x1xi32>
      %reshape3A_1524 = vector.shape_cast %select_n3A_1523 : vector<24x1xi32> to vector<24x1x1xi32>
      %gather3A_1525 = vector.shape_cast %reshape3A_1524 : vector<24x1x1xi32> to vector<24x1xi32>
      %gather3A_1526 = tpu.dynamic_gather %add3A_1516[%gather3A_1525] in [1] : vector<24x128xf32>, vector<24x1xi32> -> vector<24x1xf32>
      %eq3A_1527 = vector.broadcast %scan3A_1029 : i32 to vector<8x256xi32>
      %eq3A_1528 = arith.cmpi eq, %iota3A, %eq3A_1527 : vector<8x256xi32>
      %broadcast_in_dim3A_1529 = vector.shape_cast %broadcast_in_dim3A_1300 : vector<8x1xi32> to vector<8x1xi32>
      %broadcast_in_dim3A_1530 = vector.broadcast %broadcast_in_dim3A_1529 : vector<8x1xi32> to vector<8x256xi32>
      %select_n3A_1531 = arith.select %eq3A_1528, %broadcast_in_dim3A_1530, %select_n3A_1027 : vector<8x256xi1>, vector<8x256xi32>
      scf.yield %min3A_1047, %select_n3A_1280, %gather3A_1275, %min3A_1298, %select_n3A_1531, %gather3A_1526 : vector<8x2048xf32>, vector<8x256xi32>, vector<24x1xf32>, vector<8x2048xf32>, vector<8x256xi32>, vector<24x1xf32>
    }
    %scan3A_27 = arith.constant 254 : i32
    %scan3A_28 = arith.addi %scan3A, %scan3A_27 : i32
    %slice3A_29 = vector.extract_strided_slice %scan3A_26#2 {offsets = [0, 0], sizes = [8, 1], strides = [1, 1]} : vector<24x1xf32> to vector<8x1xf32>
    %slice3A_30 = vector.extract_strided_slice %scan3A_26#2 {offsets = [8, 0], sizes = [8, 1], strides = [1, 1]} : vector<24x1xf32> to vector<8x1xf32>
    %slice3A_31 = vector.extract_strided_slice %scan3A_26#2 {offsets = [16, 0], sizes = [8, 1], strides = [1, 1]} : vector<24x1xf32> to vector<8x1xf32>
    %slice3A_32 = vector.extract_strided_slice %concatenate3A {offsets = [0, 0], sizes = [8, 2048], strides = [1, 1]} : vector<24x2048xf32> to vector<8x2048xf32>
    %sub3A = vector.broadcast %slice3A_29 : vector<8x1xf32> to vector<8x2048xf32>
    %sub3A_33 = arith.subf %slice3A_32, %sub3A : vector<8x2048xf32>
    %slice3A_34 = vector.extract_strided_slice %concatenate3A {offsets = [8, 0], sizes = [8, 2048], strides = [1, 1]} : vector<24x2048xf32> to vector<8x2048xf32>
    %sub3A_35 = vector.broadcast %slice3A_30 : vector<8x1xf32> to vector<8x2048xf32>
    %sub3A_36 = arith.subf %slice3A_34, %sub3A_35 : vector<8x2048xf32>
    %slice3A_37 = vector.extract_strided_slice %concatenate3A {offsets = [16, 0], sizes = [8, 2048], strides = [1, 1]} : vector<24x2048xf32> to vector<8x2048xf32>
    %sub3A_38 = vector.broadcast %slice3A_31 : vector<8x1xf32> to vector<8x2048xf32>
    %sub3A_39 = arith.subf %slice3A_37, %sub3A_38 : vector<8x2048xf32>
    %mul3A = arith.mulf %sub3A_33, %sub3A_33 : vector<8x2048xf32>
    %mul3A_40 = arith.mulf %sub3A_36, %sub3A_36 : vector<8x2048xf32>
    %add3A = arith.addf %mul3A, %mul3A_40 : vector<8x2048xf32>
    %mul3A_41 = arith.mulf %sub3A_39, %sub3A_39 : vector<8x2048xf32>
    %add3A_42 = arith.addf %add3A, %mul3A_41 : vector<8x2048xf32>
    %min3A = arith.minimumf %scan3A_26#0, %add3A_42 : vector<8x2048xf32>
    %argmax3A = tpu.reduce_index %min3A {axis = 1 : i32, kind = #tpu.reduction_kind<arg_max>} : vector<8x2048xf32> -> vector<8xi32>
    %broadcast_in_dim3A_43 = vector.shape_cast %argmax3A : vector<8xi32> to vector<8x1xi32>
    %concatenate3A_44 = tpu.concatenate %broadcast_in_dim3A_43, %broadcast_in_dim3A_43, %broadcast_in_dim3A_43 in 0 : vector<8x1xi32>, vector<8x1xi32>, vector<8x1xi32> -> vector<24x1xi32>
    %jit3A = arith.constant 128 : i32
    %div3A = vector.broadcast %jit3A : i32 to vector<24x1xi32>
    %div3A_45 = arith.divsi %concatenate3A_44, %div3A : vector<24x1xi32>
    %sign3A = arith.constant 0 : i32
    %sign3A_46 = vector.broadcast %sign3A : i32 to vector<24x1xi32>
    %sign3A_47 = arith.cmpi sgt, %concatenate3A_44, %sign3A_46 : vector<24x1xi32>
    %sign3A_48 = arith.extui %sign3A_47 : vector<24x1xi1> to vector<24x1xi32>
    %sign3A_49 = arith.constant 0 : i32
    %sign3A_50 = vector.broadcast %sign3A_49 : i32 to vector<24x1xi32>
    %sign3A_51 = arith.cmpi slt, %concatenate3A_44, %sign3A_50 : vector<24x1xi32>
    %sign3A_52 = arith.extui %sign3A_51 : vector<24x1xi1> to vector<24x1xi32>
    %sign3A_53 = arith.subi %sign3A_48, %sign3A_52 : vector<24x1xi32>
    %sign3A_54 = arith.constant 0 : i32
    %sign3A_55 = arith.cmpi sgt, %jit3A, %sign3A_54 : i32
    %sign3A_56 = arith.extui %sign3A_55 : i1 to i32
    %sign3A_57 = arith.constant 0 : i32
    %sign3A_58 = arith.cmpi slt, %jit3A, %sign3A_57 : i32
    %sign3A_59 = arith.extui %sign3A_58 : i1 to i32
    %sign3A_60 = arith.subi %sign3A_56, %sign3A_59 : i32
    %ne3A = vector.broadcast %sign3A_60 : i32 to vector<24x1xi32>
    %ne3A_61 = arith.cmpi ne, %sign3A_53, %ne3A : vector<24x1xi32>
    %rem3A = vector.broadcast %jit3A : i32 to vector<24x1xi32>
    %rem3A_62 = arith.remsi %concatenate3A_44, %rem3A : vector<24x1xi32>
    %ne3A_63 = arith.constant 0 : i32
    %ne3A_64 = vector.broadcast %ne3A_63 : i32 to vector<24x1xi32>
    %ne3A_65 = arith.cmpi ne, %rem3A_62, %ne3A_64 : vector<24x1xi32>
    %and3A = arith.andi %ne3A_61, %ne3A_65 : vector<24x1xi1>
    %sub3A_66 = arith.constant 1 : i32
    %sub3A_67 = vector.broadcast %sub3A_66 : i32 to vector<24x1xi32>
    %sub3A_68 = arith.subi %div3A_45, %sub3A_67 : vector<24x1xi32>
    %select_n3A = arith.select %and3A, %sub3A_68, %div3A_45 : vector<24x1xi1>, vector<24x1xi32>
    %jit3A_69 = arith.constant 128 : i32
    %eq3A = arith.constant 0 : i32
    %eq3A_70 = arith.cmpi eq, %jit3A_69, %eq3A : i32
    %jit3A_71 = arith.constant 1 : i32
    %select_n3A_72 = arith.select %eq3A_70, %jit3A_71, %jit3A_69 : i32
    %rem3A_73 = vector.broadcast %select_n3A_72 : i32 to vector<24x1xi32>
    %rem3A_74 = arith.remsi %concatenate3A_44, %rem3A_73 : vector<24x1xi32>
    %ne3A_75 = arith.constant 0 : i32
    %ne3A_76 = vector.broadcast %ne3A_75 : i32 to vector<24x1xi32>
    %ne3A_77 = arith.cmpi ne, %rem3A_74, %ne3A_76 : vector<24x1xi32>
    %lt3A = arith.constant 0 : i32
    %lt3A_78 = vector.broadcast %lt3A : i32 to vector<24x1xi32>
    %lt3A_79 = arith.cmpi slt, %rem3A_74, %lt3A_78 : vector<24x1xi32>
    %lt3A_80 = arith.constant 0 : i32
    %lt3A_81 = arith.cmpi slt, %select_n3A_72, %lt3A_80 : i32
    %ne3A_82 = vector.broadcast %lt3A_81 : i1 to vector<24x1xi1>
    %ne3A_83 = vector.broadcast %ne3A_82 : vector<24x1xi1> to vector<24x1xi1>
    %ne3A_84 = arith.xori %lt3A_79, %ne3A_83 : vector<24x1xi1>
    %and3A_85 = arith.andi %ne3A_84, %ne3A_77 : vector<24x1xi1>
    %add3A_86 = vector.broadcast %select_n3A_72 : i32 to vector<24x1xi32>
    %add3A_87 = arith.addi %rem3A_74, %add3A_86 : vector<24x1xi32>
    %select_n3A_88 = arith.select %and3A_85, %add3A_87, %rem3A_74 : vector<24x1xi1>, vector<24x1xi32>
    %broadcast_in_dim3A_89 = arith.constant 0.000000e+00 : f32
    %broadcast_in_dim3A_90 = vector.broadcast %broadcast_in_dim3A_89 : f32 to vector<24x128xf32>
    %eq3A_91 = arith.constant 0 : i32
    %eq3A_92 = vector.broadcast %eq3A_91 : i32 to vector<24x1xi32>
    %eq3A_93 = arith.cmpi eq, %select_n3A, %eq3A_92 : vector<24x1xi32>
    %slice3A_94 = vector.extract_strided_slice %concatenate3A {offsets = [0, 0], sizes = [24, 128], strides = [1, 1]} : vector<24x2048xf32> to vector<24x128xf32>
    %jit3A_95 = arith.constant 0.000000e+00 : f32
    %broadcast_in_dim3A_96 = vector.shape_cast %eq3A_93 : vector<24x1xi1> to vector<24x1xi1>
    %broadcast_in_dim3A_97 = vector.broadcast %broadcast_in_dim3A_96 : vector<24x1xi1> to vector<24x128xi1>
    %broadcast_in_dim3A_98 = vector.broadcast %jit3A_95 : f32 to vector<24x128xf32>
    %select_n3A_99 = arith.select %broadcast_in_dim3A_97, %slice3A_94, %broadcast_in_dim3A_98 : vector<24x128xi1>, vector<24x128xf32>
    %add3A_100 = arith.addf %broadcast_in_dim3A_90, %select_n3A_99 : vector<24x128xf32>
    %eq3A_101 = arith.constant 1 : i32
    %eq3A_102 = vector.broadcast %eq3A_101 : i32 to vector<24x1xi32>
    %eq3A_103 = arith.cmpi eq, %select_n3A, %eq3A_102 : vector<24x1xi32>
    %slice3A_104 = vector.extract_strided_slice %concatenate3A {offsets = [0, 128], sizes = [24, 128], strides = [1, 1]} : vector<24x2048xf32> to vector<24x128xf32>
    %jit3A_105 = arith.constant 0.000000e+00 : f32
    %broadcast_in_dim3A_106 = vector.shape_cast %eq3A_103 : vector<24x1xi1> to vector<24x1xi1>
    %broadcast_in_dim3A_107 = vector.broadcast %broadcast_in_dim3A_106 : vector<24x1xi1> to vector<24x128xi1>
    %broadcast_in_dim3A_108 = vector.broadcast %jit3A_105 : f32 to vector<24x128xf32>
    %select_n3A_109 = arith.select %broadcast_in_dim3A_107, %slice3A_104, %broadcast_in_dim3A_108 : vector<24x128xi1>, vector<24x128xf32>
    %add3A_110 = arith.addf %add3A_100, %select_n3A_109 : vector<24x128xf32>
    %eq3A_111 = arith.constant 2 : i32
    %eq3A_112 = vector.broadcast %eq3A_111 : i32 to vector<24x1xi32>
    %eq3A_113 = arith.cmpi eq, %select_n3A, %eq3A_112 : vector<24x1xi32>
    %slice3A_114 = vector.extract_strided_slice %concatenate3A {offsets = [0, 256], sizes = [24, 128], strides = [1, 1]} : vector<24x2048xf32> to vector<24x128xf32>
    %jit3A_115 = arith.constant 0.000000e+00 : f32
    %broadcast_in_dim3A_116 = vector.shape_cast %eq3A_113 : vector<24x1xi1> to vector<24x1xi1>
    %broadcast_in_dim3A_117 = vector.broadcast %broadcast_in_dim3A_116 : vector<24x1xi1> to vector<24x128xi1>
    %broadcast_in_dim3A_118 = vector.broadcast %jit3A_115 : f32 to vector<24x128xf32>
    %select_n3A_119 = arith.select %broadcast_in_dim3A_117, %slice3A_114, %broadcast_in_dim3A_118 : vector<24x128xi1>, vector<24x128xf32>
    %add3A_120 = arith.addf %add3A_110, %select_n3A_119 : vector<24x128xf32>
    %eq3A_121 = arith.constant 3 : i32
    %eq3A_122 = vector.broadcast %eq3A_121 : i32 to vector<24x1xi32>
    %eq3A_123 = arith.cmpi eq, %select_n3A, %eq3A_122 : vector<24x1xi32>
    %slice3A_124 = vector.extract_strided_slice %concatenate3A {offsets = [0, 384], sizes = [24, 128], strides = [1, 1]} : vector<24x2048xf32> to vector<24x128xf32>
    %jit3A_125 = arith.constant 0.000000e+00 : f32
    %broadcast_in_dim3A_126 = vector.shape_cast %eq3A_123 : vector<24x1xi1> to vector<24x1xi1>
    %broadcast_in_dim3A_127 = vector.broadcast %broadcast_in_dim3A_126 : vector<24x1xi1> to vector<24x128xi1>
    %broadcast_in_dim3A_128 = vector.broadcast %jit3A_125 : f32 to vector<24x128xf32>
    %select_n3A_129 = arith.select %broadcast_in_dim3A_127, %slice3A_124, %broadcast_in_dim3A_128 : vector<24x128xi1>, vector<24x128xf32>
    %add3A_130 = arith.addf %add3A_120, %select_n3A_129 : vector<24x128xf32>
    %eq3A_131 = arith.constant 4 : i32
    %eq3A_132 = vector.broadcast %eq3A_131 : i32 to vector<24x1xi32>
    %eq3A_133 = arith.cmpi eq, %select_n3A, %eq3A_132 : vector<24x1xi32>
    %slice3A_134 = vector.extract_strided_slice %concatenate3A {offsets = [0, 512], sizes = [24, 128], strides = [1, 1]} : vector<24x2048xf32> to vector<24x128xf32>
    %jit3A_135 = arith.constant 0.000000e+00 : f32
    %broadcast_in_dim3A_136 = vector.shape_cast %eq3A_133 : vector<24x1xi1> to vector<24x1xi1>
    %broadcast_in_dim3A_137 = vector.broadcast %broadcast_in_dim3A_136 : vector<24x1xi1> to vector<24x128xi1>
    %broadcast_in_dim3A_138 = vector.broadcast %jit3A_135 : f32 to vector<24x128xf32>
    %select_n3A_139 = arith.select %broadcast_in_dim3A_137, %slice3A_134, %broadcast_in_dim3A_138 : vector<24x128xi1>, vector<24x128xf32>
    %add3A_140 = arith.addf %add3A_130, %select_n3A_139 : vector<24x128xf32>
    %eq3A_141 = arith.constant 5 : i32
    %eq3A_142 = vector.broadcast %eq3A_141 : i32 to vector<24x1xi32>
    %eq3A_143 = arith.cmpi eq, %select_n3A, %eq3A_142 : vector<24x1xi32>
    %slice3A_144 = vector.extract_strided_slice %concatenate3A {offsets = [0, 640], sizes = [24, 128], strides = [1, 1]} : vector<24x2048xf32> to vector<24x128xf32>
    %jit3A_145 = arith.constant 0.000000e+00 : f32
    %broadcast_in_dim3A_146 = vector.shape_cast %eq3A_143 : vector<24x1xi1> to vector<24x1xi1>
    %broadcast_in_dim3A_147 = vector.broadcast %broadcast_in_dim3A_146 : vector<24x1xi1> to vector<24x128xi1>
    %broadcast_in_dim3A_148 = vector.broadcast %jit3A_145 : f32 to vector<24x128xf32>
    %select_n3A_149 = arith.select %broadcast_in_dim3A_147, %slice3A_144, %broadcast_in_dim3A_148 : vector<24x128xi1>, vector<24x128xf32>
    %add3A_150 = arith.addf %add3A_140, %select_n3A_149 : vector<24x128xf32>
    %eq3A_151 = arith.constant 6 : i32
    %eq3A_152 = vector.broadcast %eq3A_151 : i32 to vector<24x1xi32>
    %eq3A_153 = arith.cmpi eq, %select_n3A, %eq3A_152 : vector<24x1xi32>
    %slice3A_154 = vector.extract_strided_slice %concatenate3A {offsets = [0, 768], sizes = [24, 128], strides = [1, 1]} : vector<24x2048xf32> to vector<24x128xf32>
    %jit3A_155 = arith.constant 0.000000e+00 : f32
    %broadcast_in_dim3A_156 = vector.shape_cast %eq3A_153 : vector<24x1xi1> to vector<24x1xi1>
    %broadcast_in_dim3A_157 = vector.broadcast %broadcast_in_dim3A_156 : vector<24x1xi1> to vector<24x128xi1>
    %broadcast_in_dim3A_158 = vector.broadcast %jit3A_155 : f32 to vector<24x128xf32>
    %select_n3A_159 = arith.select %broadcast_in_dim3A_157, %slice3A_154, %broadcast_in_dim3A_158 : vector<24x128xi1>, vector<24x128xf32>
    %add3A_160 = arith.addf %add3A_150, %select_n3A_159 : vector<24x128xf32>
    %eq3A_161 = arith.constant 7 : i32
    %eq3A_162 = vector.broadcast %eq3A_161 : i32 to vector<24x1xi32>
    %eq3A_163 = arith.cmpi eq, %select_n3A, %eq3A_162 : vector<24x1xi32>
    %slice3A_164 = vector.extract_strided_slice %concatenate3A {offsets = [0, 896], sizes = [24, 128], strides = [1, 1]} : vector<24x2048xf32> to vector<24x128xf32>
    %jit3A_165 = arith.constant 0.000000e+00 : f32
    %broadcast_in_dim3A_166 = vector.shape_cast %eq3A_163 : vector<24x1xi1> to vector<24x1xi1>
    %broadcast_in_dim3A_167 = vector.broadcast %broadcast_in_dim3A_166 : vector<24x1xi1> to vector<24x128xi1>
    %broadcast_in_dim3A_168 = vector.broadcast %jit3A_165 : f32 to vector<24x128xf32>
    %select_n3A_169 = arith.select %broadcast_in_dim3A_167, %slice3A_164, %broadcast_in_dim3A_168 : vector<24x128xi1>, vector<24x128xf32>
    %add3A_170 = arith.addf %add3A_160, %select_n3A_169 : vector<24x128xf32>
    %eq3A_171 = arith.constant 8 : i32
    %eq3A_172 = vector.broadcast %eq3A_171 : i32 to vector<24x1xi32>
    %eq3A_173 = arith.cmpi eq, %select_n3A, %eq3A_172 : vector<24x1xi32>
    %slice3A_174 = vector.extract_strided_slice %concatenate3A {offsets = [0, 1024], sizes = [24, 128], strides = [1, 1]} : vector<24x2048xf32> to vector<24x128xf32>
    %jit3A_175 = arith.constant 0.000000e+00 : f32
    %broadcast_in_dim3A_176 = vector.shape_cast %eq3A_173 : vector<24x1xi1> to vector<24x1xi1>
    %broadcast_in_dim3A_177 = vector.broadcast %broadcast_in_dim3A_176 : vector<24x1xi1> to vector<24x128xi1>
    %broadcast_in_dim3A_178 = vector.broadcast %jit3A_175 : f32 to vector<24x128xf32>
    %select_n3A_179 = arith.select %broadcast_in_dim3A_177, %slice3A_174, %broadcast_in_dim3A_178 : vector<24x128xi1>, vector<24x128xf32>
    %add3A_180 = arith.addf %add3A_170, %select_n3A_179 : vector<24x128xf32>
    %eq3A_181 = arith.constant 9 : i32
    %eq3A_182 = vector.broadcast %eq3A_181 : i32 to vector<24x1xi32>
    %eq3A_183 = arith.cmpi eq, %select_n3A, %eq3A_182 : vector<24x1xi32>
    %slice3A_184 = vector.extract_strided_slice %concatenate3A {offsets = [0, 1152], sizes = [24, 128], strides = [1, 1]} : vector<24x2048xf32> to vector<24x128xf32>
    %jit3A_185 = arith.constant 0.000000e+00 : f32
    %broadcast_in_dim3A_186 = vector.shape_cast %eq3A_183 : vector<24x1xi1> to vector<24x1xi1>
    %broadcast_in_dim3A_187 = vector.broadcast %broadcast_in_dim3A_186 : vector<24x1xi1> to vector<24x128xi1>
    %broadcast_in_dim3A_188 = vector.broadcast %jit3A_185 : f32 to vector<24x128xf32>
    %select_n3A_189 = arith.select %broadcast_in_dim3A_187, %slice3A_184, %broadcast_in_dim3A_188 : vector<24x128xi1>, vector<24x128xf32>
    %add3A_190 = arith.addf %add3A_180, %select_n3A_189 : vector<24x128xf32>
    %eq3A_191 = arith.constant 10 : i32
    %eq3A_192 = vector.broadcast %eq3A_191 : i32 to vector<24x1xi32>
    %eq3A_193 = arith.cmpi eq, %select_n3A, %eq3A_192 : vector<24x1xi32>
    %slice3A_194 = vector.extract_strided_slice %concatenate3A {offsets = [0, 1280], sizes = [24, 128], strides = [1, 1]} : vector<24x2048xf32> to vector<24x128xf32>
    %jit3A_195 = arith.constant 0.000000e+00 : f32
    %broadcast_in_dim3A_196 = vector.shape_cast %eq3A_193 : vector<24x1xi1> to vector<24x1xi1>
    %broadcast_in_dim3A_197 = vector.broadcast %broadcast_in_dim3A_196 : vector<24x1xi1> to vector<24x128xi1>
    %broadcast_in_dim3A_198 = vector.broadcast %jit3A_195 : f32 to vector<24x128xf32>
    %select_n3A_199 = arith.select %broadcast_in_dim3A_197, %slice3A_194, %broadcast_in_dim3A_198 : vector<24x128xi1>, vector<24x128xf32>
    %add3A_200 = arith.addf %add3A_190, %select_n3A_199 : vector<24x128xf32>
    %eq3A_201 = arith.constant 11 : i32
    %eq3A_202 = vector.broadcast %eq3A_201 : i32 to vector<24x1xi32>
    %eq3A_203 = arith.cmpi eq, %select_n3A, %eq3A_202 : vector<24x1xi32>
    %slice3A_204 = vector.extract_strided_slice %concatenate3A {offsets = [0, 1408], sizes = [24, 128], strides = [1, 1]} : vector<24x2048xf32> to vector<24x128xf32>
    %jit3A_205 = arith.constant 0.000000e+00 : f32
    %broadcast_in_dim3A_206 = vector.shape_cast %eq3A_203 : vector<24x1xi1> to vector<24x1xi1>
    %broadcast_in_dim3A_207 = vector.broadcast %broadcast_in_dim3A_206 : vector<24x1xi1> to vector<24x128xi1>
    %broadcast_in_dim3A_208 = vector.broadcast %jit3A_205 : f32 to vector<24x128xf32>
    %select_n3A_209 = arith.select %broadcast_in_dim3A_207, %slice3A_204, %broadcast_in_dim3A_208 : vector<24x128xi1>, vector<24x128xf32>
    %add3A_210 = arith.addf %add3A_200, %select_n3A_209 : vector<24x128xf32>
    %eq3A_211 = arith.constant 12 : i32
    %eq3A_212 = vector.broadcast %eq3A_211 : i32 to vector<24x1xi32>
    %eq3A_213 = arith.cmpi eq, %select_n3A, %eq3A_212 : vector<24x1xi32>
    %slice3A_214 = vector.extract_strided_slice %concatenate3A {offsets = [0, 1536], sizes = [24, 128], strides = [1, 1]} : vector<24x2048xf32> to vector<24x128xf32>
    %jit3A_215 = arith.constant 0.000000e+00 : f32
    %broadcast_in_dim3A_216 = vector.shape_cast %eq3A_213 : vector<24x1xi1> to vector<24x1xi1>
    %broadcast_in_dim3A_217 = vector.broadcast %broadcast_in_dim3A_216 : vector<24x1xi1> to vector<24x128xi1>
    %broadcast_in_dim3A_218 = vector.broadcast %jit3A_215 : f32 to vector<24x128xf32>
    %select_n3A_219 = arith.select %broadcast_in_dim3A_217, %slice3A_214, %broadcast_in_dim3A_218 : vector<24x128xi1>, vector<24x128xf32>
    %add3A_220 = arith.addf %add3A_210, %select_n3A_219 : vector<24x128xf32>
    %eq3A_221 = arith.constant 13 : i32
    %eq3A_222 = vector.broadcast %eq3A_221 : i32 to vector<24x1xi32>
    %eq3A_223 = arith.cmpi eq, %select_n3A, %eq3A_222 : vector<24x1xi32>
    %slice3A_224 = vector.extract_strided_slice %concatenate3A {offsets = [0, 1664], sizes = [24, 128], strides = [1, 1]} : vector<24x2048xf32> to vector<24x128xf32>
    %jit3A_225 = arith.constant 0.000000e+00 : f32
    %broadcast_in_dim3A_226 = vector.shape_cast %eq3A_223 : vector<24x1xi1> to vector<24x1xi1>
    %broadcast_in_dim3A_227 = vector.broadcast %broadcast_in_dim3A_226 : vector<24x1xi1> to vector<24x128xi1>
    %broadcast_in_dim3A_228 = vector.broadcast %jit3A_225 : f32 to vector<24x128xf32>
    %select_n3A_229 = arith.select %broadcast_in_dim3A_227, %slice3A_224, %broadcast_in_dim3A_228 : vector<24x128xi1>, vector<24x128xf32>
    %add3A_230 = arith.addf %add3A_220, %select_n3A_229 : vector<24x128xf32>
    %eq3A_231 = arith.constant 14 : i32
    %eq3A_232 = vector.broadcast %eq3A_231 : i32 to vector<24x1xi32>
    %eq3A_233 = arith.cmpi eq, %select_n3A, %eq3A_232 : vector<24x1xi32>
    %slice3A_234 = vector.extract_strided_slice %concatenate3A {offsets = [0, 1792], sizes = [24, 128], strides = [1, 1]} : vector<24x2048xf32> to vector<24x128xf32>
    %jit3A_235 = arith.constant 0.000000e+00 : f32
    %broadcast_in_dim3A_236 = vector.shape_cast %eq3A_233 : vector<24x1xi1> to vector<24x1xi1>
    %broadcast_in_dim3A_237 = vector.broadcast %broadcast_in_dim3A_236 : vector<24x1xi1> to vector<24x128xi1>
    %broadcast_in_dim3A_238 = vector.broadcast %jit3A_235 : f32 to vector<24x128xf32>
    %select_n3A_239 = arith.select %broadcast_in_dim3A_237, %slice3A_234, %broadcast_in_dim3A_238 : vector<24x128xi1>, vector<24x128xf32>
    %add3A_240 = arith.addf %add3A_230, %select_n3A_239 : vector<24x128xf32>
    %eq3A_241 = arith.constant 15 : i32
    %eq3A_242 = vector.broadcast %eq3A_241 : i32 to vector<24x1xi32>
    %eq3A_243 = arith.cmpi eq, %select_n3A, %eq3A_242 : vector<24x1xi32>
    %slice3A_244 = vector.extract_strided_slice %concatenate3A {offsets = [0, 1920], sizes = [24, 128], strides = [1, 1]} : vector<24x2048xf32> to vector<24x128xf32>
    %jit3A_245 = arith.constant 0.000000e+00 : f32
    %broadcast_in_dim3A_246 = vector.shape_cast %eq3A_243 : vector<24x1xi1> to vector<24x1xi1>
    %broadcast_in_dim3A_247 = vector.broadcast %broadcast_in_dim3A_246 : vector<24x1xi1> to vector<24x128xi1>
    %broadcast_in_dim3A_248 = vector.broadcast %jit3A_245 : f32 to vector<24x128xf32>
    %select_n3A_249 = arith.select %broadcast_in_dim3A_247, %slice3A_244, %broadcast_in_dim3A_248 : vector<24x128xi1>, vector<24x128xf32>
    %add3A_250 = arith.addf %add3A_240, %select_n3A_249 : vector<24x128xf32>
    %lt3A_251 = arith.constant 0 : i32
    %lt3A_252 = vector.broadcast %lt3A_251 : i32 to vector<24x1xi32>
    %lt3A_253 = arith.cmpi slt, %select_n3A_88, %lt3A_252 : vector<24x1xi32>
    %add3A_254 = arith.constant 128 : i32
    %add3A_255 = vector.broadcast %add3A_254 : i32 to vector<24x1xi32>
    %add3A_256 = arith.addi %select_n3A_88, %add3A_255 : vector<24x1xi32>
    %select_n3A_257 = arith.select %lt3A_253, %add3A_256, %select_n3A_88 : vector<24x1xi1>, vector<24x1xi32>
    %reshape3A = vector.shape_cast %select_n3A_257 : vector<24x1xi32> to vector<24x1x1xi32>
    %gather3A = vector.shape_cast %reshape3A : vector<24x1x1xi32> to vector<24x1xi32>
    %gather3A_258 = tpu.dynamic_gather %add3A_250[%gather3A] in [1] : vector<24x128xf32>, vector<24x1xi32> -> vector<24x1xf32>
    %eq3A_259 = vector.broadcast %scan3A_28 : i32 to vector<8x256xi32>
    %eq3A_260 = arith.cmpi eq, %iota3A, %eq3A_259 : vector<8x256xi32>
    %broadcast_in_dim3A_261 = vector.shape_cast %broadcast_in_dim3A_43 : vector<8x1xi32> to vector<8x1xi32>
    %broadcast_in_dim3A_262 = vector.broadcast %broadcast_in_dim3A_261 : vector<8x1xi32> to vector<8x256xi32>
    %select_n3A_263 = arith.select %eq3A_260, %broadcast_in_dim3A_262, %scan3A_26#1 : vector<8x256xi1>, vector<8x256xi32>
    %slice3A_264 = vector.extract_strided_slice %scan3A_26#5 {offsets = [0, 0], sizes = [8, 1], strides = [1, 1]} : vector<24x1xf32> to vector<8x1xf32>
    %slice3A_265 = vector.extract_strided_slice %scan3A_26#5 {offsets = [8, 0], sizes = [8, 1], strides = [1, 1]} : vector<24x1xf32> to vector<8x1xf32>
    %slice3A_266 = vector.extract_strided_slice %scan3A_26#5 {offsets = [16, 0], sizes = [8, 1], strides = [1, 1]} : vector<24x1xf32> to vector<8x1xf32>
    %slice3A_267 = vector.extract_strided_slice %concatenate3A_13 {offsets = [0, 0], sizes = [8, 2048], strides = [1, 1]} : vector<24x2048xf32> to vector<8x2048xf32>
    %sub3A_268 = vector.broadcast %slice3A_264 : vector<8x1xf32> to vector<8x2048xf32>
    %sub3A_269 = arith.subf %slice3A_267, %sub3A_268 : vector<8x2048xf32>
    %slice3A_270 = vector.extract_strided_slice %concatenate3A_13 {offsets = [8, 0], sizes = [8, 2048], strides = [1, 1]} : vector<24x2048xf32> to vector<8x2048xf32>
    %sub3A_271 = vector.broadcast %slice3A_265 : vector<8x1xf32> to vector<8x2048xf32>
    %sub3A_272 = arith.subf %slice3A_270, %sub3A_271 : vector<8x2048xf32>
    %slice3A_273 = vector.extract_strided_slice %concatenate3A_13 {offsets = [16, 0], sizes = [8, 2048], strides = [1, 1]} : vector<24x2048xf32> to vector<8x2048xf32>
    %sub3A_274 = vector.broadcast %slice3A_266 : vector<8x1xf32> to vector<8x2048xf32>
    %sub3A_275 = arith.subf %slice3A_273, %sub3A_274 : vector<8x2048xf32>
    %mul3A_276 = arith.mulf %sub3A_269, %sub3A_269 : vector<8x2048xf32>
    %mul3A_277 = arith.mulf %sub3A_272, %sub3A_272 : vector<8x2048xf32>
    %add3A_278 = arith.addf %mul3A_276, %mul3A_277 : vector<8x2048xf32>
    %mul3A_279 = arith.mulf %sub3A_275, %sub3A_275 : vector<8x2048xf32>
    %add3A_280 = arith.addf %add3A_278, %mul3A_279 : vector<8x2048xf32>
    %min3A_281 = arith.minimumf %scan3A_26#3, %add3A_280 : vector<8x2048xf32>
    %argmax3A_282 = tpu.reduce_index %min3A_281 {axis = 1 : i32, kind = #tpu.reduction_kind<arg_max>} : vector<8x2048xf32> -> vector<8xi32>
    %broadcast_in_dim3A_283 = vector.shape_cast %argmax3A_282 : vector<8xi32> to vector<8x1xi32>
    %concatenate3A_284 = tpu.concatenate %broadcast_in_dim3A_283, %broadcast_in_dim3A_283, %broadcast_in_dim3A_283 in 0 : vector<8x1xi32>, vector<8x1xi32>, vector<8x1xi32> -> vector<24x1xi32>
    %jit3A_285 = arith.constant 128 : i32
    %div3A_286 = vector.broadcast %jit3A_285 : i32 to vector<24x1xi32>
    %div3A_287 = arith.divsi %concatenate3A_284, %div3A_286 : vector<24x1xi32>
    %sign3A_288 = arith.constant 0 : i32
    %sign3A_289 = vector.broadcast %sign3A_288 : i32 to vector<24x1xi32>
    %sign3A_290 = arith.cmpi sgt, %concatenate3A_284, %sign3A_289 : vector<24x1xi32>
    %sign3A_291 = arith.extui %sign3A_290 : vector<24x1xi1> to vector<24x1xi32>
    %sign3A_292 = arith.constant 0 : i32
    %sign3A_293 = vector.broadcast %sign3A_292 : i32 to vector<24x1xi32>
    %sign3A_294 = arith.cmpi slt, %concatenate3A_284, %sign3A_293 : vector<24x1xi32>
    %sign3A_295 = arith.extui %sign3A_294 : vector<24x1xi1> to vector<24x1xi32>
    %sign3A_296 = arith.subi %sign3A_291, %sign3A_295 : vector<24x1xi32>
    %sign3A_297 = arith.constant 0 : i32
    %sign3A_298 = arith.cmpi sgt, %jit3A_285, %sign3A_297 : i32
    %sign3A_299 = arith.extui %sign3A_298 : i1 to i32
    %sign3A_300 = arith.constant 0 : i32
    %sign3A_301 = arith.cmpi slt, %jit3A_285, %sign3A_300 : i32
    %sign3A_302 = arith.extui %sign3A_301 : i1 to i32
    %sign3A_303 = arith.subi %sign3A_299, %sign3A_302 : i32
    %ne3A_304 = vector.broadcast %sign3A_303 : i32 to vector<24x1xi32>
    %ne3A_305 = arith.cmpi ne, %sign3A_296, %ne3A_304 : vector<24x1xi32>
    %rem3A_306 = vector.broadcast %jit3A_285 : i32 to vector<24x1xi32>
    %rem3A_307 = arith.remsi %concatenate3A_284, %rem3A_306 : vector<24x1xi32>
    %ne3A_308 = arith.constant 0 : i32
    %ne3A_309 = vector.broadcast %ne3A_308 : i32 to vector<24x1xi32>
    %ne3A_310 = arith.cmpi ne, %rem3A_307, %ne3A_309 : vector<24x1xi32>
    %and3A_311 = arith.andi %ne3A_305, %ne3A_310 : vector<24x1xi1>
    %sub3A_312 = arith.constant 1 : i32
    %sub3A_313 = vector.broadcast %sub3A_312 : i32 to vector<24x1xi32>
    %sub3A_314 = arith.subi %div3A_287, %sub3A_313 : vector<24x1xi32>
    %select_n3A_315 = arith.select %and3A_311, %sub3A_314, %div3A_287 : vector<24x1xi1>, vector<24x1xi32>
    %jit3A_316 = arith.constant 128 : i32
    %eq3A_317 = arith.constant 0 : i32
    %eq3A_318 = arith.cmpi eq, %jit3A_316, %eq3A_317 : i32
    %jit3A_319 = arith.constant 1 : i32
    %select_n3A_320 = arith.select %eq3A_318, %jit3A_319, %jit3A_316 : i32
    %rem3A_321 = vector.broadcast %select_n3A_320 : i32 to vector<24x1xi32>
    %rem3A_322 = arith.remsi %concatenate3A_284, %rem3A_321 : vector<24x1xi32>
    %ne3A_323 = arith.constant 0 : i32
    %ne3A_324 = vector.broadcast %ne3A_323 : i32 to vector<24x1xi32>
    %ne3A_325 = arith.cmpi ne, %rem3A_322, %ne3A_324 : vector<24x1xi32>
    %lt3A_326 = arith.constant 0 : i32
    %lt3A_327 = vector.broadcast %lt3A_326 : i32 to vector<24x1xi32>
    %lt3A_328 = arith.cmpi slt, %rem3A_322, %lt3A_327 : vector<24x1xi32>
    %lt3A_329 = arith.constant 0 : i32
    %lt3A_330 = arith.cmpi slt, %select_n3A_320, %lt3A_329 : i32
    %ne3A_331 = vector.broadcast %lt3A_330 : i1 to vector<24x1xi1>
    %ne3A_332 = vector.broadcast %ne3A_331 : vector<24x1xi1> to vector<24x1xi1>
    %ne3A_333 = arith.xori %lt3A_328, %ne3A_332 : vector<24x1xi1>
    %and3A_334 = arith.andi %ne3A_333, %ne3A_325 : vector<24x1xi1>
    %add3A_335 = vector.broadcast %select_n3A_320 : i32 to vector<24x1xi32>
    %add3A_336 = arith.addi %rem3A_322, %add3A_335 : vector<24x1xi32>
    %select_n3A_337 = arith.select %and3A_334, %add3A_336, %rem3A_322 : vector<24x1xi1>, vector<24x1xi32>
    %broadcast_in_dim3A_338 = arith.constant 0.000000e+00 : f32
    %broadcast_in_dim3A_339 = vector.broadcast %broadcast_in_dim3A_338 : f32 to vector<24x128xf32>
    %eq3A_340 = arith.constant 0 : i32
    %eq3A_341 = vector.broadcast %eq3A_340 : i32 to vector<24x1xi32>
    %eq3A_342 = arith.cmpi eq, %select_n3A_315, %eq3A_341 : vector<24x1xi32>
    %slice3A_343 = vector.extract_strided_slice %concatenate3A_13 {offsets = [0, 0], sizes = [24, 128], strides = [1, 1]} : vector<24x2048xf32> to vector<24x128xf32>
    %jit3A_344 = arith.constant 0.000000e+00 : f32
    %broadcast_in_dim3A_345 = vector.shape_cast %eq3A_342 : vector<24x1xi1> to vector<24x1xi1>
    %broadcast_in_dim3A_346 = vector.broadcast %broadcast_in_dim3A_345 : vector<24x1xi1> to vector<24x128xi1>
    %broadcast_in_dim3A_347 = vector.broadcast %jit3A_344 : f32 to vector<24x128xf32>
    %select_n3A_348 = arith.select %broadcast_in_dim3A_346, %slice3A_343, %broadcast_in_dim3A_347 : vector<24x128xi1>, vector<24x128xf32>
    %add3A_349 = arith.addf %broadcast_in_dim3A_339, %select_n3A_348 : vector<24x128xf32>
    %eq3A_350 = arith.constant 1 : i32
    %eq3A_351 = vector.broadcast %eq3A_350 : i32 to vector<24x1xi32>
    %eq3A_352 = arith.cmpi eq, %select_n3A_315, %eq3A_351 : vector<24x1xi32>
    %slice3A_353 = vector.extract_strided_slice %concatenate3A_13 {offsets = [0, 128], sizes = [24, 128], strides = [1, 1]} : vector<24x2048xf32> to vector<24x128xf32>
    %jit3A_354 = arith.constant 0.000000e+00 : f32
    %broadcast_in_dim3A_355 = vector.shape_cast %eq3A_352 : vector<24x1xi1> to vector<24x1xi1>
    %broadcast_in_dim3A_356 = vector.broadcast %broadcast_in_dim3A_355 : vector<24x1xi1> to vector<24x128xi1>
    %broadcast_in_dim3A_357 = vector.broadcast %jit3A_354 : f32 to vector<24x128xf32>
    %select_n3A_358 = arith.select %broadcast_in_dim3A_356, %slice3A_353, %broadcast_in_dim3A_357 : vector<24x128xi1>, vector<24x128xf32>
    %add3A_359 = arith.addf %add3A_349, %select_n3A_358 : vector<24x128xf32>
    %eq3A_360 = arith.constant 2 : i32
    %eq3A_361 = vector.broadcast %eq3A_360 : i32 to vector<24x1xi32>
    %eq3A_362 = arith.cmpi eq, %select_n3A_315, %eq3A_361 : vector<24x1xi32>
    %slice3A_363 = vector.extract_strided_slice %concatenate3A_13 {offsets = [0, 256], sizes = [24, 128], strides = [1, 1]} : vector<24x2048xf32> to vector<24x128xf32>
    %jit3A_364 = arith.constant 0.000000e+00 : f32
    %broadcast_in_dim3A_365 = vector.shape_cast %eq3A_362 : vector<24x1xi1> to vector<24x1xi1>
    %broadcast_in_dim3A_366 = vector.broadcast %broadcast_in_dim3A_365 : vector<24x1xi1> to vector<24x128xi1>
    %broadcast_in_dim3A_367 = vector.broadcast %jit3A_364 : f32 to vector<24x128xf32>
    %select_n3A_368 = arith.select %broadcast_in_dim3A_366, %slice3A_363, %broadcast_in_dim3A_367 : vector<24x128xi1>, vector<24x128xf32>
    %add3A_369 = arith.addf %add3A_359, %select_n3A_368 : vector<24x128xf32>
    %eq3A_370 = arith.constant 3 : i32
    %eq3A_371 = vector.broadcast %eq3A_370 : i32 to vector<24x1xi32>
    %eq3A_372 = arith.cmpi eq, %select_n3A_315, %eq3A_371 : vector<24x1xi32>
    %slice3A_373 = vector.extract_strided_slice %concatenate3A_13 {offsets = [0, 384], sizes = [24, 128], strides = [1, 1]} : vector<24x2048xf32> to vector<24x128xf32>
    %jit3A_374 = arith.constant 0.000000e+00 : f32
    %broadcast_in_dim3A_375 = vector.shape_cast %eq3A_372 : vector<24x1xi1> to vector<24x1xi1>
    %broadcast_in_dim3A_376 = vector.broadcast %broadcast_in_dim3A_375 : vector<24x1xi1> to vector<24x128xi1>
    %broadcast_in_dim3A_377 = vector.broadcast %jit3A_374 : f32 to vector<24x128xf32>
    %select_n3A_378 = arith.select %broadcast_in_dim3A_376, %slice3A_373, %broadcast_in_dim3A_377 : vector<24x128xi1>, vector<24x128xf32>
    %add3A_379 = arith.addf %add3A_369, %select_n3A_378 : vector<24x128xf32>
    %eq3A_380 = arith.constant 4 : i32
    %eq3A_381 = vector.broadcast %eq3A_380 : i32 to vector<24x1xi32>
    %eq3A_382 = arith.cmpi eq, %select_n3A_315, %eq3A_381 : vector<24x1xi32>
    %slice3A_383 = vector.extract_strided_slice %concatenate3A_13 {offsets = [0, 512], sizes = [24, 128], strides = [1, 1]} : vector<24x2048xf32> to vector<24x128xf32>
    %jit3A_384 = arith.constant 0.000000e+00 : f32
    %broadcast_in_dim3A_385 = vector.shape_cast %eq3A_382 : vector<24x1xi1> to vector<24x1xi1>
    %broadcast_in_dim3A_386 = vector.broadcast %broadcast_in_dim3A_385 : vector<24x1xi1> to vector<24x128xi1>
    %broadcast_in_dim3A_387 = vector.broadcast %jit3A_384 : f32 to vector<24x128xf32>
    %select_n3A_388 = arith.select %broadcast_in_dim3A_386, %slice3A_383, %broadcast_in_dim3A_387 : vector<24x128xi1>, vector<24x128xf32>
    %add3A_389 = arith.addf %add3A_379, %select_n3A_388 : vector<24x128xf32>
    %eq3A_390 = arith.constant 5 : i32
    %eq3A_391 = vector.broadcast %eq3A_390 : i32 to vector<24x1xi32>
    %eq3A_392 = arith.cmpi eq, %select_n3A_315, %eq3A_391 : vector<24x1xi32>
    %slice3A_393 = vector.extract_strided_slice %concatenate3A_13 {offsets = [0, 640], sizes = [24, 128], strides = [1, 1]} : vector<24x2048xf32> to vector<24x128xf32>
    %jit3A_394 = arith.constant 0.000000e+00 : f32
    %broadcast_in_dim3A_395 = vector.shape_cast %eq3A_392 : vector<24x1xi1> to vector<24x1xi1>
    %broadcast_in_dim3A_396 = vector.broadcast %broadcast_in_dim3A_395 : vector<24x1xi1> to vector<24x128xi1>
    %broadcast_in_dim3A_397 = vector.broadcast %jit3A_394 : f32 to vector<24x128xf32>
    %select_n3A_398 = arith.select %broadcast_in_dim3A_396, %slice3A_393, %broadcast_in_dim3A_397 : vector<24x128xi1>, vector<24x128xf32>
    %add3A_399 = arith.addf %add3A_389, %select_n3A_398 : vector<24x128xf32>
    %eq3A_400 = arith.constant 6 : i32
    %eq3A_401 = vector.broadcast %eq3A_400 : i32 to vector<24x1xi32>
    %eq3A_402 = arith.cmpi eq, %select_n3A_315, %eq3A_401 : vector<24x1xi32>
    %slice3A_403 = vector.extract_strided_slice %concatenate3A_13 {offsets = [0, 768], sizes = [24, 128], strides = [1, 1]} : vector<24x2048xf32> to vector<24x128xf32>
    %jit3A_404 = arith.constant 0.000000e+00 : f32
    %broadcast_in_dim3A_405 = vector.shape_cast %eq3A_402 : vector<24x1xi1> to vector<24x1xi1>
    %broadcast_in_dim3A_406 = vector.broadcast %broadcast_in_dim3A_405 : vector<24x1xi1> to vector<24x128xi1>
    %broadcast_in_dim3A_407 = vector.broadcast %jit3A_404 : f32 to vector<24x128xf32>
    %select_n3A_408 = arith.select %broadcast_in_dim3A_406, %slice3A_403, %broadcast_in_dim3A_407 : vector<24x128xi1>, vector<24x128xf32>
    %add3A_409 = arith.addf %add3A_399, %select_n3A_408 : vector<24x128xf32>
    %eq3A_410 = arith.constant 7 : i32
    %eq3A_411 = vector.broadcast %eq3A_410 : i32 to vector<24x1xi32>
    %eq3A_412 = arith.cmpi eq, %select_n3A_315, %eq3A_411 : vector<24x1xi32>
    %slice3A_413 = vector.extract_strided_slice %concatenate3A_13 {offsets = [0, 896], sizes = [24, 128], strides = [1, 1]} : vector<24x2048xf32> to vector<24x128xf32>
    %jit3A_414 = arith.constant 0.000000e+00 : f32
    %broadcast_in_dim3A_415 = vector.shape_cast %eq3A_412 : vector<24x1xi1> to vector<24x1xi1>
    %broadcast_in_dim3A_416 = vector.broadcast %broadcast_in_dim3A_415 : vector<24x1xi1> to vector<24x128xi1>
    %broadcast_in_dim3A_417 = vector.broadcast %jit3A_414 : f32 to vector<24x128xf32>
    %select_n3A_418 = arith.select %broadcast_in_dim3A_416, %slice3A_413, %broadcast_in_dim3A_417 : vector<24x128xi1>, vector<24x128xf32>
    %add3A_419 = arith.addf %add3A_409, %select_n3A_418 : vector<24x128xf32>
    %eq3A_420 = arith.constant 8 : i32
    %eq3A_421 = vector.broadcast %eq3A_420 : i32 to vector<24x1xi32>
    %eq3A_422 = arith.cmpi eq, %select_n3A_315, %eq3A_421 : vector<24x1xi32>
    %slice3A_423 = vector.extract_strided_slice %concatenate3A_13 {offsets = [0, 1024], sizes = [24, 128], strides = [1, 1]} : vector<24x2048xf32> to vector<24x128xf32>
    %jit3A_424 = arith.constant 0.000000e+00 : f32
    %broadcast_in_dim3A_425 = vector.shape_cast %eq3A_422 : vector<24x1xi1> to vector<24x1xi1>
    %broadcast_in_dim3A_426 = vector.broadcast %broadcast_in_dim3A_425 : vector<24x1xi1> to vector<24x128xi1>
    %broadcast_in_dim3A_427 = vector.broadcast %jit3A_424 : f32 to vector<24x128xf32>
    %select_n3A_428 = arith.select %broadcast_in_dim3A_426, %slice3A_423, %broadcast_in_dim3A_427 : vector<24x128xi1>, vector<24x128xf32>
    %add3A_429 = arith.addf %add3A_419, %select_n3A_428 : vector<24x128xf32>
    %eq3A_430 = arith.constant 9 : i32
    %eq3A_431 = vector.broadcast %eq3A_430 : i32 to vector<24x1xi32>
    %eq3A_432 = arith.cmpi eq, %select_n3A_315, %eq3A_431 : vector<24x1xi32>
    %slice3A_433 = vector.extract_strided_slice %concatenate3A_13 {offsets = [0, 1152], sizes = [24, 128], strides = [1, 1]} : vector<24x2048xf32> to vector<24x128xf32>
    %jit3A_434 = arith.constant 0.000000e+00 : f32
    %broadcast_in_dim3A_435 = vector.shape_cast %eq3A_432 : vector<24x1xi1> to vector<24x1xi1>
    %broadcast_in_dim3A_436 = vector.broadcast %broadcast_in_dim3A_435 : vector<24x1xi1> to vector<24x128xi1>
    %broadcast_in_dim3A_437 = vector.broadcast %jit3A_434 : f32 to vector<24x128xf32>
    %select_n3A_438 = arith.select %broadcast_in_dim3A_436, %slice3A_433, %broadcast_in_dim3A_437 : vector<24x128xi1>, vector<24x128xf32>
    %add3A_439 = arith.addf %add3A_429, %select_n3A_438 : vector<24x128xf32>
    %eq3A_440 = arith.constant 10 : i32
    %eq3A_441 = vector.broadcast %eq3A_440 : i32 to vector<24x1xi32>
    %eq3A_442 = arith.cmpi eq, %select_n3A_315, %eq3A_441 : vector<24x1xi32>
    %slice3A_443 = vector.extract_strided_slice %concatenate3A_13 {offsets = [0, 1280], sizes = [24, 128], strides = [1, 1]} : vector<24x2048xf32> to vector<24x128xf32>
    %jit3A_444 = arith.constant 0.000000e+00 : f32
    %broadcast_in_dim3A_445 = vector.shape_cast %eq3A_442 : vector<24x1xi1> to vector<24x1xi1>
    %broadcast_in_dim3A_446 = vector.broadcast %broadcast_in_dim3A_445 : vector<24x1xi1> to vector<24x128xi1>
    %broadcast_in_dim3A_447 = vector.broadcast %jit3A_444 : f32 to vector<24x128xf32>
    %select_n3A_448 = arith.select %broadcast_in_dim3A_446, %slice3A_443, %broadcast_in_dim3A_447 : vector<24x128xi1>, vector<24x128xf32>
    %add3A_449 = arith.addf %add3A_439, %select_n3A_448 : vector<24x128xf32>
    %eq3A_450 = arith.constant 11 : i32
    %eq3A_451 = vector.broadcast %eq3A_450 : i32 to vector<24x1xi32>
    %eq3A_452 = arith.cmpi eq, %select_n3A_315, %eq3A_451 : vector<24x1xi32>
    %slice3A_453 = vector.extract_strided_slice %concatenate3A_13 {offsets = [0, 1408], sizes = [24, 128], strides = [1, 1]} : vector<24x2048xf32> to vector<24x128xf32>
    %jit3A_454 = arith.constant 0.000000e+00 : f32
    %broadcast_in_dim3A_455 = vector.shape_cast %eq3A_452 : vector<24x1xi1> to vector<24x1xi1>
    %broadcast_in_dim3A_456 = vector.broadcast %broadcast_in_dim3A_455 : vector<24x1xi1> to vector<24x128xi1>
    %broadcast_in_dim3A_457 = vector.broadcast %jit3A_454 : f32 to vector<24x128xf32>
    %select_n3A_458 = arith.select %broadcast_in_dim3A_456, %slice3A_453, %broadcast_in_dim3A_457 : vector<24x128xi1>, vector<24x128xf32>
    %add3A_459 = arith.addf %add3A_449, %select_n3A_458 : vector<24x128xf32>
    %eq3A_460 = arith.constant 12 : i32
    %eq3A_461 = vector.broadcast %eq3A_460 : i32 to vector<24x1xi32>
    %eq3A_462 = arith.cmpi eq, %select_n3A_315, %eq3A_461 : vector<24x1xi32>
    %slice3A_463 = vector.extract_strided_slice %concatenate3A_13 {offsets = [0, 1536], sizes = [24, 128], strides = [1, 1]} : vector<24x2048xf32> to vector<24x128xf32>
    %jit3A_464 = arith.constant 0.000000e+00 : f32
    %broadcast_in_dim3A_465 = vector.shape_cast %eq3A_462 : vector<24x1xi1> to vector<24x1xi1>
    %broadcast_in_dim3A_466 = vector.broadcast %broadcast_in_dim3A_465 : vector<24x1xi1> to vector<24x128xi1>
    %broadcast_in_dim3A_467 = vector.broadcast %jit3A_464 : f32 to vector<24x128xf32>
    %select_n3A_468 = arith.select %broadcast_in_dim3A_466, %slice3A_463, %broadcast_in_dim3A_467 : vector<24x128xi1>, vector<24x128xf32>
    %add3A_469 = arith.addf %add3A_459, %select_n3A_468 : vector<24x128xf32>
    %eq3A_470 = arith.constant 13 : i32
    %eq3A_471 = vector.broadcast %eq3A_470 : i32 to vector<24x1xi32>
    %eq3A_472 = arith.cmpi eq, %select_n3A_315, %eq3A_471 : vector<24x1xi32>
    %slice3A_473 = vector.extract_strided_slice %concatenate3A_13 {offsets = [0, 1664], sizes = [24, 128], strides = [1, 1]} : vector<24x2048xf32> to vector<24x128xf32>
    %jit3A_474 = arith.constant 0.000000e+00 : f32
    %broadcast_in_dim3A_475 = vector.shape_cast %eq3A_472 : vector<24x1xi1> to vector<24x1xi1>
    %broadcast_in_dim3A_476 = vector.broadcast %broadcast_in_dim3A_475 : vector<24x1xi1> to vector<24x128xi1>
    %broadcast_in_dim3A_477 = vector.broadcast %jit3A_474 : f32 to vector<24x128xf32>
    %select_n3A_478 = arith.select %broadcast_in_dim3A_476, %slice3A_473, %broadcast_in_dim3A_477 : vector<24x128xi1>, vector<24x128xf32>
    %add3A_479 = arith.addf %add3A_469, %select_n3A_478 : vector<24x128xf32>
    %eq3A_480 = arith.constant 14 : i32
    %eq3A_481 = vector.broadcast %eq3A_480 : i32 to vector<24x1xi32>
    %eq3A_482 = arith.cmpi eq, %select_n3A_315, %eq3A_481 : vector<24x1xi32>
    %slice3A_483 = vector.extract_strided_slice %concatenate3A_13 {offsets = [0, 1792], sizes = [24, 128], strides = [1, 1]} : vector<24x2048xf32> to vector<24x128xf32>
    %jit3A_484 = arith.constant 0.000000e+00 : f32
    %broadcast_in_dim3A_485 = vector.shape_cast %eq3A_482 : vector<24x1xi1> to vector<24x1xi1>
    %broadcast_in_dim3A_486 = vector.broadcast %broadcast_in_dim3A_485 : vector<24x1xi1> to vector<24x128xi1>
    %broadcast_in_dim3A_487 = vector.broadcast %jit3A_484 : f32 to vector<24x128xf32>
    %select_n3A_488 = arith.select %broadcast_in_dim3A_486, %slice3A_483, %broadcast_in_dim3A_487 : vector<24x128xi1>, vector<24x128xf32>
    %add3A_489 = arith.addf %add3A_479, %select_n3A_488 : vector<24x128xf32>
    %eq3A_490 = arith.constant 15 : i32
    %eq3A_491 = vector.broadcast %eq3A_490 : i32 to vector<24x1xi32>
    %eq3A_492 = arith.cmpi eq, %select_n3A_315, %eq3A_491 : vector<24x1xi32>
    %slice3A_493 = vector.extract_strided_slice %concatenate3A_13 {offsets = [0, 1920], sizes = [24, 128], strides = [1, 1]} : vector<24x2048xf32> to vector<24x128xf32>
    %jit3A_494 = arith.constant 0.000000e+00 : f32
    %broadcast_in_dim3A_495 = vector.shape_cast %eq3A_492 : vector<24x1xi1> to vector<24x1xi1>
    %broadcast_in_dim3A_496 = vector.broadcast %broadcast_in_dim3A_495 : vector<24x1xi1> to vector<24x128xi1>
    %broadcast_in_dim3A_497 = vector.broadcast %jit3A_494 : f32 to vector<24x128xf32>
    %select_n3A_498 = arith.select %broadcast_in_dim3A_496, %slice3A_493, %broadcast_in_dim3A_497 : vector<24x128xi1>, vector<24x128xf32>
    %add3A_499 = arith.addf %add3A_489, %select_n3A_498 : vector<24x128xf32>
    %lt3A_500 = arith.constant 0 : i32
    %lt3A_501 = vector.broadcast %lt3A_500 : i32 to vector<24x1xi32>
    %lt3A_502 = arith.cmpi slt, %select_n3A_337, %lt3A_501 : vector<24x1xi32>
    %add3A_503 = arith.constant 128 : i32
    %add3A_504 = vector.broadcast %add3A_503 : i32 to vector<24x1xi32>
    %add3A_505 = arith.addi %select_n3A_337, %add3A_504 : vector<24x1xi32>
    %select_n3A_506 = arith.select %lt3A_502, %add3A_505, %select_n3A_337 : vector<24x1xi1>, vector<24x1xi32>
    %reshape3A_507 = vector.shape_cast %select_n3A_506 : vector<24x1xi32> to vector<24x1x1xi32>
    %gather3A_508 = vector.shape_cast %reshape3A_507 : vector<24x1x1xi32> to vector<24x1xi32>
    %gather3A_509 = tpu.dynamic_gather %add3A_499[%gather3A_508] in [1] : vector<24x128xf32>, vector<24x1xi32> -> vector<24x1xf32>
    %eq3A_510 = vector.broadcast %scan3A_28 : i32 to vector<8x256xi32>
    %eq3A_511 = arith.cmpi eq, %iota3A, %eq3A_510 : vector<8x256xi32>
    %broadcast_in_dim3A_512 = vector.shape_cast %broadcast_in_dim3A_283 : vector<8x1xi32> to vector<8x1xi32>
    %broadcast_in_dim3A_513 = vector.broadcast %broadcast_in_dim3A_512 : vector<8x1xi32> to vector<8x256xi32>
    %select_n3A_514 = arith.select %eq3A_511, %broadcast_in_dim3A_513, %scan3A_26#4 : vector<8x256xi1>, vector<8x256xi32>
    %scan3A_515 = arith.constant 255 : i32
    %concatenate3A_516 = tpu.concatenate %select_n3A_263, %select_n3A_514 in 0 : vector<8x256xi32>, vector<8x256xi32> -> vector<16x256xi32>
    %swap3A = arith.constant 0 : index
    %swap3A_517 = arith.constant 0 : index
    %swap3A_518 = vector.load %arg1[%swap3A, %swap3A_517] : memref<16x256xi32, #tpu.memory_space<vmem>>, vector<16x256xi32>
    tpu.vector_store %arg1[%swap3A, %swap3A_517], %concatenate3A_516 {strides = array<i32>} : memref<16x256xi32, #tpu.memory_space<vmem>>, vector<16x256xi32>,
    return
  }
}

module attributes {stable_mosaic.version = 14 : i64} {
  func.func @_mlp_body(%arg0: i32, %arg1: memref<8192x4xf32, #tpu.memory_space<vmem>>, %arg2: memref<4x64xf32, #tpu.memory_space<vmem>>, %arg3: memref<1x64xf32, #tpu.memory_space<vmem>>, %arg4: memref<64x64xf32, #tpu.memory_space<vmem>>, %arg5: memref<1x64xf32, #tpu.memory_space<vmem>>, %arg6: memref<64x128xf32, #tpu.memory_space<vmem>>, %arg7: memref<1x128xf32, #tpu.memory_space<vmem>>, %arg8: memref<128x128xf32, #tpu.memory_space<vmem>>, %arg9: memref<1x128xf32, #tpu.memory_space<vmem>>, %arg10: memref<128x256xf32, #tpu.memory_space<vmem>>, %arg11: memref<1x256xf32, #tpu.memory_space<vmem>>, %arg12: memref<256x256xf32, #tpu.memory_space<vmem>>, %arg13: memref<1x256xf32, #tpu.memory_space<vmem>>, %arg14: memref<256x256xf32, #tpu.memory_space<vmem>>) attributes {dimension_semantics = [#tpu.dimension_semantics<arbitrary>], iteration_bounds = array<i64: 16>, scalar_prefetch = 0 : i64, scratch_operands = 0 : i64, tpu.core_type = #tpu.core_type<tc>, window_params = [{transform_indices = @transform_0, window_bounds = array<i64: 8192, 4>}, {pipeline_mode = #tpu.pipeline_mode<synchronous>, transform_indices = @transform_1, window_bounds = array<i64: 4, 64>}, {pipeline_mode = #tpu.pipeline_mode<synchronous>, transform_indices = @transform_2, window_bounds = array<i64: 1, 64>}, {pipeline_mode = #tpu.pipeline_mode<synchronous>, transform_indices = @transform_3, window_bounds = array<i64: 64, 64>}, {pipeline_mode = #tpu.pipeline_mode<synchronous>, transform_indices = @transform_4, window_bounds = array<i64: 1, 64>}, {pipeline_mode = #tpu.pipeline_mode<synchronous>, transform_indices = @transform_5, window_bounds = array<i64: 64, 128>}, {pipeline_mode = #tpu.pipeline_mode<synchronous>, transform_indices = @transform_6, window_bounds = array<i64: 1, 128>}, {pipeline_mode = #tpu.pipeline_mode<synchronous>, transform_indices = @transform_7, window_bounds = array<i64: 128, 128>}, {pipeline_mode = #tpu.pipeline_mode<synchronous>, transform_indices = @transform_8, window_bounds = array<i64: 1, 128>}, {pipeline_mode = #tpu.pipeline_mode<synchronous>, transform_indices = @transform_9, window_bounds = array<i64: 128, 256>}, {pipeline_mode = #tpu.pipeline_mode<synchronous>, transform_indices = @transform_10, window_bounds = array<i64: 1, 256>}, {pipeline_mode = #tpu.pipeline_mode<synchronous>, transform_indices = @transform_11, window_bounds = array<i64: 256, 256>}, {pipeline_mode = #tpu.pipeline_mode<synchronous>, transform_indices = @transform_12, window_bounds = array<i64: 1, 256>}, {transform_indices = @transform_13, window_bounds = array<i64: 256, 256>}]} {
    %get3A = arith.constant 0 : index
    %get3A_0 = arith.constant 0 : index
    %get3A_1 = vector.load %arg1[%get3A, %get3A_0] : memref<8192x4xf32, #tpu.memory_space<vmem>>, vector<8192x4xf32>
    %get3A_2 = arith.constant 0 : index
    %get3A_3 = arith.constant 0 : index
    %get3A_4 = vector.load %arg2[%get3A_2, %get3A_3] : memref<4x64xf32, #tpu.memory_space<vmem>>, vector<4x64xf32>
    %dot_general3A = arith.constant dense<0.000000e+00> : vector<8192x64xf32>
    %dot_general3A_5 = tpu.matmul %get3A_1, %get3A_4, %dot_general3A {dimension_numbers = #tpu.dot_dimension_numbers<[1], [0], [0], [1], [0, 0, 1, 1], [], []>, transpose_lhs_hint = false} : vector<8192x4xf32>, vector<4x64xf32>, vector<8192x64xf32> -> vector<8192x64xf32>
    %get3A_6 = arith.constant 0 : index
    %get3A_7 = arith.constant 0 : index
    %get3A_8 = vector.load %arg3[%get3A_6, %get3A_7] : memref<1x64xf32, #tpu.memory_space<vmem>>, vector<1x64xf32>
    %add3A = vector.broadcast %get3A_8 : vector<1x64xf32> to vector<8192x64xf32>
    %add3A_9 = arith.addf %dot_general3A_5, %add3A : vector<8192x64xf32>
    %max3A = arith.constant 0.000000e+00 : f32
    %max3A_10 = vector.broadcast %max3A : f32 to vector<8192x64xf32>
    %max3A_11 = arith.maximumf %add3A_9, %max3A_10 : vector<8192x64xf32>
    %get3A_12 = arith.constant 0 : index
    %get3A_13 = arith.constant 0 : index
    %get3A_14 = vector.load %arg4[%get3A_12, %get3A_13] : memref<64x64xf32, #tpu.memory_space<vmem>>, vector<64x64xf32>
    %dot_general3A_15 = arith.constant dense<0.000000e+00> : vector<8192x64xf32>
    %dot_general3A_16 = tpu.matmul %max3A_11, %get3A_14, %dot_general3A_15 {dimension_numbers = #tpu.dot_dimension_numbers<[1], [0], [0], [1], [0, 0, 1, 1], [], []>, transpose_lhs_hint = false} : vector<8192x64xf32>, vector<64x64xf32>, vector<8192x64xf32> -> vector<8192x64xf32>
    %get3A_17 = arith.constant 0 : index
    %get3A_18 = arith.constant 0 : index
    %get3A_19 = vector.load %arg5[%get3A_17, %get3A_18] : memref<1x64xf32, #tpu.memory_space<vmem>>, vector<1x64xf32>
    %add3A_20 = vector.broadcast %get3A_19 : vector<1x64xf32> to vector<8192x64xf32>
    %add3A_21 = arith.addf %dot_general3A_16, %add3A_20 : vector<8192x64xf32>
    %max3A_22 = arith.constant 0.000000e+00 : f32
    %max3A_23 = vector.broadcast %max3A_22 : f32 to vector<8192x64xf32>
    %max3A_24 = arith.maximumf %add3A_21, %max3A_23 : vector<8192x64xf32>
    %get3A_25 = arith.constant 0 : index
    %get3A_26 = arith.constant 0 : index
    %get3A_27 = vector.load %arg6[%get3A_25, %get3A_26] : memref<64x128xf32, #tpu.memory_space<vmem>>, vector<64x128xf32>
    %dot_general3A_28 = arith.constant dense<0.000000e+00> : vector<8192x128xf32>
    %dot_general3A_29 = tpu.matmul %max3A_24, %get3A_27, %dot_general3A_28 {dimension_numbers = #tpu.dot_dimension_numbers<[1], [0], [0], [1], [0, 0, 1, 1], [], []>, transpose_lhs_hint = false} : vector<8192x64xf32>, vector<64x128xf32>, vector<8192x128xf32> -> vector<8192x128xf32>
    %get3A_30 = arith.constant 0 : index
    %get3A_31 = arith.constant 0 : index
    %get3A_32 = vector.load %arg7[%get3A_30, %get3A_31] : memref<1x128xf32, #tpu.memory_space<vmem>>, vector<1x128xf32>
    %add3A_33 = vector.broadcast %get3A_32 : vector<1x128xf32> to vector<8192x128xf32>
    %add3A_34 = arith.addf %dot_general3A_29, %add3A_33 : vector<8192x128xf32>
    %max3A_35 = arith.constant 0.000000e+00 : f32
    %max3A_36 = vector.broadcast %max3A_35 : f32 to vector<8192x128xf32>
    %max3A_37 = arith.maximumf %add3A_34, %max3A_36 : vector<8192x128xf32>
    %reshape3A = vector.shape_cast %max3A_37 : vector<8192x128xf32> to vector<256x32x128xf32>
    %reduce_max3A = arith.constant dense<0xFF800000> : vector<256x128xf32>
    %reduce_max3A_38 = vector.multi_reduction <maximumf>, %reshape3A, %reduce_max3A [1] : vector<256x32x128xf32> to vector<256x128xf32>
    %get3A_39 = arith.constant 0 : index
    %get3A_40 = arith.constant 0 : index
    %get3A_41 = vector.load %arg8[%get3A_39, %get3A_40] : memref<128x128xf32, #tpu.memory_space<vmem>>, vector<128x128xf32>
    %dot_general3A_42 = arith.constant dense<0.000000e+00> : vector<256x128xf32>
    %dot_general3A_43 = tpu.matmul %reduce_max3A_38, %get3A_41, %dot_general3A_42 {dimension_numbers = #tpu.dot_dimension_numbers<[1], [0], [0], [1], [0, 0, 1, 1], [], []>, transpose_lhs_hint = false} : vector<256x128xf32>, vector<128x128xf32>, vector<256x128xf32> -> vector<256x128xf32>
    %get3A_44 = arith.constant 0 : index
    %get3A_45 = arith.constant 0 : index
    %get3A_46 = vector.load %arg9[%get3A_44, %get3A_45] : memref<1x128xf32, #tpu.memory_space<vmem>>, vector<1x128xf32>
    %add3A_47 = vector.broadcast %get3A_46 : vector<1x128xf32> to vector<256x128xf32>
    %add3A_48 = arith.addf %dot_general3A_43, %add3A_47 : vector<256x128xf32>
    %max3A_49 = arith.constant 0.000000e+00 : f32
    %max3A_50 = vector.broadcast %max3A_49 : f32 to vector<256x128xf32>
    %max3A_51 = arith.maximumf %add3A_48, %max3A_50 : vector<256x128xf32>
    %get3A_52 = arith.constant 0 : index
    %get3A_53 = arith.constant 0 : index
    %get3A_54 = vector.load %arg10[%get3A_52, %get3A_53] : memref<128x256xf32, #tpu.memory_space<vmem>>, vector<128x256xf32>
    %dot_general3A_55 = arith.constant dense<0.000000e+00> : vector<256x256xf32>
    %dot_general3A_56 = tpu.matmul %max3A_51, %get3A_54, %dot_general3A_55 {dimension_numbers = #tpu.dot_dimension_numbers<[1], [0], [0], [1], [0, 0, 1, 1], [], []>, transpose_lhs_hint = false} : vector<256x128xf32>, vector<128x256xf32>, vector<256x256xf32> -> vector<256x256xf32>
    %get3A_57 = arith.constant 0 : index
    %get3A_58 = arith.constant 0 : index
    %get3A_59 = vector.load %arg11[%get3A_57, %get3A_58] : memref<1x256xf32, #tpu.memory_space<vmem>>, vector<1x256xf32>
    %add3A_60 = vector.broadcast %get3A_59 : vector<1x256xf32> to vector<256x256xf32>
    %add3A_61 = arith.addf %dot_general3A_56, %add3A_60 : vector<256x256xf32>
    %max3A_62 = arith.constant 0.000000e+00 : f32
    %max3A_63 = vector.broadcast %max3A_62 : f32 to vector<256x256xf32>
    %max3A_64 = arith.maximumf %add3A_61, %max3A_63 : vector<256x256xf32>
    %get3A_65 = arith.constant 0 : index
    %get3A_66 = arith.constant 0 : index
    %get3A_67 = vector.load %arg12[%get3A_65, %get3A_66] : memref<256x256xf32, #tpu.memory_space<vmem>>, vector<256x256xf32>
    %dot_general3A_68 = arith.constant dense<0.000000e+00> : vector<256x256xf32>
    %dot_general3A_69 = tpu.matmul %max3A_64, %get3A_67, %dot_general3A_68 {dimension_numbers = #tpu.dot_dimension_numbers<[1], [0], [0], [1], [0, 0, 1, 1], [], []>, transpose_lhs_hint = false} : vector<256x256xf32>, vector<256x256xf32>, vector<256x256xf32> -> vector<256x256xf32>
    %get3A_70 = arith.constant 0 : index
    %get3A_71 = arith.constant 0 : index
    %get3A_72 = vector.load %arg13[%get3A_70, %get3A_71] : memref<1x256xf32, #tpu.memory_space<vmem>>, vector<1x256xf32>
    %add3A_73 = vector.broadcast %get3A_72 : vector<1x256xf32> to vector<256x256xf32>
    %add3A_74 = arith.addf %dot_general3A_69, %add3A_73 : vector<256x256xf32>
    %max3A_75 = arith.constant 0.000000e+00 : f32
    %max3A_76 = vector.broadcast %max3A_75 : f32 to vector<256x256xf32>
    %max3A_77 = arith.maximumf %add3A_74, %max3A_76 : vector<256x256xf32>
    %swap3A = arith.constant 0 : index
    %swap3A_78 = arith.constant 0 : index
    %swap3A_79 = vector.load %arg14[%swap3A, %swap3A_78] : memref<256x256xf32, #tpu.memory_space<vmem>>, vector<256x256xf32>
    tpu.vector_store %arg14[%swap3A, %swap3A_78], %max3A_77 {strides = array<i32>} : memref<256x256xf32, #tpu.memory_space<vmem>>, vector<256x256xf32>,
    return
  }
  func.func @transform_0(%arg0: i32) -> (i32, i32) {
    %c0_i32 = arith.constant 0 : i32
    %c0_i32_0 = arith.constant 0 : i32
    return %arg0, %c0_i32 : i32, i32
  }
  func.func @transform_1(%arg0: i32) -> (i32, i32) {
    %c0_i32 = arith.constant 0 : i32
    %c0_i32_0 = arith.constant 0 : i32
    %c0_i32_1 = arith.constant 0 : i32
    return %c0_i32, %c0_i32_0 : i32, i32
  }
  func.func @transform_2(%arg0: i32) -> (i32, i32) {
    %c0_i32 = arith.constant 0 : i32
    %c0_i32_0 = arith.constant 0 : i32
    %c0_i32_1 = arith.constant 0 : i32
    return %c0_i32, %c0_i32_0 : i32, i32
  }
  func.func @transform_3(%arg0: i32) -> (i32, i32) {
    %c0_i32 = arith.constant 0 : i32
    %c0_i32_0 = arith.constant 0 : i32
    %c0_i32_1 = arith.constant 0 : i32
    return %c0_i32, %c0_i32_0 : i32, i32
  }
  func.func @transform_4(%arg0: i32) -> (i32, i32) {
    %c0_i32 = arith.constant 0 : i32
    %c0_i32_0 = arith.constant 0 : i32
    %c0_i32_1 = arith.constant 0 : i32
    return %c0_i32, %c0_i32_0 : i32, i32
  }
  func.func @transform_5(%arg0: i32) -> (i32, i32) {
    %c0_i32 = arith.constant 0 : i32
    %c0_i32_0 = arith.constant 0 : i32
    %c0_i32_1 = arith.constant 0 : i32
    return %c0_i32, %c0_i32_0 : i32, i32
  }
  func.func @transform_6(%arg0: i32) -> (i32, i32) {
    %c0_i32 = arith.constant 0 : i32
    %c0_i32_0 = arith.constant 0 : i32
    %c0_i32_1 = arith.constant 0 : i32
    return %c0_i32, %c0_i32_0 : i32, i32
  }
  func.func @transform_7(%arg0: i32) -> (i32, i32) {
    %c0_i32 = arith.constant 0 : i32
    %c0_i32_0 = arith.constant 0 : i32
    %c0_i32_1 = arith.constant 0 : i32
    return %c0_i32, %c0_i32_0 : i32, i32
  }
  func.func @transform_8(%arg0: i32) -> (i32, i32) {
    %c0_i32 = arith.constant 0 : i32
    %c0_i32_0 = arith.constant 0 : i32
    %c0_i32_1 = arith.constant 0 : i32
    return %c0_i32, %c0_i32_0 : i32, i32
  }
  func.func @transform_9(%arg0: i32) -> (i32, i32) {
    %c0_i32 = arith.constant 0 : i32
    %c0_i32_0 = arith.constant 0 : i32
    %c0_i32_1 = arith.constant 0 : i32
    return %c0_i32, %c0_i32_0 : i32, i32
  }
  func.func @transform_10(%arg0: i32) -> (i32, i32) {
    %c0_i32 = arith.constant 0 : i32
    %c0_i32_0 = arith.constant 0 : i32
    %c0_i32_1 = arith.constant 0 : i32
    return %c0_i32, %c0_i32_0 : i32, i32
  }
  func.func @transform_11(%arg0: i32) -> (i32, i32) {
    %c0_i32 = arith.constant 0 : i32
    %c0_i32_0 = arith.constant 0 : i32
    %c0_i32_1 = arith.constant 0 : i32
    return %c0_i32, %c0_i32_0 : i32, i32
  }
  func.func @transform_12(%arg0: i32) -> (i32, i32) {
    %c0_i32 = arith.constant 0 : i32
    %c0_i32_0 = arith.constant 0 : i32
    %c0_i32_1 = arith.constant 0 : i32
    return %c0_i32, %c0_i32_0 : i32, i32
  }
  func.func @transform_13(%arg0: i32) -> (i32, i32) {
    %c0_i32 = arith.constant 0 : i32
    %c0_i32_0 = arith.constant 0 : i32
    return %arg0, %c0_i32 : i32, i32
  }
}

</mosaic_0001>

<sc_bundles>
// kernel: kernel.5.cloned.1.call-start
scs
__scs_entry_jumppad:
0x0: {  	(pc) =	sbr.rel $0x88, $3  }
0x1: {  	(tag) =	ssettag $0x0;
	lr =	simm.s32 $0x1  }
0x2: {  	[smem:$0x3F93] =	sst lr;
	_ =	strace $0xD0000000  }
0x3: {  	_ = 	snop  }
0x4: {  	_ = 	snop  }
0x5: {  	_ = 	snop  }
0x6: {  	_ = 	snop  }
0x7: {  	_ = 	snop  }
__scs_overlays_trampoline_lowered:
0x8: {  	[smem:$0x3FA2] =	sst s0  }
0x9: {  	[smem:$0x3FA3] =	sst s1  }
0xa: {  	[smem:$0x3FA4] =	sst s2  }
0xb: {  	[smem:$0x3FA5] =	sst s3  }
0xc: {  	[smem:$0x3FA6] =	sst s4  }
0xd: {  	[smem:$0x3FA7] =	sst s5  }
0xe: {  	[smem:$0x3FA8] =	sst s6  }
0xf: {  	[smem:$0x3FA9] =	sst s7  }
0x10: {  	[smem:$0x3FAA] =	sst s8  }
0x11: {  	[smem:$0x3FAB] =	sst s9;
	s0 =	simm.s32 @!p0 $0x0  }
0x12: {  	s1 =	sld [smem:$0x3F91];
	s0 =	simm.s32 @p0 $0x1  }
0x13: {  	[smem:$0x3FAC] =	sst s0;
	s0 =	simm.s32 @!p1 $0x0  }
0x14: {  	s2 =	sld [smem:$0x3F90];
	s0 =	simm.s32 @p1 $0x1  }
0x15: {  	[smem:$0x3FAD] =	sst s0;
	s0 =	simm.s32 @!p2 $0x0  }
0x16: {  	s3 =	sld [smem:$0x3FDB];
	s0 =	simm.s32 @p2 $0x1  }
0x17: {  	s4 =	simm.s32 $0x1BF5;
	[smem:$0x3FAF] =	sst s0  }
0x18: {  	s0 =	sld [smem:$0x3F92];
	_ =	swait.ge [sflag:s4], $0x0  }
0x19: {  	s7 =	sld [smem:$0x3F93]  }
0x1a: {  	s8 =	sadd.s32 $0xFFFFE003, lr  }
0x1b: {  	s9 =	sadd.s32 $0xFFFFFEF7, lr;
	s5 =	simm.s32 $0xFFFFFFFF;
	p2 =	slt.u32 s8, $0xFFFFF086  }
0x1c: {  	p1 =	slt.u32 s9, $0xF7A;
	s5 =	simm.s32 @!p2 $0x0  }
0x1d: {  	s5 =	simm.s32 @p1 $0x1;
	p0 =	seq.s32 s7, s2  }
0x1e: {  	s7 =	smul.u32 @!p0 $0xF7A, s2;
	p2 =	seq.s32 @!p0 s5, $0x0  }
0x1f: {  	s9 =	smul.u32 $0xF7A, s1;
	s8 =	simm.s32 @!p0 $0x1BF5;
	p2 =	por !p2, p0  }
0x20: {  	[sflag:s8] =	ssyncset.s32 @!p0 $0xFFFFF086;
	s6 =	sadd.s32 @!p0 s3, s7;
	s7 =	simm.s32 @!p0 $0x108  }
0x21: {  	s3 =	sadd.s32 s3, s9;
	s6 =	sadd.s32 @!p0 $0x88, s6;
	s7 =	simm.s32 @p2 $0x1082  }
0x22: {  	[simem:s7], [sflag:s8] =	dma.local @!p0 [hbm:s6], $0xF7A  }
0x23: {  	s9 =	sor.u32 $0xD0000000, s2;
	s6 =	simm.s32 $0x108;
	_ =	swait.ge @!p0 [sflag:s8], $0x0  }
0x24: {  	s3 =	sadd.s32 $0x88, s3;
	s6 =	simm.s32 @!p1 $0x1082;
	[sflag:s4] =	ssyncset.s32 $0xFFFFF086  }
0x25: {  	[simem:s6], [sflag:s4] =	dma.local [hbm:s3], $0xF7A  }
0x26: {  	[smem:$0x3F93] =	sst s1;
	(tag) =	ssettag s2;
	_ =	strace s9  }
0x27: {  	s1 =	sld [smem:$0x3FA3]  }
0x28: {  	s2 =	sld [smem:$0x3FA4]  }
0x29: {  	s4 =	sld [smem:$0x3FA6]  }
0x2a: {  	p0 =	seq.s32 s5, $0x0;
	s5 =	sld [smem:$0x3FA7]  }
0x2b: {  	s6 =	sld [smem:$0x3FA8]  }
0x2c: {  	s7 =	sld [smem:$0x3FA9]  }
0x2d: {  	s3 =	simm.s32 $0x108;
	s8 =	sld [smem:$0x3FAA]  }
0x2e: {  	s3 =	simm.s32 @!p0 $0x1082;
	s9 =	sld [smem:$0x3FAB]  }
0x2f: {  	lr =	sadd.s32 s0, s3;
	s0 =	sld [smem:$0x3FA2]  }
0x30: {  	s3 =	sld [smem:$0x3FA5]  }
0x31: {  	[smem:$0x3FAE] =	sst s10  }
0x32: {  	s10 =	sld [smem:$0x3FAC];
	_ =	sdelay $0x3  }
0x33: {  	p0 =	seq.s32 s10, $0x1;
	s10 =	sld [smem:$0x3FAE];
	_ =	sdelay $0x3  }
0x34: {  	[smem:$0x3FAE] =	sst s10  }
0x35: {  	s10 =	sld [smem:$0x3FAD];
	_ =	sdelay $0x3  }
0x36: {  	p1 =	seq.s32 s10, $0x1;
	s10 =	sld [smem:$0x3FAE];
	_ =	sdelay $0x3  }
0x37: {  	[smem:$0x3FAE] =	sst s10  }
0x38: {  	s10 =	sld [smem:$0x3FAF]  }
0x39: {  	_ = 	snop;
	(pc) =	sbr.ind lr, $3  }
0x3a: {  	_ = 	snop  }
0x3b: {  	_ = 	snop  }
0x3c: {  	p2 =	seq.s32 s10, $0x1;
	s10 =	sld [smem:$0x3FAE]  }
0x3d: {  	_ =	shalt  }
0x3e: {  	_ =	shalt  }
0x3f: {  	_ =	shalt  }
0x40: {  	_ =	shalt  }
0x41: {  	_ =	shalt  }
0x42: {  	_ =	shalt  }
0x43: {  	_ =	shalt  }
0x44: {  	_ =	shalt  }
0x45: {  	_ =	shalt  }
0x46: {  	_ =	shalt  }
0x47: {  	_ =	shalt  }
0x48: {  	_ =	shalt  }
0x49: {  	_ =	shalt  }
0x4a: {  	_ =	shalt  }
0x4b: {  	_ =	shalt  }
0x4c: {  	_ =	shalt  }
0x4d: {  	_ =	shalt  }
0x4e: {  	_ =	shalt  }
0x4f: {  	_ =	shalt  }
0x50: {  	_ =	shalt  }
0x51: {  	_ =	shalt  }
0x52: {  	_ =	shalt  }
0x53: {  	_ =	shalt  }
0x54: {  	_ =	shalt  }
0x55: {  	_ =	shalt  }
0x56: {  	_ =	shalt  }
0x57: {  	_ =	shalt  }
0x58: {  	_ =	shalt  }
0x59: {  	_ =	shalt  }
0x5a: {  	_ =	shalt  }
0x5b: {  	_ =	shalt  }
0x5c: {  	_ =	shalt  }
0x5d: {  	_ =	shalt  }
0x5e: {  	_ =	shalt  }
0x5f: {  	_ =	shalt  }
0x60: {  	_ =	shalt  }
0x61: {  	_ =	shalt  }
0x62: {  	_ =	shalt  }
0x63: {  	_ =	shalt  }
0x64: {  	_ =	shalt  }
0x65: {  	_ =	shalt  }
0x66: {  	_ =	shalt  }
0x67: {  	_ =	shalt  }
0x68: {  	_ =	shalt  }
0x69: {  	_ =	shalt  }
0x6a: {  	_ =	shalt  }
0x6b: {  	_ =	shalt  }
0x6c: {  	_ =	shalt  }
0x6d: {  	_ =	shalt  }
0x6e: {  	_ =	shalt  }
0x6f: {  	_ =	shalt  }
0x70: {  	_ =	shalt  }
0x71: {  	_ =	shalt  }
0x72: {  	_ =	shalt  }
0x73: {  	_ =	shalt  }
0x74: {  	_ =	shalt  }
0x75: {  	_ =	shalt  }
0x76: {  	_ =	shalt  }
0x77: {  	_ =	shalt  }
0x78: {  	_ =	shalt  }
0x79: {  	_ =	shalt  }
0x7a: {  	_ =	shalt  }
0x7b: {  	_ =	shalt  }
0x7c: {  	_ =	shalt  }
0x7d: {  	_ =	shalt  }
0x7e: {  	_ =	shalt  }
0x7f: {  	_ =	shalt  }
0x80: {  	_ =	shalt  }
0x81: {  	_ =	shalt  }
0x82: {  	_ =	shalt  }
0x83: {  	_ =	shalt  }
0x84: {  	_ =	shalt  }
0x85: {  	_ =	shalt  }
0x86: {  	_ =	shalt  }
0x87: {  	_ =	shalt  }
.Lfunc_end0:
.L_simem_size_0:
called_computation_lowered:
.L_overlay_start_0:
0x88: {  	s2 =	sld [smem:$0x3FD9]  }
0x89: {  	s3 =	sld [smem:$0x3FFE];
	_ =	sdelay $0x1  }
0x8a: {  	s1 =	srdreg.scid  }
0x8b: {  	s0 =	sand.u32 $0x1, s1  }
0x8c: {  	s14 =	sshll.u32 s0, $0xA;
	s2 =	sadd.s32 s3, s2  }
0x8d: {  	s2 =	sadd.s32 s2, s14  }
0x8e: {  	[smem:$0x3FBA] =	sst s2  }
0x8f: {  	_ = 	snop  }
0x90: {  	s2 =	sld [smem:$0x3FD0];
	_ =	sdelay $0x2  }
0x91: {  	s4 =	simm.s32 $0xA;
	s5 =	simm.s32 $0x10;
	s15 =	sld [smem:$0x3FC8]  }
0x92: {  	[smem:s5], [sflag:s4] =	dma.local [hbm:s2], $0x1  }
0x93: {  	_ =	swait.eq [sflag:s4], $0x1  }
0x94: {  	s16 =	sld [smem:$0x10];
	[sflag:s4] =	ssyncset.done $0x0  }
0x95: {  	s17 =	sld [smem:$0x11];
	[sflag:s4] =	ssyncadd.s32 $0xFFFFFFFF  }
0x96: {  	s18 =	sld [smem:$0x12];
	(tm) =	ssettm $0x1  }
0x97: {  	s6 =	sld [smem:$0x3FFB];
	_ =	sdelay $0x3  }
0x98: {  	_ =	strace s6  }
0x99: {  	s6 =	sld [smem:$0x3FFC];
	_ =	sdelay $0x3  }
0x9a: {  	_ =	strace s6  }
0x9b: {  	s6 =	sld [smem:$0x3FFD];
	_ =	sdelay $0x3  }
0x9c: {  	_ =	strace s6  }
0x9d: {  	_ =	strace $0x8FFFFFFF  }
0x9e: {  	s19 =	sld [smem:$0x3FDB];
	_ =	sdelay $0x1  }
0x9f: {  	s7 =	simm.s32 $_scs_section_size  }
0xa0: {  	s8 =	simm.s32 $_size__tile_overlayer_lowered;
	s9 =	simm.s32 $_tile_overlayer_lowered  }
0xa1: {  	s22 =	simm.s32 $0x1BFF;
	s21 =	sshll.u32 s9, $0x1;
	s6 =	sadd.s32 s7, s19  }
0xa2: {  	s10 =	simm.s32 $0x0;
	s20 =	sshll.u32 s8, $0x1;
	s8 =	sadd.s32 s21, s6  }
0xa3: {  	[timem:s10], [sflag:s22] =	dma.local [hbm:s8], s20  }
0xa4: {  	_ =	swait.ge [sflag:s22], s20  }
0xa5: {  	s7 =	ssub.s32 $0x0, s20;
	[sflag:s22] =	ssyncset.done $0x0  }
0xa6: {  	[sflag:s22] =	ssyncadd.s32 s7;
	_ =	sdelay $0x1  }
0xa7: {  	s23 =	simm.s32 $0x1B8B  }
0xa8: {  	_ =	swait.ge [sflag:s23], $0x1  }
0xa9: {  	[sflag:s23] =	ssyncset.done $0x0  }
0xaa: {  	s25 =	simm.s32 $0x1B8E;
	s24 =	sld [smem:$0x3FFE];
	[sflag:s23] =	ssyncadd.s32 $0xFFFFFFFF  }
0xab: {  	s26 =	simm.s32 $execute0_lowered;
	[smem:$0x3FD2] =	sst s25  }
0xac: {  	s8 =	sshll.u32 s26, $0x1;
	_ =	strace $0x80000046;
	[dreg:$0x1] =	wrdreg $0xFFFFFFFF  }
0xad: {  	s28 =	simm.s32 $_size_execute0_lowered;
	s6 =	sadd.s32 s6, s8;
	[dreg:$0x0] =	wrdreg $0x0  }
0xae: {  	s8 =	sshll.u32 s28, $0x1;
	[dreg:$0x2] =	wrdreg s6  }
0xaf: {  	[dreg:$0x3] =	wrdreg s8  }
0xb0: {  	[dreg:$0x4] =	wrdreg $0xC0  }
0xb1: {  	_ =	task [dreg:s10], $0x5FFFF  }
0xb2: {  	[dreg:$0x1] =	wrdreg $0xFFFFFFFF  }
0xb3: {  	[dreg:$0x0] =	wrdreg $0x60  }
0xb4: {  	[dreg:$0x2] =	wrdreg s24  }
0xb5: {  	[dreg:$0x3] =	wrdreg s15  }
0xb6: {  	[dreg:$0x4] =	wrdreg s16  }
0xb7: {  	[dreg:$0x5] =	wrdreg s17  }
0xb8: {  	[dreg:$0x6] =	wrdreg s18  }
0xb9: {  	[dreg:$0x7] =	wrdreg $0x9  }
0xba: {  	_ =	task.clear_ibuf [dreg:s10], $0x8FFFF;
	_ =	strace $0x90000046  }
0xbb: {  	s29 =	simm.s32 $0x9;
	_ =	strace $0x80000048  }
0xbc: {  	_ =	swait.ge [sflag:s29], $0x1  }
0xbd: {  	[sflag:s29] =	ssyncadd.s32 $0xFFFFFFFF  }
0xbe: {  	_ =	strace $0x90000048  }
0xbf: {  	_ =	sfence  }
0xc0: {  	s30 =	sld [smem:$0x0];
	_ =	sdelay $0x2  }
0xc1: {  	s31 =	sshll.u32 s1, $0xD;
	s1 =	sshrl.u32 s1, $0x2  }
0xc2: {  	s3 =	sand.u32 $0x4000, s31;
	s1 =	sadd.s32 s1, s30  }
0xc3: {  	s0 =	sor.u32 s3, s0;
	s1 =	sshll.u32 s1, $0x11  }
0xc4: {  	s0 =	sor.u32 s1, s0  }
0xc5: {  	s0 =	sadd.s32 $0x8F2B, s0  }
0xc6: {  	[sflag:s0] =	ssyncadd.remote.s32 $0x1  }
0xc7: {  	_ =	sfence.sel $0xFFFF  }
0xc8: {  	[dreg:$0x0] =	wrdreg $0xFFFFFFFF;
	(pc) =	sbr.abs _section_cstart, $3  }
0xc9: {  	[dreg:$0x1] =	wrdreg $0xFFFFFFFF  }
0xca: {  	_ =	task.clear_ibuf [dreg:s10], $0x2FFFF;
	_ =	strace $0x9FFFFFFF  }
0xcb: {  	(tm) =	ssettm $0x7FFFFFFF  }
tec
execute0_lowered:
.L_overlay_start_1:
0x0: {  	(tag) =	ssettag $0x1  }
0x1: {  	s0 =	rddreg [dreg:$0x0]  }
0x2: {  	s1 =	rddreg [dreg:$0x1]  }
0x3: {  	s4 =	rddreg [dreg:$0x2]  }
0x4: {  	s5 =	rddreg [dreg:$0x3];
	s2 =	srdreg.scid  }
0x5: {  	s12 =	stileid.u32;
	s6 =	rddreg [dreg:$0x4];
	s9 =	simm.s32 $0x1  }
0x6: {  	s18 =	simm.s32 $0x400;
	s19 =	simm.s32 $0x800;
	s20 =	simm.s32 $0x1000  }
0x7: {  	s21 =	simm.s32 $0x1800;
	s28 =	simm.s32 $0x2A80;
	s29 =	simm.s32 $0x3300  }
0x8: {  	s30 =	simm.s32 $0x0;
	s7 =	sand.u32 $0x1, s2;
	s3 =	sshll.u32 s12, $0x1  }
0x9: {  	s2 =	simm.s32 $0x0;
	s8 =	sadd.s32 $0x2C00, s0;
	s3 =	sor.u32 s7, s3  }
0xa: {  	[smem:$0x7FF] =	sst s2;
	p1 =	seq.s32 s7, $0x1;
	s22 =	ssub.s32 $0x2, s7  }
0xb: {  	s7 =	sshll.u32 s7, $0xA;
	p0 =	seq.s32 s3, $0x0;
	_ =	strace $0x80000047  }
0xc: {  	s10 =	sshll.u32 s3, $0x9;
	s15 =	sshll.u32 s3, $0x4;
	p0 =	por !p0, !p1  }
0xd: {  	s17 =	sshrl.u32 s22, $0x1;
	s3 =	simm.s32 $0x1;
	p0 =	por !p0, !p0  }
0xe: {  	s11 =	sadd.s32 s10, s0;
	s0 =	sadd.s32 s15, s0;
	s9 =	simm.s32 @!p0 $0x0  }
0xf: {  	s17 =	ssub.s32 s22, s17;
	s15 =	sadd.s32 s6, s15;
	s9 =	ssub.s32 s12, s9  }
0x10: {  	s22 =	simm.s32 $0x2180;
	s12 =	sshrl.u32 s9, $0x3;
	s13 =	sshll.u32 s9, $0x7  }
0x11: {  	s16 =	sshll.u32 s9, $0xB;
	s9 =	sshll.u32 s9, $0x8;
	s13 =	sand.u32 $0x380, s13  }
0x12: {  	s14 =	sshll.u32 s12, $0xE;
	s16 =	sand.u32 $0xFFFFC000, s16;
	s12 =	sshll.u32 s12, $0xB  }
0x13: {  	v0 =	vimm.f32 $1.500000060e-01;
	s26 =	sand.u32 $0x1FFFFF00, s9;
	s9 =	sadd.s32 s5, s10;
	s10 =	sadd.s32 $0x5C00, s11  }
0x14: {  	(erf) = vrcp.f32 v0;
	s11 =	sadd.s32 $0x9C00, s11;
	s14 =	sor.u32 s13, s14;
	s16 =	sor.u32 s13, s16  }
0x15: {  	s7 =	sor.u32 s7, s12;
	s1 =	sadd.s32 s1, s26;
	s12 =	sadd.s32 $0xDC00, s0  }
0x16: {  	s26 =	simm.s32 $0x2200;
	s14 =	sshrl.u32 s14, $0x3;
	s23 =	sadd.s32 $0x8000, s16  }
0x17: {  	s24 =	sadd.s32 $0x10000, s16;
	s7 =	sor.u32 s13, s7;
	[dreg:$0x9] =	wrdreg s1  }
0x18: {  	s13 =	sadd.s32 $0xDE00, s0;
	s16 =	smax.u32 s17, $0x1;
	s17 =	simm.s32 $0x80  }
.Ltmp0:
0x19: {  	s14 =	sadd.s32 s8, s14;
	s25 =	sshrl.u32 s24, $0x3;
	(pc) =	sbr.rel .LBB2_1-.Ltmp0, $4  }
0x1a: {  	s31 =	sshrl.u32 s7, $0x3;
	[dreg:$0x6] =	wrdreg s14;
	s14 =	sshrl.u32 s23, $0x3  }
0x1b: {  	s24 =	simm.s32 $0x2080;
	s23 =	simm.s32 $0x2000;
	s14 =	sadd.s32 s8, s14  }
0x1c: {  	s8 =	sadd.s32 s8, s25;
	s25 =	simm.s32 $0x2100;
	[dreg:$0x7] =	wrdreg s14  }
0x1d: {  	v1 =	vimm.f32 $+Inf;
	v2 =	vimm.s32 $0x0;
	v3 =	vlaneseq.u32;
	v0 =	vpop (erf);
	[dreg:$0x8] =	wrdreg s8;
	s8 =	sadd.s32 s4, s31;
	s14 =	sadd.s32 $0xE000, s0  }
.LBB2_9:
0x1e: {  	s0 =	simm.s32 $0x3B80  }
0x1f: {  	[hbm4b:s9+s2] =	stream.linear.scatter [tilespmem:s0], [sflag:$0x1], $0x1000, $0x38;
	[tilespmem:$0x6C00] =	vst v63  }
0x20: {  	_ =	swait.ge [sflag:s3], $0x1000  }
0x21: {  	[sflag:s3] =	ssyncset.done $0x0  }
0x22: {  	s6 =	simm.s32 $0x4B80;
	[sflag:s3] =	ssyncadd.s32 $0xFFFFF000  }
0x23: {  	[hbm4b:s10+s2] =	stream.linear.scatter [tilespmem:s6], [sflag:$0x1], $0x1000, $0x38;
	[tilespmem:$0x6C00] =	vst v63  }
0x24: {  	_ =	swait.ge [sflag:s3], $0x1000  }
0x25: {  	[sflag:s3] =	ssyncset.done $0x0  }
0x26: {  	s7 =	simm.s32 $0x5B80;
	[sflag:s3] =	ssyncadd.s32 $0xFFFFF000  }
0x27: {  	[hbm4b:s11+s2] =	stream.linear.scatter [tilespmem:s7], [sflag:$0x1], $0x1000, $0x38;
	[tilespmem:$0x6C00] =	vst v63  }
0x28: {  	_ =	swait.ge [sflag:s3], $0x1000  }
0x29: {  	[sflag:s3] =	ssyncset.done $0x0  }
0x2a: {  	[sflag:s3] =	ssyncadd.s32 $0xFFFFF000  }
0x2b: {  	[hbm4b:s12+s2] =	stream.linear.scatter [tilespmem:s23], [sflag:$0x1], $0x80, $0x38;
	[tilespmem:$0x6C00] =	vst v63  }
0x2c: {  	_ =	swait.ge [sflag:s3], $0x80  }
0x2d: {  	[sflag:s3] =	ssyncset.done $0x0  }
0x2e: {  	[sflag:s3] =	ssyncadd.s32 $0xFFFFFF80  }
0x2f: {  	[hbm4b:s13+s2] =	stream.linear.scatter [tilespmem:s24], [sflag:$0x1], $0x80, $0x38;
	[tilespmem:$0x6C00] =	vst v63  }
0x30: {  	_ =	swait.ge [sflag:s3], $0x80  }
0x31: {  	[sflag:s3] =	ssyncset.done $0x0  }
0x32: {  	[sflag:s3] =	ssyncadd.s32 $0xFFFFFF80  }
0x33: {  	[hbm4b:s14+s2] =	stream.linear.scatter [tilespmem:s25], [sflag:$0x1], $0x80, $0x38;
	[tilespmem:$0x6C00] =	vst v63  }
0x34: {  	s30 =	sadd.s32 $0x1, s30;
	_ =	swait.ge [sflag:s3], $0x80  }
0x35: {  	p0 =	sne.s32 s30, s16;
	[sflag:s3] =	ssyncset.done $0x0  }
.Ltmp1:
0x36: {  	s31 =	simm.s32 $0x6B80;
	[sflag:s3] =	ssyncadd.s32 $0xFFFFFF80;
	(pc) =	sbr.rel @!p0 .LBB2_10-.Ltmp1, $4  }
0x37: {  	[hbm4b:s15+s2] =	stream.linear.scatter [tilespmem:s31], [sflag:$0x1], $0x80, $0x38;
	[tilespmem:$0x6C00] =	vst v63  }
0x38: {  	_ =	swait.ge [sflag:s3], $0x80  }
0x39: {  	[sflag:s3] =	ssyncset.done $0x0  }
0x3a: {  	[sflag:s3] =	ssyncadd.s32 $0xFFFFFF80  }
.LBB2_1:
0x3b: {  	s0 =	rddreg [dreg:$0x6]  }
0x3c: {  	[tilespmem:s2], [sflag:$0x1] =	stream.strided.gather [hbm4b:s0+s17], $0x800, s18, s17, $0x38;
	[tilespmem:$0x6C00] =	vst v63  }
0x3d: {  	_ =	swait.ge [sflag:s3], $0x800  }
0x3e: {  	[sflag:s3] =	ssyncset.done $0x0  }
0x3f: {  	s5 =	rddreg [dreg:$0x7];
	[sflag:s3] =	ssyncadd.s32 $0xFFFFF800  }
0x40: {  	[tilespmem:s19], [sflag:$0x1] =	stream.strided.gather [hbm4b:s5+s17], $0x800, s18, s17, $0x38;
	[tilespmem:$0x6C00] =	vst v63  }
0x41: {  	_ =	swait.ge [sflag:s3], $0x800  }
0x42: {  	[sflag:s3] =	ssyncset.done $0x0  }
0x43: {  	s6 =	rddreg [dreg:$0x8];
	[sflag:s3] =	ssyncadd.s32 $0xFFFFF800  }
0x44: {  	[tilespmem:s20], [sflag:$0x1] =	stream.strided.gather [hbm4b:s6+s17], $0x800, s18, s17, $0x38;
	[tilespmem:$0x6C00] =	vst v63  }
0x45: {  	_ =	swait.ge [sflag:s3], $0x800  }
0x46: {  	[sflag:s3] =	ssyncset.done $0x0  }
0x47: {  	s7 =	rddreg [dreg:$0x9];
	[sflag:s3] =	ssyncadd.s32 $0xFFFFF800  }
0x48: {  	[tilespmem:s21], [sflag:$0x1] =	stream.linear.gather [hbm4b:s7+s2], $0x800, $0x38;
	[tilespmem:$0x6C00] =	vst v63  }
0x49: {  	_ =	swait.ge [sflag:s3], $0x800  }
0x4a: {  	[sflag:s3] =	ssyncset.done $0x0  }
0x4b: {  	[sflag:s3] =	ssyncadd.s32 $0xFFFFF800  }
0x4c: {  	[tilespmem:s22], [sflag:$0x1] =	stream.linear.gather [hbm4b:s8+s2], $0x80, $0x38;
	[tilespmem:$0x6C00] =	vst v63  }
0x4d: {  	_ =	swait.ge [sflag:s3], $0x80  }
0x4e: {  	[sflag:s3] =	ssyncset.done $0x0  }
0x4f: {  	[sflag:s3] =	ssyncadd.s32 $0xFFFFFF80  }
0x50: {  	v4 =	vld [tilespmem:$0x2180];
	_ =	sdelay $0x7  }
0x51: {  	v5 =	vld.idx.msk [tilespmem:v4+s2+$0x0], $0xffff;
	_ =	sdelay $0x4  }
0x52: {  	[tilespmem:$0x2000] =	vst v5  }
0x53: {  	v5 =	vld.idx.msk [tilespmem:v4+s19+$0x0], $0xffff;
	_ =	sdelay $0x4  }
0x54: {  	[tilespmem:$0x2080] =	vst v5  }
0x55: {  	v5 =	vld.idx.msk [tilespmem:v4+s20+$0x0], $0xffff;
	_ =	sdelay $0x3  }
0x56: {  	v6 =	vld [tilespmem:$0x2190]  }
0x57: {  	[tilespmem:$0x2100] =	vst v5  }
0x58: {  	v4 =	vld.idx.msk [tilespmem:v4+s21+$0x0], $0xffff;
	_ =	sdelay $0x4  }
0x59: {  	[tilespmem:$0x6B80] =	vst v4  }
0x5a: {  	v4 =	vld.idx.msk [tilespmem:v6+s2+$0x0], $0xffff;
	_ =	sdelay $0x4  }
0x5b: {  	[tilespmem:$0x2010] =	vst v4  }
0x5c: {  	v4 =	vld.idx.msk [tilespmem:v6+s19+$0x0], $0xffff;
	_ =	sdelay $0x4  }
0x5d: {  	[tilespmem:$0x2090] =	vst v4  }
0x5e: {  	v4 =	vld.idx.msk [tilespmem:v6+s20+$0x0], $0xffff;
	_ =	sdelay $0x3  }
0x5f: {  	v5 =	vld [tilespmem:$0x21A0]  }
0x60: {  	[tilespmem:$0x2110] =	vst v4  }
0x61: {  	v4 =	vld.idx.msk [tilespmem:v6+s21+$0x0], $0xffff;
	_ =	sdelay $0x4  }
0x62: {  	[tilespmem:$0x6B90] =	vst v4  }
0x63: {  	v4 =	vld.idx.msk [tilespmem:v5+s2+$0x0], $0xffff;
	_ =	sdelay $0x4  }
0x64: {  	[tilespmem:$0x2020] =	vst v4  }
0x65: {  	v4 =	vld.idx.msk [tilespmem:v5+s19+$0x0], $0xffff;
	_ =	sdelay $0x4  }
0x66: {  	[tilespmem:$0x20A0] =	vst v4  }
0x67: {  	v4 =	vld.idx.msk [tilespmem:v5+s20+$0x0], $0xffff;
	_ =	sdelay $0x3  }
0x68: {  	v61 =	vld [tilespmem:$0x21B0]  }
0x69: {  	[tilespmem:$0x2120] =	vst v4  }
0x6a: {  	v4 =	vld.idx.msk [tilespmem:v5+s21+$0x0], $0xffff;
	_ =	sdelay $0x4  }
0x6b: {  	[tilespmem:$0x6BA0] =	vst v4  }
0x6c: {  	v4 =	vld.idx.msk [tilespmem:v61+s2+$0x0], $0xffff;
	_ =	sdelay $0x4  }
0x6d: {  	[tilespmem:$0x2030] =	vst v4  }
0x6e: {  	v4 =	vld.idx.msk [tilespmem:v61+s19+$0x0], $0xffff;
	_ =	sdelay $0x4  }
0x6f: {  	[tilespmem:$0x20B0] =	vst v4  }
0x70: {  	v4 =	vld.idx.msk [tilespmem:v61+s20+$0x0], $0xffff;
	_ =	sdelay $0x3  }
0x71: {  	v5 =	vld [tilespmem:$0x21C0]  }
0x72: {  	[tilespmem:$0x2130] =	vst v4  }
0x73: {  	v4 =	vld.idx.msk [tilespmem:v61+s21+$0x0], $0xffff;
	_ =	sdelay $0x4  }
0x74: {  	[tilespmem:$0x6BB0] =	vst v4  }
0x75: {  	v4 =	vld.idx.msk [tilespmem:v5+s2+$0x0], $0xffff;
	_ =	sdelay $0x4  }
0x76: {  	[tilespmem:$0x2040] =	vst v4  }
0x77: {  	v4 =	vld.idx.msk [tilespmem:v5+s19+$0x0], $0xffff;
	_ =	sdelay $0x4  }
0x78: {  	[tilespmem:$0x20C0] =	vst v4  }
0x79: {  	v4 =	vld.idx.msk [tilespmem:v5+s20+$0x0], $0xffff;
	_ =	sdelay $0x3  }
0x7a: {  	v62 =	vld [tilespmem:$0x21D0]  }
0x7b: {  	[tilespmem:$0x2140] =	vst v4  }
0x7c: {  	v4 =	vld.idx.msk [tilespmem:v5+s21+$0x0], $0xffff;
	_ =	sdelay $0x4  }
0x7d: {  	[tilespmem:$0x6BC0] =	vst v4  }
0x7e: {  	v4 =	vld.idx.msk [tilespmem:v62+s2+$0x0], $0xffff;
	_ =	sdelay $0x4  }
0x7f: {  	[tilespmem:$0x2050] =	vst v4  }
0x80: {  	v4 =	vld.idx.msk [tilespmem:v62+s19+$0x0], $0xffff;
	_ =	sdelay $0x4  }
0x81: {  	[tilespmem:$0x20D0] =	vst v4  }
0x82: {  	v4 =	vld.idx.msk [tilespmem:v62+s20+$0x0], $0xffff;
	_ =	sdelay $0x3  }
0x83: {  	v5 =	vld [tilespmem:$0x21E0]  }
0x84: {  	[tilespmem:$0x2150] =	vst v4  }
0x85: {  	v4 =	vld.idx.msk [tilespmem:v62+s21+$0x0], $0xffff;
	_ =	sdelay $0x4  }
0x86: {  	[tilespmem:$0x6BD0] =	vst v4  }
0x87: {  	v4 =	vld.idx.msk [tilespmem:v5+s2+$0x0], $0xffff;
	_ =	sdelay $0x4  }
0x88: {  	[tilespmem:$0x2060] =	vst v4  }
0x89: {  	v4 =	vld.idx.msk [tilespmem:v5+s19+$0x0], $0xffff;
	_ =	sdelay $0x4  }
0x8a: {  	[tilespmem:$0x20E0] =	vst v4  }
0x8b: {  	v4 =	vld.idx.msk [tilespmem:v5+s20+$0x0], $0xffff;
	_ =	sdelay $0x3  }
0x8c: {  	v63 =	vld [tilespmem:$0x21F0]  }
0x8d: {  	[tilespmem:$0x2160] =	vst v4  }
0x8e: {  	v4 =	vld.idx.msk [tilespmem:v5+s21+$0x0], $0xffff;
	_ =	sdelay $0x4  }
0x8f: {  	[tilespmem:$0x6BE0] =	vst v4  }
0x90: {  	v4 =	vld.idx.msk [tilespmem:v63+s2+$0x0], $0xffff;
	_ =	sdelay $0x4  }
0x91: {  	[tilespmem:$0x2070] =	vst v4  }
0x92: {  	v4 =	vld.idx.msk [tilespmem:v63+s19+$0x0], $0xffff;
	_ =	sdelay $0x4  }
0x93: {  	[tilespmem:$0x20F0] =	vst v4  }
0x94: {  	v4 =	vld.idx.msk [tilespmem:v63+s20+$0x0], $0xffff;
	_ =	sdelay $0x4  }
0x95: {  	[tilespmem:$0x2170] =	vst v4  }
0x96: {  	v4 =	vld.idx.msk [tilespmem:v63+s21+$0x0], $0xffff  }
.Ltmp2:
0x97: {  	_ = 	snop;
	(pc) =	sbr.rel .LBB2_2-.Ltmp2, $2  }
0x98: {  	_ =	sdelay $0x2  }
0x99: {  	s31 =	simm.s32 $0x0;
	[tilespmem:$0x6BF0] =	vst v4  }
.LBB2_8:
0x9a: {  	v8 =	vld [tilespmem:$0x2200];
	_ =	sdelay $0x4  }
0x9b: {  	vm0 =	vle.f32 v8, v7  }
0x9c: {  	v8 =	vsel vm0, $0x1, v2  }
0x9d: {  	(xrf0) =	vadd.scan.msk.s32 $0xffff, v8;
	_ =	sdelay $0x5  }
0x9e: {  	v9, _, _ =	vpop (xrf0)  }
0x9f: {  	v10 =	vld [tilespmem:$0x2A80];
	v8 =	vsub.s32 v9, v8;
	_ =	sdelay $0x4  }
0xa0: {  	[tilespmem:v8+s29+$0x0] =	vst.idx.msk vm0, v10  }
0xa1: {  	v8 =	vld [tilespmem:$0x2210];
	_ =	sdelay $0x4  }
0xa2: {  	vm1 =	vle.f32 v8, v7  }
0xa3: {  	v8 =	vsel vm1, $0x1, v2  }
0xa4: {  	(xrf0) =	vadd.scan.msk.s32 $0xffff, v8;
	_ =	sdelay $0x3  }
0xa5: {  	v41 =	vmpcnt.ones.xlane vm0  }
0xa6: {  	v42 =	vsel vm1, $0xFFFFFFFF, v2  }
0xa7: {  	v9 =	vadd.s32 v42, v41;
	v43, _, _ =	vpop (xrf0)  }
0xa8: {  	v11 =	vld [tilespmem:$0x2A90];
	v9 =	vadd.s32 v43, v9;
	_ =	sdelay $0x4  }
0xa9: {  	[tilespmem:v9+s29+$0x0] =	vst.idx.msk vm1, v11  }
0xaa: {  	v9 =	vld [tilespmem:$0x2220];
	_ =	sdelay $0x4  }
0xab: {  	vm10 =	vle.f32 v9, v7  }
0xac: {  	v9 =	vsel vm10, $0x1, v2  }
0xad: {  	(xrf0) =	vadd.scan.msk.s32 $0xffff, v9;
	_ =	sdelay $0x2  }
0xae: {  	v44 =	vmpcnt.ones.xlane vm1;
	_ =	sdelay $0x1  }
0xaf: {  	v8 =	vadd.s32 v41, v44;
	v45 =	vsel vm10, $0xFFFFFFFF, v2  }
0xb0: {  	v9 =	vadd.s32 v45, v8;
	v46, _, _ =	vpop (xrf0)  }
0xb1: {  	v11 =	vld [tilespmem:$0x2AA0];
	v9 =	vadd.s32 v46, v9;
	_ =	sdelay $0x4  }
0xb2: {  	[tilespmem:v9+s29+$0x0] =	vst.idx.msk vm10, v11  }
0xb3: {  	v9 =	vld [tilespmem:$0x2230];
	_ =	sdelay $0x4  }
0xb4: {  	vm11 =	vle.f32 v9, v7  }
0xb5: {  	v9 =	vsel vm11, $0x1, v2  }
0xb6: {  	(xrf0) =	vadd.scan.msk.s32 $0xffff, v9;
	_ =	sdelay $0x2  }
0xb7: {  	v47 =	vmpcnt.ones.xlane vm10;
	_ =	sdelay $0x1  }
0xb8: {  	v8 =	vadd.s32 v8, v47;
	v48 =	vsel vm11, $0xFFFFFFFF, v2  }
0xb9: {  	v9 =	vadd.s32 v48, v8;
	v49, _, _ =	vpop (xrf0)  }
0xba: {  	v11 =	vld [tilespmem:$0x2AB0];
	v9 =	vadd.s32 v49, v9;
	_ =	sdelay $0x4  }
0xbb: {  	[tilespmem:v9+s29+$0x0] =	vst.idx.msk vm11, v11  }
0xbc: {  	v9 =	vld [tilespmem:$0x2240];
	_ =	sdelay $0x4  }
0xbd: {  	vm12 =	vle.f32 v9, v7  }
0xbe: {  	v9 =	vsel vm12, $0x1, v2  }
0xbf: {  	(xrf0) =	vadd.scan.msk.s32 $0xffff, v9;
	_ =	sdelay $0x2  }
0xc0: {  	v50 =	vmpcnt.ones.xlane vm11;
	_ =	sdelay $0x1  }
0xc1: {  	v8 =	vadd.s32 v8, v50;
	v51 =	vsel vm12, $0xFFFFFFFF, v2  }
0xc2: {  	v9 =	vadd.s32 v51, v8;
	v52, _, _ =	vpop (xrf0)  }
0xc3: {  	v11 =	vld [tilespmem:$0x2AC0];
	v9 =	vadd.s32 v52, v9;
	_ =	sdelay $0x4  }
0xc4: {  	[tilespmem:v9+s29+$0x0] =	vst.idx.msk vm12, v11  }
0xc5: {  	v9 =	vld [tilespmem:$0x2250];
	_ =	sdelay $0x4  }
0xc6: {  	vm13 =	vle.f32 v9, v7  }
0xc7: {  	v9 =	vsel vm13, $0x1, v2  }
0xc8: {  	(xrf0) =	vadd.scan.msk.s32 $0xffff, v9;
	_ =	sdelay $0x2  }
0xc9: {  	v53 =	vmpcnt.ones.xlane vm12;
	_ =	sdelay $0x1  }
0xca: {  	v8 =	vadd.s32 v8, v53;
	v54 =	vsel vm13, $0xFFFFFFFF, v2  }
0xcb: {  	v9 =	vadd.s32 v54, v8;
	v55, _, _ =	vpop (xrf0)  }
0xcc: {  	v11 =	vld [tilespmem:$0x2AD0];
	v9 =	vadd.s32 v55, v9;
	_ =	sdelay $0x4  }
0xcd: {  	[tilespmem:v9+s29+$0x0] =	vst.idx.msk vm13, v11  }
0xce: {  	v9 =	vld [tilespmem:$0x2260];
	_ =	sdelay $0x4  }
0xcf: {  	vm14 =	vle.f32 v9, v7  }
0xd0: {  	v9 =	vsel vm14, $0x1, v2  }
0xd1: {  	(xrf0) =	vadd.scan.msk.s32 $0xffff, v9;
	_ =	sdelay $0x2  }
0xd2: {  	v56 =	vmpcnt.ones.xlane vm13;
	_ =	sdelay $0x1  }
0xd3: {  	v8 =	vadd.s32 v8, v56;
	v57 =	vsel vm14, $0xFFFFFFFF, v2  }
0xd4: {  	v9 =	vadd.s32 v57, v8;
	v58, _, _ =	vpop (xrf0)  }
0xd5: {  	v11 =	vld [tilespmem:$0x2AE0];
	v9 =	vadd.s32 v58, v9;
	_ =	sdelay $0x4  }
0xd6: {  	[tilespmem:v9+s29+$0x0] =	vst.idx.msk vm14, v11  }
0xd7: {  	v9 =	vld [tilespmem:$0x2270];
	_ =	sdelay $0x4  }
0xd8: {  	vm15 =	vle.f32 v9, v7  }
0xd9: {  	v7 =	vsel vm15, $0x1, v2  }
0xda: {  	(xrf0) =	vadd.scan.msk.s32 $0xffff, v7;
	_ =	sdelay $0x2  }
0xdb: {  	v59 =	vmpcnt.ones.xlane vm14;
	_ =	sdelay $0x1  }
0xdc: {  	v60 =	vsel vm15, $0xFFFFFFFF, v2;
	v7 =	vadd.s32 v8, v59  }
0xdd: {  	v7 =	vadd.s32 v60, v7;
	v61, _, _ =	vpop (xrf0)  }
0xde: {  	v62 =	vld [tilespmem:$0x2AF0];
	v7 =	vadd.s32 v61, v7;
	_ =	sdelay $0x4  }
0xdf: {  	[tilespmem:v7+s29+$0x0] =	vst.idx.msk vm15, v62  }
0xe0: {  	v7 =	vld [tilespmem:$0x3300];
	_ =	sdelay $0x7  }
0xe1: {  	v8 =	vld.idx.msk [tilespmem:v7+s2+$0x0], $0xffff;
	_ =	sdelay $0x4  }
0xe2: {  	v8 =	vsub.f32 v8, v6;
	_ =	sdelay $0x1  }
0xe3: {  	v8 =	vmul.f32 v8, v0  }
0xe4: {  	s0 =	sshll.u32 s31, $0x5  }
0xe5: {  	[tilespmem:s0+$0x3B80] =	vst v8  }
0xe6: {  	v8 =	vld.idx.msk [tilespmem:v7+s19+$0x0], $0xffff;
	_ =	sdelay $0x4  }
0xe7: {  	v8 =	vsub.f32 v8, v5;
	_ =	sdelay $0x1  }
0xe8: {  	v8 =	vmul.f32 v8, v0;
	_ =	sdelay $0x1  }
0xe9: {  	[tilespmem:s0+$0x4B80] =	vst v8  }
0xea: {  	v7 =	vld.idx.msk [tilespmem:v7+s20+$0x0], $0xffff;
	_ =	sdelay $0x4  }
0xeb: {  	v7 =	vsub.f32 v7, v4;
	_ =	sdelay $0x1  }
0xec: {  	v7 =	vmul.f32 v7, v0;
	_ =	sdelay $0x1  }
0xed: {  	[tilespmem:s0+$0x5B80] =	vst v7  }
0xee: {  	v7 =	vld [tilespmem:$0x3310];
	_ =	sdelay $0x7  }
0xef: {  	v8 =	vld.idx.msk [tilespmem:v7+s2+$0x0], $0xffff;
	_ =	sdelay $0x4  }
0xf0: {  	v63 =	vsub.f32 v8, v6;
	_ =	sdelay $0x1  }
0xf1: {  	v6 =	vmul.f32 v63, v0;
	_ =	sdelay $0x1  }
0xf2: {  	[tilespmem:s0+$0x3B90] =	vst v6  }
0xf3: {  	v6 =	vld.idx.msk [tilespmem:v7+s19+$0x0], $0xffff;
	_ =	sdelay $0x4  }
0xf4: {  	v5 =	vsub.f32 v6, v5;
	_ =	sdelay $0x1  }
0xf5: {  	v5 =	vmul.f32 v5, v0;
	_ =	sdelay $0x1  }
0xf6: {  	[tilespmem:s0+$0x4B90] =	vst v5  }
0xf7: {  	v5 =	vld.idx.msk [tilespmem:v7+s20+$0x0], $0xffff;
	_ =	sdelay $0x2  }
0xf8: {  	s31 =	sadd.s32 $0x1, s31  }
0xf9: {  	p0 =	sne.s32 s31, $0x80  }
.Ltmp3:
0xfa: {  	v4 =	vsub.f32 v5, v4;
	(pc) =	sbr.rel @!p0 .LBB2_9-.Ltmp3, $3  }
0xfb: {  	_ = 	snop  }
0xfc: {  	v4 =	vmul.f32 v4, v0;
	_ =	sdelay $0x1  }
0xfd: {  	[tilespmem:s0+$0x5B90] =	vst v4  }
.LBB2_2:
0xfe: {  	v7 =	vmov s31;
	_ =	sdelay $0x4  }
0xff: {  	v6 =	vld.idx.msk [tilespmem:v7+s23+$0x0], $0xffff  }
0x100: {  	v5 =	vld.idx.msk [tilespmem:v7+s24+$0x0], $0xffff  }
0x101: {  	v4 =	vld.idx.msk [tilespmem:v7+s25+$0x0], $0xffff  }
0x102: {  	v7 =	vld.idx.msk [tilespmem:v7+s22+$0x0], $0xffff;
	[tilespmem:$0x2200] =	vst v1  }
0x103: {  	[tilespmem:$0x2210] =	vst v1  }
0x104: {  	[tilespmem:$0x2220] =	vst v1  }
0x105: {  	[tilespmem:$0x2230] =	vst v1  }
0x106: {  	[tilespmem:$0x2240] =	vst v1  }
0x107: {  	[tilespmem:$0x2250] =	vst v1  }
0x108: {  	[tilespmem:$0x2260] =	vst v1  }
0x109: {  	[tilespmem:$0x2270] =	vst v1  }
0x10a: {  	[tilespmem:$0x3300] =	vst v7  }
0x10b: {  	[tilespmem:$0x3310] =	vst v7  }
0x10c: {  	s0 =	simm.s32 $0x1020;
	[tilespmem:$0x3320] =	vst v7  }
0x10d: {  	v7 =	vld [tilespmem:s0+$0xFFFFFFE0]  }
0x10e: {  	v8 =	vld [tilespmem:s0+$0xFFFFFFF0]  }
0x10f: {  	v9 =	vld [tilespmem:s0+$0x0]  }
0x110: {  	s1 =	simm.s32 $0x20;
	v10 =	vld [tilespmem:s0+$0x10]  }
0x111: {  	s5 =	simm.s32 $0x820;
	v11 =	vld [tilespmem:s1+$0xFFFFFFE0]  }
0x112: {  	v12 =	vld [tilespmem:s5+$0xFFFFFFE0]  }
0x113: {  	v13 =	vld [tilespmem:s1+$0xFFFFFFF0]  }
0x114: {  	v14 =	vld [tilespmem:s5+$0xFFFFFFF0]  }
0x115: {  	v15 =	vld [tilespmem:s1+$0x0]  }
0x116: {  	v16 =	vld [tilespmem:s5+$0x0];
	v7 =	vsub.f32 v7, v4  }
0x117: {  	v17 =	vld [tilespmem:s1+$0x10];
	v8 =	vsub.f32 v8, v4;
	v9 =	vsub.f32 v9, v4  }
0x118: {  	v18 =	vld [tilespmem:s5+$0x10];
	v11 =	vsub.f32 v11, v6;
	v10 =	vsub.f32 v10, v4  }
0x119: {  	v12 =	vsub.f32 v12, v5;
	v13 =	vsub.f32 v13, v6  }
0x11a: {  	v14 =	vsub.f32 v14, v5;
	v15 =	vsub.f32 v15, v6  }
0x11b: {  	v16 =	vsub.f32 v16, v5;
	v7 =	vmul.f32 v7, v7;
	v11 =	vmul.f32 v11, v11  }
0x11c: {  	v17 =	vsub.f32 v17, v6;
	v12 =	vmul.f32 v12, v12;
	v13 =	vmul.f32 v13, v13  }
0x11d: {  	v18 =	vsub.f32 v18, v5;
	v14 =	vmul.f32 v14, v14;
	v8 =	vmul.f32 v8, v8  }
0x11e: {  	v11 =	vadd.f32 v12, v11;
	v12 =	vmul.f32 v15, v15;
	v15 =	vmul.f32 v16, v16  }
0x11f: {  	v13 =	vadd.f32 v14, v13;
	v14 =	vmul.f32 v17, v17;
	v16 =	vmul.f32 v18, v18  }
0x120: {  	s6 =	simm.s32 $0x1060;
	v9 =	vmul.f32 v9, v9;
	v17 =	vadd.f32 v7, v11;
	v7 =	vadd.f32 v15, v12  }
0x121: {  	s4 =	simm.s32 $0x860;
	v19 =	vld [tilespmem:s6+$0x10];
	s1 =	simm.s32 $0x0;
	v10 =	vmul.f32 v10, v10;
	v21 =	vadd.f32 v8, v13;
	v11 =	vadd.f32 v16, v14  }
0x122: {  	v27 =	vld [tilespmem:s4+$0x0];
	v28 =	vor.u32 s1, v3;
	v12 =	vimm.s32 $0x0;
	vm4 =	vle.f32 v17, $2.250000090e-02  }
0x123: {  	s0 =	simm.s32 $0x60;
	v31 =	vld [tilespmem:s4+$0x10];
	v8 =	vadd.f32 v9, v7;
	vm0 =	vle.f32 v21, $2.250000090e-02;
	v7 =	vadd.f32 v10, v11  }
0x124: {  	v23 =	vld [tilespmem:s0+$0xFFFFFFE0];
	v9 =	vmpcnt.ones.xlane vm4;
	v11 =	vsel vm4, $0x1, v2;
	v13 =	vmpcnt.ones.xlane vm0  }
0x125: {  	v25 =	vld [tilespmem:s0+$0xFFFFFFF0];
	v16 =	vsel vm0, $0x1, v2;
	vm1 =	vle.f32 v8, $2.250000090e-02;
	(xrf0) =	vadd.scan.msk.s32 $0xffff, v11;
	vm2 =	vle.f32 v7, $2.250000090e-02  }
0x126: {  	v30 =	vld [tilespmem:s0+$0x10];
	v9 =	vadd.s32 v12, v9;
	v11 =	vmpcnt.ones.xlane vm1;
	v20 =	vsel vm1, $0x1, v2;
	(xrf0) =	vadd.scan.msk.s32 $0xffff, v16  }
0x127: {  	v10 =	vld [tilespmem:s6+$0xFFFFFFE0];
	v18 =	vmpcnt.ones.xlane vm2;
	v22 =	vsel vm2, $0x1, v2;
	v13 =	vadd.s32 v9, v13;
	(xrf0) =	vadd.scan.msk.s32 $0xffff, v20  }
0x128: {  	v19 =	vsub.f32 v19, v4;
	v15 =	vld [tilespmem:s6+$0x0];
	v16 =	vadd.s32 v13, v11;
	(xrf0) =	vadd.scan.msk.s32 $0xffff, v22;
	v22 =	vsel vm1, $0xFFFFFFFF, v2  }
0x129: {  	v24 =	vsel vm0, $0xFFFFFFFF, v2;
	v20 =	vsel vm4, $0xFFFFFFFF, v2;
	v11 =	vadd.s32 v16, v18;
	v18 =	vld [tilespmem:s4+$0xFFFFFFE0]  }
0x12a: {  	v60 =	vsub.f32 v27, v5;
	v9 =	vadd.s32 v24, v9;
	v12 =	vadd.s32 v20, v12;
	v20 =	vld [tilespmem:s4+$0xFFFFFFF0]  }
0x12b: {  	v62 =	vsub.f32 v31, v5;
	v23 =	vsub.f32 v23, v6;
	v14 =	vld [tilespmem:s6+$0xFFFFFFF0];
	v13 =	vadd.s32 v22, v13;
	v22, _, _ =	vpop (xrf0)  }
0x12c: {  	v61 =	vsub.f32 v30, v6;
	v58 =	vsel vm2, $0xFFFFFFFF, v2;
	v26 =	vsub.f32 v10, v4;
	v10, _, _ =	vpop (xrf0)  }
0x12d: {  	v59 =	vld [tilespmem:s0+$0x0];
	v29 =	vsub.f32 v15, v4;
	v16 =	vadd.s32 v58, v16;
	v15 =	vadd.s32 v10, v9;
	v9, _, _ =	vpop (xrf0)  }
0x12e: {  	v22 =	vadd.s32 v22, v12;
	v12 =	vadd.s32 v9, v13;
	v9, _, _ =	vpop (xrf0);
	v13 =	vsub.f32 v18, v5  }
0x12f: {  	v18 =	vsub.f32 v25, v6;
	v10 =	vadd.s32 v9, v16;
	v9 =	vsub.f32 v20, v5  }
0x130: {  	v63 =	vmul.f32 v62, v62;
	v23 =	vmul.f32 v23, v23;
	v14 =	vsub.f32 v14, v4  }
0x131: {  	vm3 =	vmmov vm0;
	v18 =	vmul.f32 v18, v18;
	v9 =	vmul.f32 v9, v9  }
0x132: {  	v14 =	vmul.f32 v14, v14;
	v16 =	vsub.f32 v59, v6;
	v13 =	vmul.f32 v13, v13  }
0x133: {  	v20 =	vmul.f32 v26, v26;
	v9 =	vadd.f32 v9, v18;
	v18 =	vmul.f32 v61, v61  }
0x134: {  	v16 =	vmul.f32 v16, v16;
	v13 =	vadd.f32 v13, v23;
	v23 =	vmul.f32 v60, v60  }
0x135: {  	vm1 =	vmmov vm1;
	v9 =	vadd.f32 v14, v9;
	v14 =	vadd.f32 v63, v18  }
0x136: {  	s5 =	simm.s32 $0x10;
	v13 =	vadd.f32 v20, v13;
	v16 =	vadd.f32 v23, v16;
	v20 =	vmul.f32 v29, v29  }
0x137: {  	s7 =	simm.s32 $0x20;
	vm0 =	vmmov vm2;
	[tilespmem:v22+s26+$0x0] =	vst.idx.msk vm4, v17;
	v17 =	vor.u32 s5, v3;
	v23 =	vmul.f32 v19, v19  }
0x138: {  	[tilespmem:v22+s28+$0x0] =	vst.idx.msk vm4, v28;
	v19 =	vor.u32 s7, v3;
	vm2 =	vle.f32 v13, $2.250000090e-02;
	v18 =	vadd.f32 v20, v16  }
0x139: {  	s6 =	simm.s32 $0x10A0;
	s5 =	simm.s32 $0x4;
	[tilespmem:v15+s26+$0x0] =	vst.idx.msk vm3, v21;
	v20 =	vmpcnt.ones.xlane vm2;
	vm4 =	vle.f32 v9, $2.250000090e-02;
	v16 =	vadd.f32 v23, v14;
	v14 =	vmovc v11  }
.LBB2_3:
0x13a: {  	v21 =	vld [tilespmem:s6+$0xFFFFFFE0];
	s5 =	sadd.s32 $0x4, s5;
	v22 =	vsel vm2, $0x1, v2;
	v23 =	vmpcnt.ones.xlane vm4;
	vm6 =	vle.f32 v18, $2.250000090e-02;
	[tilespmem:v15+s28+$0x0] =	vst.idx.msk vm3, v17  }
0x13b: {  	v15 =	vld [tilespmem:s6+$0xFFFFFFF0];
	p0 =	slt.u32 s5, $0x7C;
	v17 =	vadd.s32 v11, v20;
	v11 =	vmpcnt.ones.xlane vm6;
	vm5 =	vle.f32 v16, $2.250000090e-02;
	(xrf0) =	vadd.scan.msk.s32 $0xffff, v22  }
0x13c: {  	v22 =	vsel vm4, $0x1, v2;
	v20 =	vld [tilespmem:s6+$0x0];
	v23 =	vadd.s32 v17, v23;
	v24 =	vmpcnt.ones.xlane vm5;
	[tilespmem:v12+s26+$0x0] =	vst.idx.msk vm1, v8;
	v8 =	vmovc v18  }
0x13d: {  	s0 =	sadd.s32 $0x40, s0;
	v25 =	vsel vm6, $0x1, v2;
	v27 =	vsel vm5, $0x1, v2;
	v18 =	vld [tilespmem:s6+$0x10];
	v26 =	vadd.s32 v23, v11;
	(xrf0) =	vadd.scan.msk.s32 $0xffff, v22  }
0x13e: {  	v28 =	vsel vm2, $0xFFFFFFFF, v2;
	v29 =	vsel vm4, $0xFFFFFFFF, v2;
	s4 =	sadd.s32 $0x40, s4;
	v22 =	vld [tilespmem:s0+$0xFFFFFFE0];
	v11 =	vadd.s32 v26, v24;
	(xrf0) =	vadd.scan.msk.s32 $0xffff, v25  }
0x13f: {  	v17 =	vadd.s32 v29, v17;
	v30 =	vsel vm5, $0xFFFFFFFF, v2;
	v25 =	vsel vm6, $0xFFFFFFFF, v2;
	v24 =	vld [tilespmem:s4+$0xFFFFFFE0];
	(xrf0) =	vadd.scan.msk.s32 $0xffff, v27  }
0x140: {  	v28 =	vadd.s32 v28, v14;
	v23 =	vadd.s32 v25, v23;
	v25 =	vadd.s32 v30, v26;
	v14 =	vmovc v11;
	v27 =	vld [tilespmem:s0+$0xFFFFFFF0]  }
0x141: {  	s7 =	sadd.s32 $0x30, s1;
	vm3 =	vmmov vm4;
	v26 =	vld [tilespmem:s4+$0xFFFFFFF0];
	v29, _, _ =	vpop (xrf0);
	[tilespmem:v12+s28+$0x0] =	vst.idx.msk vm1, v19;
	vm1 =	vmmov vm6  }
0x142: {  	s1 =	sadd.s32 $0x40, s1;
	v12 =	vor.u32 s7, v3;
	v19 =	vld [tilespmem:s0+$0x0];
	v28 =	vadd.s32 v29, v28;
	[tilespmem:v10+s26+$0x0] =	vst.idx.msk vm0, v7;
	v7 =	vmov v16  }
0x143: {  	v16 =	vsub.f32 v21, v4;
	v29 =	vor.u32 s1, v3;
	v21 =	vld [tilespmem:s4+$0x0];
	v30, _, _ =	vpop (xrf0);
	[tilespmem:v10+s28+$0x0] =	vst.idx.msk vm0, v12;
	vm0 =	vmmov vm5  }
0x144: {  	v31 =	vsub.f32 v15, v4;
	v20 =	vsub.f32 v20, v4;
	v32 =	vld [tilespmem:s0+$0x10];
	v15 =	vadd.s32 v30, v17;
	v10, _, _ =	vpop (xrf0)  }
0x145: {  	v18 =	vsub.f32 v18, v4;
	v22 =	vsub.f32 v22, v6;
	v30 =	vld [tilespmem:s4+$0x10];
	v12 =	vadd.s32 v10, v23;
	v10, _, _ =	vpop (xrf0)  }
0x146: {  	s7 =	sadd.s32 $0x10, s1;
	v23 =	vsub.f32 v24, v5;
	v24 =	vsub.f32 v27, v6;
	v10 =	vadd.s32 v10, v25  }
0x147: {  	v17 =	vor.u32 s7, v3;
	v25 =	vsub.f32 v26, v5;
	v19 =	vsub.f32 v19, v6;
	[tilespmem:v28+s26+$0x0] =	vst.idx.msk vm2, v13  }
0x148: {  	v13 =	vmul.f32 v16, v16;
	v16 =	vmul.f32 v31, v31;
	v21 =	vsub.f32 v21, v5  }
0x149: {  	v22 =	vmul.f32 v22, v22;
	v23 =	vmul.f32 v23, v23;
	v26 =	vsub.f32 v32, v6  }
0x14a: {  	v24 =	vmul.f32 v24, v24;
	v25 =	vmul.f32 v25, v25;
	v27 =	vsub.f32 v30, v5  }
0x14b: {  	v22 =	vadd.f32 v23, v22;
	v19 =	vmul.f32 v19, v19;
	v21 =	vmul.f32 v21, v21  }
.Ltmp4:
0x14c: {  	v23 =	vadd.f32 v25, v24;
	v24 =	vmul.f32 v26, v26;
	v25 =	vmul.f32 v27, v27;
	(pc) =	sbr.rel @p0 .LBB2_3-.Ltmp4, $4  }
0x14d: {  	v20 =	vmul.f32 v20, v20;
	v13 =	vadd.f32 v13, v22;
	v19 =	vadd.f32 v21, v19  }
0x14e: {  	s7 =	sadd.s32 $0x20, s1;
	v22 =	vmul.f32 v18, v18;
	v21 =	vadd.f32 v16, v23;
	v16 =	vadd.f32 v25, v24  }
0x14f: {  	v18 =	vadd.f32 v20, v19;
	v19 =	vor.u32 s7, v3;
	[tilespmem:v28+s28+$0x0] =	vst.idx.msk vm2, v29;
	vm2 =	vle.f32 v13, $2.250000090e-02  }
0x150: {  	s6 =	sadd.s32 $0x40, s6;
	vm4 =	vle.f32 v21, $2.250000090e-02;
	v20 =	vmpcnt.ones.xlane vm2;
	v16 =	vadd.f32 v22, v16;
	[tilespmem:v15+s26+$0x0] =	vst.idx.msk vm3, v9;
	v9 =	vmovc v21  }
0x151: {  	v21 =	vmpcnt.ones.xlane vm4;
	vm6 =	vle.f32 v18, $2.250000090e-02  }
0x152: {  	v11 =	vadd.s32 v11, v20;
	v48 =	vmpcnt.ones.xlane vm6;
	vm5 =	vle.f32 v16, $2.250000090e-02  }
0x153: {  	v21 =	vadd.s32 v11, v21;
	v23 =	vmpcnt.ones.xlane vm5  }
0x154: {  	v20 =	vadd.s32 v21, v48  }
0x155: {  	v23 =	vadd.s32 v20, v23  }
0x156: {  	(v2sf) =	vpush v23, $0x0  }
0x157: {  	v22 =	vsel vm2, $0x1, v2  }
0x158: {  	(xrf0) =	vadd.scan.msk.s32 $0xffff, v22  }
0x159: {  	v49 =	vsel vm4, $0x1, v2  }
0x15a: {  	(xrf0) =	vadd.scan.msk.s32 $0xffff, v49  }
0x15b: {  	v50 =	vsel vm6, $0x1, v2  }
0x15c: {  	(xrf0) =	vadd.scan.msk.s32 $0xffff, v50  }
0x15d: {  	v52 =	vsel vm2, $0xFFFFFFFF, v2;
	v51 =	vsel vm5, $0x1, v2  }
0x15e: {  	v14 =	vadd.s32 v52, v14;
	(xrf0) =	vadd.scan.msk.s32 $0xffff, v51;
	v53, _, _ =	vpop (xrf0)  }
0x15f: {  	[tilespmem:v15+s28+$0x0] =	vst.idx.msk vm3, v17;
	v54 =	vsel vm4, $0xFFFFFFFF, v2;
	v14 =	vadd.s32 v53, v14  }
0x160: {  	[tilespmem:v12+s26+$0x0] =	vst.idx.msk vm1, v8;
	v8 =	vadd.s32 v54, v11;
	v55, _, _ =	vpop (xrf0)  }
0x161: {  	s0 =	sadd.s32 $0x30, s1;
	[tilespmem:v10+s26+$0x0] =	vst.idx.msk vm0, v7;
	v56 =	vsel vm6, $0xFFFFFFFF, v2;
	v8 =	vadd.s32 v55, v8  }
0x162: {  	[tilespmem:v12+s28+$0x0] =	vst.idx.msk vm1, v19;
	v7 =	vor.u32 s0, v3;
	v57 =	vadd.s32 v56, v21;
	v58, _, _ =	vpop (xrf0)  }
0x163: {  	s5 =	sadd.s32 $0x40, s1;
	v59 =	vsel vm5, $0xFFFFFFFF, v2;
	[tilespmem:v10+s28+$0x0] =	vst.idx.msk vm0, v7;
	v7 =	vadd.s32 v58, v57  }
0x164: {  	v61 =	vor.u32 s5, v3;
	v60 =	vadd.s32 v59, v20;
	v62, _, _ =	vpop (xrf0);
	[tilespmem:v14+s26+$0x0] =	vst.idx.msk vm2, v13  }
0x165: {  	s1 =	sadd.s32 $0x10, s5;
	v10 =	vadd.s32 v62, v60;
	[tilespmem:v14+s28+$0x0] =	vst.idx.msk vm2, v61;
	s7 =	spop (v2sf)  }
0x166: {  	v63 =	vor.u32 s1, v3;
	[tilespmem:v8+s26+$0x0] =	vst.idx.msk vm4, v9;
	p0 =	slt.s32 s7, $0x21  }
.Ltmp5:
0x167: {  	s6 =	sadd.s32 $0x20, s5;
	[tilespmem:v8+s28+$0x0] =	vst.idx.msk vm4, v63;
	(pc) =	sbr.rel @p0 .LBB2_8-.Ltmp5, $4  }
0x168: {  	v8 =	vor.u32 s6, v3;
	[tilespmem:v7+s26+$0x0] =	vst.idx.msk vm6, v18  }
0x169: {  	s0 =	sadd.s32 $0x30, s5;
	[tilespmem:v7+s28+$0x0] =	vst.idx.msk vm6, v8  }
0x16a: {  	vm13 =	vmmov vm4;
	[tilespmem:v10+s26+$0x0] =	vst.idx.msk vm5, v16;
	v7 =	vor.u32 s0, v3  }
0x16b: {  	vm14 =	vmmov vm6;
	vm15 =	vmmov vm5;
	[tilespmem:v10+s28+$0x0] =	vst.idx.msk vm5, v7;
	v7 =	vimm.f32 $2.250000090e-02  }
0x16c: {  	v14 =	vld [tilespmem:$0x2200]  }
0x16d: {  	v15 =	vld [tilespmem:$0x2210]  }
0x16e: {  	v13 =	vld [tilespmem:$0x2220]  }
0x16f: {  	v12 =	vld [tilespmem:$0x2230]  }
0x170: {  	v11 =	vld [tilespmem:$0x2240]  }
0x171: {  	v9 =	vld [tilespmem:$0x2250]  }
0x172: {  	v16 =	vimm.f32 $0.0e+00;
	v7 =	vimm.f32 $2.250000090e-02;
	v10 =	vld [tilespmem:$0x2260]  }
0x173: {  	v8 =	vld [tilespmem:$0x2270];
	s0 =	simm.s32 $0x19;
	v17 =	vadd.f32 v7, v16  }
.LBB2_6:
0x174: {  	p0 =	sne.s32 s0, $0x1  }
0x175: {  	v17 =	vmul.f32 $5.000000000e-01, v17;
	_ =	sdelay $0x1  }
0x176: {  	vm0 =	vle.f32 v14, v17;
	vm1 =	vle.f32 v15, v17  }
0x177: {  	v18 =	vmpcnt.ones.xlane vm0;
	v19 =	vmpcnt.ones.xlane vm1;
	vm0 =	vle.f32 v13, v17  }
0x178: {  	v20 =	vmpcnt.ones.xlane vm0;
	vm0 =	vle.f32 v12, v17  }
0x179: {  	v18 =	vadd.s32 v18, v19;
	v19 =	vmpcnt.ones.xlane vm0;
	vm0 =	vle.f32 v11, v17  }
0x17a: {  	v18 =	vadd.s32 v20, v18;
	v20 =	vmpcnt.ones.xlane vm0;
	vm0 =	vle.f32 v9, v17  }
0x17b: {  	v18 =	vadd.s32 v19, v18;
	v19 =	vmpcnt.ones.xlane vm0;
	vm0 =	vle.f32 v10, v17  }
0x17c: {  	v18 =	vadd.s32 v20, v18;
	v20 =	vmpcnt.ones.xlane vm0;
	vm0 =	vle.f32 v8, v17  }
0x17d: {  	v18 =	vadd.s32 v19, v18;
	v19 =	vmpcnt.ones.xlane vm0  }
.Ltmp6:
0x17e: {  	v18 =	vadd.s32 v20, v18;
	(pc) =	sbr.rel @p0 .LBB2_6-.Ltmp6, $4  }
0x17f: {  	v18 =	vadd.s32 v19, v18  }
0x180: {  	vm0 =	vgt.s32 v18, $0x1F  }
0x181: {  	v16 =	vsel vm0, v16, v17;
	v7 =	vsel vm0, v17, v7  }
0x182: {  	s0 =	sadd.s32 $0xFFFFFFFF, s0;
	v17 =	vadd.f32 v7, v16  }
0x183: {  	_ = 	snop  }
0x184: {  	v16 =	vmul.f32 $5.000000000e-01, v17;
	_ =	sdelay $0x1  }
0x185: {  	vm0 =	vle.f32 v14, v16;
	vm1 =	vle.f32 v15, v16  }
0x186: {  	vm9 =	vle.f32 v13, v16;
	v14 =	vmpcnt.ones.xlane vm0;
	v15 =	vmpcnt.ones.xlane vm1  }
0x187: {  	vm10 =	vle.f32 v12, v16;
	v13 =	vmpcnt.ones.xlane vm9  }
0x188: {  	vm11 =	vle.f32 v11, v16;
	v58 =	vmpcnt.ones.xlane vm10;
	v57 =	vadd.s32 v14, v15  }
0x189: {  	vm12 =	vle.f32 v9, v16;
	v60 =	vmpcnt.ones.xlane vm11;
	v59 =	vadd.s32 v13, v57  }
0x18a: {  	vm13 =	vle.f32 v10, v16;
	v62 =	vmpcnt.ones.xlane vm12;
	v61 =	vadd.s32 v58, v59  }
0x18b: {  	vm14 =	vle.f32 v8, v16;
	v10 =	vmpcnt.ones.xlane vm13;
	v9 =	vadd.s32 v60, v61  }
.Ltmp7:
0x18c: {  	v63 =	vmpcnt.ones.xlane vm14;
	v8 =	vadd.s32 v62, v9;
	(pc) =	sbr.rel .LBB2_8-.Ltmp7, $4  }
0x18d: {  	v8 =	vadd.s32 v10, v8  }
0x18e: {  	v8 =	vadd.s32 v63, v8  }
0x18f: {  	vm15 =	vgt.s32 v8, $0x1F  }
0x190: {  	v7 =	vsel vm15, v16, v7  }
.LBB2_10:
0x191: {  	_ =	sfence.sel $0x180000  }
0x192: {  	[bflag:$0x0] =	sbarrier.arrive $0xFFFF  }
0x193: {  	_ =	strace $0x90000047  }
0x194: {  	s0 =	stileid.u32;
	[bflag:$0x2] =	sbarrier.arrive $0xFFFF  }
0x195: {  	p0 =	sne.s32 s0, $0x0;
	s0 =	rddreg [dreg:$0x5]  }
0x196: {  	s0 =	sadd.s32 @!p0 $0x100000, s0  }
0x197: {  	[sflag:s0] =	ssyncadd.tile.s32 @!p0 $0x1;
	_ =	shalt  }
.Lfunc_end2:
_tile_overlayer_lowered:
.L_overlay_start_2:
0x198: {  	(tag) =	ssettag $0x2  }
0x199: {  	s0 =	rddreg [dreg:$0x0];
	s2 =	stileid.u32  }
0x19a: {  	s1 =	rddreg [dreg:$0x1];
	p0 =	sne.s32 s2, $0x0  }
0x19b: {  	s3 =	rddreg [dreg:$0x2];
	[bflag:$0x3] =	sbarrier.arrive $0xFFFF;
	s2 =	simm.s32 @!p0 $0x1C01  }
0x19c: {  	[timem:s3], [sflag:s2] =	dma.local @!p0 [hbm:s0], s1  }
0x19d: {  	s0 =	simm.s32 @!p0 $0x1  }
0x19e: {  	_ =	swait.ge @!p0 [sflag:s0], s1  }
0x19f: {  	s1 =	ssub.s32 @!p0 $0x0, s1;
	[sflag:s0] =	ssyncset.done @!p0 $0x0  }
0x1a0: {  	[sflag:s0] =	ssyncadd.s32 @!p0 s1  }
0x1a1: {  	[bflag:$0x3] =	sbarrier.arrive $0xFFFF  }
0x1a2: {  	_ =	shalt  }

</sc_bundles>
